<compile_context>
chip_gen: v7x
topology: tpu7x:2x2x1
jax: 0.10.2.dev20260603
libtpu: 0.0.44.dev20260713+nightly
codegen_flags: <defaults>
</compile_context>

<pallas_src>
import functools

import jax
import jax.numpy as jnp
from jax import lax
from jax.experimental import pallas as pl
from jax.experimental.pallas import tpu as pltpu
from jax.experimental.pallas import tpu_sc as plsc

NUM_ITEMS_ = 1000000
BATCH = 16384
DIM = 32
LINE = 128
NUM_CORES = 2
NUM_SUBCORES = 16
NUM_WORKERS = NUM_CORES * NUM_SUBCORES
B_PER_W = BATCH // NUM_WORKERS
CHUNK = 128
N_CHUNKS = B_PER_W // CHUNK
LANES = 16


def _sc_body(theta_hbm, u_hbm, v_hbm, out_hbm,
             idx_u, idx_v, rows_u, rows_v, acc_v, sem):
    wid = lax.axis_index("s") * NUM_CORES + lax.axis_index("c")
    base = wid * B_PER_W

    pltpu.sync_copy(u_hbm.at[wid], idx_u)
    pltpu.sync_copy(v_hbm.at[wid], idx_v)

    def fire(c, buf):
        return [
            pltpu.async_copy(theta_hbm.at[idx_u.at[c]], rows_u.at[buf], sem),
            pltpu.async_copy(theta_hbm.at[idx_v.at[c]], rows_v.at[buf], sem),
        ]

    lane = lax.iota(jnp.int32, LANES)
    pending = fire(0, 0)
    for c in range(N_CHUNKS):
        nxt = fire(c + 1, (c + 1) % 2) if c + 1 < N_CHUNKS else []
        for cp in pending:
            cp.wait()
        pending = nxt
        bvec = jnp.full((LANES,), c % 2, jnp.int32)

        def grp(g, carry, c=c, bvec=bvec):
            rvec = g * LANES + lane
            d0 = jnp.zeros((LANES,), jnp.int32)
            acc = (plsc.load_gather(rows_u, [bvec, rvec, d0]) *
                   plsc.load_gather(rows_v, [bvec, rvec, d0]))
            for d in range(1, DIM):
                dv = jnp.full((LANES,), d, jnp.int32)
                acc = acc - (plsc.load_gather(rows_u, [bvec, rvec, dv]) *
                             plsc.load_gather(rows_v, [bvec, rvec, dv]))
            acc_v[pl.ds(c * CHUNK + g * LANES, LANES)] = acc
            return carry

        lax.fori_loop(0, CHUNK // LANES, grp, 0)

    pltpu.sync_copy(acc_v, out_hbm.at[pl.ds(base, B_PER_W)])


def _sc_lorentz(theta128, u3, v3):
    mesh = plsc.VectorSubcoreMesh(core_axis_name="c", subcore_axis_name="s")
    k = pl.kernel(
        _sc_body,
        out_type=jax.ShapeDtypeStruct((BATCH,), jnp.float32),
        mesh=mesh,
        compiler_params=pltpu.CompilerParams(
            needs_layout_passes=False, use_tc_tiling_on_sc=True),
        scratch_types=[
            pltpu.VMEM((N_CHUNKS, CHUNK), jnp.int32),
            pltpu.VMEM((N_CHUNKS, CHUNK), jnp.int32),
            pltpu.VMEM((2, CHUNK, LINE), jnp.float32),
            pltpu.VMEM((2, CHUNK, LINE), jnp.float32),
            pltpu.VMEM((B_PER_W,), jnp.float32),
            pltpu.SemaphoreType.DMA,
        ],
    )
    return k(theta128, u3, v3)


def _tc_body(negl_ref, r_ref, t_ref, o_ref):
    w = jnp.clip(negl_ref[...], 1.0 + 1e-6, 100.0)
    duv = jnp.log(w + jnp.sqrt((w - 1.0) * (w + 1.0)))
    o_ref[...] = 1.0 / (jnp.exp((duv - r_ref[0, 0]) / t_ref[0, 0]) + 1.0)


def _tc_tail(negl2d, r2d, t2d):
    return pl.pallas_call(
        _tc_body,
        out_shape=jax.ShapeDtypeStruct(negl2d.shape, jnp.float32),
        in_specs=[
            pl.BlockSpec(memory_space=pltpu.VMEM),
            pl.BlockSpec(memory_space=pltpu.SMEM),
            pl.BlockSpec(memory_space=pltpu.SMEM),
        ],
        out_specs=pl.BlockSpec(memory_space=pltpu.VMEM),
    )(negl2d, r2d, t2d)


def kernel(u, v, theta, r, t):
    u3 = u.astype(jnp.int32).reshape(NUM_WORKERS, N_CHUNKS, CHUNK)
    v3 = v.astype(jnp.int32).reshape(NUM_WORKERS, N_CHUNKS, CHUNK)
    theta128 = jnp.pad(theta, ((0, 0), (0, LINE - DIM)))
    negl = _sc_lorentz(theta128, u3, v3)
    r2d = jnp.asarray(r, jnp.float32).reshape(1, 1)
    t2d = jnp.asarray(t, jnp.float32).reshape(1, 1)
    out = _tc_tail(negl.reshape(128, 128), r2d, t2d)
    return out.reshape(BATCH, 1)

# --- scband reference (transcript-rebuilt; emitter-appended) ---
"""Pipeline reference for scband-lorentz-embedding-56349970923697 (READ-ONLY COPY).

The authoritative reference and input builder live on the scoring server;
editing this copy changes nothing except your own understanding.
"""

import jax, jax.numpy as jnp
import numpy as np

NUM_ITEMS = 1000000
LATENT_DIM = 32
BATCH = 16384


def setup_inputs(seed: int = 0) -> dict:
    key = jax.random.key(seed)
    k1, k2, k3 = jax.random.split(key, 3)
    u = jax.random.randint(k1, (BATCH,), 0, NUM_ITEMS, dtype=jnp.int64 if jax.config.read('jax_enable_x64') else jnp.int32)
    v = jax.random.randint(k2, (BATCH,), 0, NUM_ITEMS, dtype=jnp.int64 if jax.config.read('jax_enable_x64') else jnp.int32)
    # LorentzInitializer: small uniform spatial coords, time coord satisfies the hyperboloid constraint
    spatial = jax.random.uniform(k3, (NUM_ITEMS, LATENT_DIM - 1), minval=-0.1, maxval=0.1, dtype=jnp.float32)
    x0 = jnp.sqrt(1.0 + jnp.sum(spatial * spatial, axis=-1, keepdims=True))
    theta = jnp.concatenate([x0, spatial], axis=-1)
    r = jnp.float32(0.1)
    t = jnp.float32(0.1)
    return {"u": u, "v": v, "theta": theta, "r": r, "t": t}


def _lorentz_scalar_product(x, y):
    p = x * y
    s = -p[:, 0] + jnp.sum(p[:, 1:], axis=-1)
    return s[:, None]


def reference(u, v, theta, r, t):
    # embedding lookups (gather)
    ue = jnp.take(theta, u, axis=0)
    ve = jnp.take(theta, v, axis=0)
    # Lorentzian distance
    lsp = _lorentz_scalar_product(ue, ve)
    duv = jnp.arccosh(jnp.clip(-lsp, 1.0 + 1e-06, 100.0))
    # Fermi-Dirac decoder
    return 1.0 / (jnp.exp((duv - r) / t) + 1.0)

if __name__ == "__main__":
    import jax
    _d = setup_inputs()
    print(jax.jit(kernel)(*tuple(_d.values())))

</pallas_src>

<mosaic_0001>
#map = affine_map<(d0, d1) -> (0, 0)>
#map1 = affine_map<(d0, d1) -> (0, 0, 0)>
#map2 = affine_map<(d0, d1) -> (0)>
module attributes {stable_mosaic.version = 14 : i64} {
  func.func @_sc_body(%arg0: i32, %arg1: i32, %arg2: memref<1000000x128xf32, #tpu.memory_space<hbm>>, %arg3: memref<32x4x128xi32, #tpu.memory_space<hbm>>, %arg4: memref<32x4x128xi32, #tpu.memory_space<hbm>>, %arg5: memref<16384xf32, #tpu.memory_space<hbm>>, %arg6: memref<4x128xi32, #tpu.memory_space<vmem>>, %arg7: memref<4x128xi32, #tpu.memory_space<vmem>>, %arg8: memref<2x128x128xf32, #tpu.memory_space<vmem>>, %arg9: memref<2x128x128xf32, #tpu.memory_space<vmem>>, %arg10: memref<512xf32, #tpu.memory_space<vmem>>, %arg11: memref<!tpu.dma_semaphore, #tpu.memory_space<semaphore_mem>>) attributes {dimension_semantics = [#tpu.dimension_semantics<core_parallel>, #tpu.dimension_semantics<subcore_parallel>], iteration_bounds = array<i64: 2, 16>, scalar_prefetch = 0 : i64, scratch_operands = 6 : i64, tpu.core_type = #tpu.core_type<sc_vector_subcore>, window_params = [{transform_indices = #map}, {transform_indices = #map1}, {transform_indices = #map1}, {transform_indices = #map2}]} {
    %mul3A = arith.constant 2 : i32
    %mul3A_0 = arith.muli %arg1, %mul3A : i32
    %add3A = arith.addi %mul3A_0, %arg0 : i32
    %mul3A_1 = arith.constant 512 : i32
    %mul3A_2 = arith.muli %add3A, %mul3A_1 : i32
    "tpu.region"() ({
      %run_scoped3A = tpu.sem_alloc : memref<!tpu.dma_semaphore, #tpu.memory_space<semaphore_mem>>
      %dma_start3A_223 = arith.constant 0 : i32
      %dma_start3A_224 = arith.constant 0 : i32
      %dma_start3A_225 = tpu.memref_slice %arg3[%add3A, %dma_start3A_223, %dma_start3A_224] : memref<32x4x128xi32, #tpu.memory_space<hbm>> -> memref<1x4x128xi32, #tpu.memory_space<hbm>>
      %dma_start3A_226 = tpu.memref_squeeze %dma_start3A_225 : memref<1x4x128xi32, #tpu.memory_space<hbm>> -> memref<4x128xi32, #tpu.memory_space<hbm>>
      %dma_start3A_227 = arith.constant 0 : i32
      %dma_start3A_228 = arith.constant 0 : i32
      %dma_start3A_229 = tpu.memref_slice %arg3[%add3A, %dma_start3A_227, %dma_start3A_228] : memref<32x4x128xi32, #tpu.memory_space<hbm>> -> memref<1x4x128xi32, #tpu.memory_space<hbm>>
      %dma_start3A_230 = tpu.memref_squeeze %dma_start3A_229 : memref<1x4x128xi32, #tpu.memory_space<hbm>> -> memref<4x128xi32, #tpu.memory_space<hbm>>
      tpu.enqueue_dma source(%dma_start3A_230 : memref<4x128xi32, #tpu.memory_space<hbm>>) target(%arg6 : memref<4x128xi32, #tpu.memory_space<vmem>>) target_semaphore(%run_scoped3A : memref<!tpu.dma_semaphore, #tpu.memory_space<semaphore_mem>>)
      %dma_wait3A_231 = arith.constant 0 : i32
      %dma_wait3A_232 = arith.constant 0 : i32
      %dma_wait3A_233 = tpu.memref_slice %arg3[%add3A, %dma_wait3A_231, %dma_wait3A_232] : memref<32x4x128xi32, #tpu.memory_space<hbm>> -> memref<1x4x128xi32, #tpu.memory_space<hbm>>
      %dma_wait3A_234 = tpu.memref_squeeze %dma_wait3A_233 : memref<1x4x128xi32, #tpu.memory_space<hbm>> -> memref<4x128xi32, #tpu.memory_space<hbm>>
      %dma_wait3A_235 = arith.constant 0 : i32
      %dma_wait3A_236 = arith.constant 0 : i32
      %dma_wait3A_237 = tpu.memref_slice %arg3[%add3A, %dma_wait3A_235, %dma_wait3A_236] : memref<32x4x128xi32, #tpu.memory_space<hbm>> -> memref<1x4x128xi32, #tpu.memory_space<hbm>>
      %dma_wait3A_238 = tpu.memref_squeeze %dma_wait3A_237 : memref<1x4x128xi32, #tpu.memory_space<hbm>> -> memref<4x128xi32, #tpu.memory_space<hbm>>
      tpu.wait_dma2 semaphore(%run_scoped3A : memref<!tpu.dma_semaphore, #tpu.memory_space<semaphore_mem>>) src(%dma_wait3A_238 : memref<4x128xi32, #tpu.memory_space<hbm>>) dst(%arg6 : memref<4x128xi32, #tpu.memory_space<vmem>>)
      tpu.yield
    }) : () -> ()
    "tpu.region"() ({
      %run_scoped3A = tpu.sem_alloc : memref<!tpu.dma_semaphore, #tpu.memory_space<semaphore_mem>>
      %dma_start3A_223 = arith.constant 0 : i32
      %dma_start3A_224 = arith.constant 0 : i32
      %dma_start3A_225 = tpu.memref_slice %arg4[%add3A, %dma_start3A_223, %dma_start3A_224] : memref<32x4x128xi32, #tpu.memory_space<hbm>> -> memref<1x4x128xi32, #tpu.memory_space<hbm>>
      %dma_start3A_226 = tpu.memref_squeeze %dma_start3A_225 : memref<1x4x128xi32, #tpu.memory_space<hbm>> -> memref<4x128xi32, #tpu.memory_space<hbm>>
      %dma_start3A_227 = arith.constant 0 : i32
      %dma_start3A_228 = arith.constant 0 : i32
      %dma_start3A_229 = tpu.memref_slice %arg4[%add3A, %dma_start3A_227, %dma_start3A_228] : memref<32x4x128xi32, #tpu.memory_space<hbm>> -> memref<1x4x128xi32, #tpu.memory_space<hbm>>
      %dma_start3A_230 = tpu.memref_squeeze %dma_start3A_229 : memref<1x4x128xi32, #tpu.memory_space<hbm>> -> memref<4x128xi32, #tpu.memory_space<hbm>>
      tpu.enqueue_dma source(%dma_start3A_230 : memref<4x128xi32, #tpu.memory_space<hbm>>) target(%arg7 : memref<4x128xi32, #tpu.memory_space<vmem>>) target_semaphore(%run_scoped3A : memref<!tpu.dma_semaphore, #tpu.memory_space<semaphore_mem>>)
      %dma_wait3A_231 = arith.constant 0 : i32
      %dma_wait3A_232 = arith.constant 0 : i32
      %dma_wait3A_233 = tpu.memref_slice %arg4[%add3A, %dma_wait3A_231, %dma_wait3A_232] : memref<32x4x128xi32, #tpu.memory_space<hbm>> -> memref<1x4x128xi32, #tpu.memory_space<hbm>>
      %dma_wait3A_234 = tpu.memref_squeeze %dma_wait3A_233 : memref<1x4x128xi32, #tpu.memory_space<hbm>> -> memref<4x128xi32, #tpu.memory_space<hbm>>
      %dma_wait3A_235 = arith.constant 0 : i32
      %dma_wait3A_236 = arith.constant 0 : i32
      %dma_wait3A_237 = tpu.memref_slice %arg4[%add3A, %dma_wait3A_235, %dma_wait3A_236] : memref<32x4x128xi32, #tpu.memory_space<hbm>> -> memref<1x4x128xi32, #tpu.memory_space<hbm>>
      %dma_wait3A_238 = tpu.memref_squeeze %dma_wait3A_237 : memref<1x4x128xi32, #tpu.memory_space<hbm>> -> memref<4x128xi32, #tpu.memory_space<hbm>>
      tpu.wait_dma2 semaphore(%run_scoped3A : memref<!tpu.dma_semaphore, #tpu.memory_space<semaphore_mem>>) src(%dma_wait3A_238 : memref<4x128xi32, #tpu.memory_space<hbm>>) dst(%arg7 : memref<4x128xi32, #tpu.memory_space<vmem>>)
      tpu.yield
    }) : () -> ()
    %iota3A = tpu.iota {dimensions = array<i32: 0>} : vector<16xi32>
    %dma_start3A = arith.constant 0 : i32
    %dma_start3A_3 = arith.constant 0 : i32
    %dma_start3A_4 = arith.constant 0 : i32
    %dma_start3A_5 = arith.constant 0 : i32
    %dma_start3A_6 = tpu.memref_slice %arg8[%dma_start3A_3, %dma_start3A_4, %dma_start3A_5] : memref<2x128x128xf32, #tpu.memory_space<vmem>> -> memref<1x128x128xf32, #tpu.memory_space<vmem>>
    %dma_start3A_7 = tpu.memref_squeeze %dma_start3A_6 : memref<1x128x128xf32, #tpu.memory_space<vmem>> -> memref<128x128xf32, #tpu.memory_space<vmem>>
    %dma_start3A_8 = arith.constant 0 : i32
    %dma_start3A_9 = tpu.memref_slice %arg6[%dma_start3A, %dma_start3A_8] : memref<4x128xi32, #tpu.memory_space<vmem>> -> memref<1x128xi32, #tpu.memory_space<vmem>>
    %dma_start3A_10 = tpu.memref_squeeze %dma_start3A_9 : memref<1x128xi32, #tpu.memory_space<vmem>> -> memref<128xi32, #tpu.memory_space<vmem>>
    %dma_start3A_11 = arith.constant 0 : i32
    %dma_start3A_12 = arith.constant 0 : i32
    %dma_start3A_13 = tpu.memref_slice %arg2[%dma_start3A_11, %dma_start3A_12] : memref<1000000x128xf32, #tpu.memory_space<hbm>> -> memref<1000000x128xf32, #tpu.memory_space<hbm>>
    tpu.enqueue_indirect_dma source(%dma_start3A_13 : memref<1000000x128xf32, #tpu.memory_space<hbm>>) target(%dma_start3A_7 : memref<128x128xf32, #tpu.memory_space<vmem>>) offsets(%dma_start3A_10 : memref<128xi32, #tpu.memory_space<vmem>>) semaphore(%arg11 : memref<!tpu.dma_semaphore, #tpu.memory_space<semaphore_mem>>)
    %dma_start3A_14 = arith.constant 0 : i32
    %dma_start3A_15 = arith.constant 0 : i32
    %dma_start3A_16 = arith.constant 0 : i32
    %dma_start3A_17 = arith.constant 0 : i32
    %dma_start3A_18 = tpu.memref_slice %arg9[%dma_start3A_15, %dma_start3A_16, %dma_start3A_17] : memref<2x128x128xf32, #tpu.memory_space<vmem>> -> memref<1x128x128xf32, #tpu.memory_space<vmem>>
    %dma_start3A_19 = tpu.memref_squeeze %dma_start3A_18 : memref<1x128x128xf32, #tpu.memory_space<vmem>> -> memref<128x128xf32, #tpu.memory_space<vmem>>
    %dma_start3A_20 = arith.constant 0 : i32
    %dma_start3A_21 = tpu.memref_slice %arg7[%dma_start3A_14, %dma_start3A_20] : memref<4x128xi32, #tpu.memory_space<vmem>> -> memref<1x128xi32, #tpu.memory_space<vmem>>
    %dma_start3A_22 = tpu.memref_squeeze %dma_start3A_21 : memref<1x128xi32, #tpu.memory_space<vmem>> -> memref<128xi32, #tpu.memory_space<vmem>>
    %dma_start3A_23 = arith.constant 0 : i32
    %dma_start3A_24 = arith.constant 0 : i32
    %dma_start3A_25 = tpu.memref_slice %arg2[%dma_start3A_23, %dma_start3A_24] : memref<1000000x128xf32, #tpu.memory_space<hbm>> -> memref<1000000x128xf32, #tpu.memory_space<hbm>>
    tpu.enqueue_indirect_dma source(%dma_start3A_25 : memref<1000000x128xf32, #tpu.memory_space<hbm>>) target(%dma_start3A_19 : memref<128x128xf32, #tpu.memory_space<vmem>>) offsets(%dma_start3A_22 : memref<128xi32, #tpu.memory_space<vmem>>) semaphore(%arg11 : memref<!tpu.dma_semaphore, #tpu.memory_space<semaphore_mem>>)
    %dma_start3A_26 = arith.constant 1 : i32
    %dma_start3A_27 = arith.constant 1 : i32
    %dma_start3A_28 = arith.constant 0 : i32
    %dma_start3A_29 = arith.constant 0 : i32
    %dma_start3A_30 = tpu.memref_slice %arg8[%dma_start3A_27, %dma_start3A_28, %dma_start3A_29] : memref<2x128x128xf32, #tpu.memory_space<vmem>> -> memref<1x128x128xf32, #tpu.memory_space<vmem>>
    %dma_start3A_31 = tpu.memref_squeeze %dma_start3A_30 : memref<1x128x128xf32, #tpu.memory_space<vmem>> -> memref<128x128xf32, #tpu.memory_space<vmem>>
    %dma_start3A_32 = arith.constant 0 : i32
    %dma_start3A_33 = tpu.memref_slice %arg6[%dma_start3A_26, %dma_start3A_32] : memref<4x128xi32, #tpu.memory_space<vmem>> -> memref<1x128xi32, #tpu.memory_space<vmem>>
    %dma_start3A_34 = tpu.memref_squeeze %dma_start3A_33 : memref<1x128xi32, #tpu.memory_space<vmem>> -> memref<128xi32, #tpu.memory_space<vmem>>
    %dma_start3A_35 = arith.constant 0 : i32
    %dma_start3A_36 = arith.constant 0 : i32
    %dma_start3A_37 = tpu.memref_slice %arg2[%dma_start3A_35, %dma_start3A_36] : memref<1000000x128xf32, #tpu.memory_space<hbm>> -> memref<1000000x128xf32, #tpu.memory_space<hbm>>
    tpu.enqueue_indirect_dma source(%dma_start3A_37 : memref<1000000x128xf32, #tpu.memory_space<hbm>>) target(%dma_start3A_31 : memref<128x128xf32, #tpu.memory_space<vmem>>) offsets(%dma_start3A_34 : memref<128xi32, #tpu.memory_space<vmem>>) semaphore(%arg11 : memref<!tpu.dma_semaphore, #tpu.memory_space<semaphore_mem>>)
    %dma_start3A_38 = arith.constant 1 : i32
    %dma_start3A_39 = arith.constant 1 : i32
    %dma_start3A_40 = arith.constant 0 : i32
    %dma_start3A_41 = arith.constant 0 : i32
    %dma_start3A_42 = tpu.memref_slice %arg9[%dma_start3A_39, %dma_start3A_40, %dma_start3A_41] : memref<2x128x128xf32, #tpu.memory_space<vmem>> -> memref<1x128x128xf32, #tpu.memory_space<vmem>>
    %dma_start3A_43 = tpu.memref_squeeze %dma_start3A_42 : memref<1x128x128xf32, #tpu.memory_space<vmem>> -> memref<128x128xf32, #tpu.memory_space<vmem>>
    %dma_start3A_44 = arith.constant 0 : i32
    %dma_start3A_45 = tpu.memref_slice %arg7[%dma_start3A_38, %dma_start3A_44] : memref<4x128xi32, #tpu.memory_space<vmem>> -> memref<1x128xi32, #tpu.memory_space<vmem>>
    %dma_start3A_46 = tpu.memref_squeeze %dma_start3A_45 : memref<1x128xi32, #tpu.memory_space<vmem>> -> memref<128xi32, #tpu.memory_space<vmem>>
    %dma_start3A_47 = arith.constant 0 : i32
    %dma_start3A_48 = arith.constant 0 : i32
    %dma_start3A_49 = tpu.memref_slice %arg2[%dma_start3A_47, %dma_start3A_48] : memref<1000000x128xf32, #tpu.memory_space<hbm>> -> memref<1000000x128xf32, #tpu.memory_space<hbm>>
    tpu.enqueue_indirect_dma source(%dma_start3A_49 : memref<1000000x128xf32, #tpu.memory_space<hbm>>) target(%dma_start3A_43 : memref<128x128xf32, #tpu.memory_space<vmem>>) offsets(%dma_start3A_46 : memref<128xi32, #tpu.memory_space<vmem>>) semaphore(%arg11 : memref<!tpu.dma_semaphore, #tpu.memory_space<semaphore_mem>>)
    %dma_wait3A = arith.constant 0 : i32
    %dma_wait3A_50 = arith.constant 0 : i32
    %dma_wait3A_51 = arith.constant 0 : i32
    %dma_wait3A_52 = arith.constant 0 : i32
    %dma_wait3A_53 = tpu.memref_slice %arg8[%dma_wait3A_50, %dma_wait3A_51, %dma_wait3A_52] : memref<2x128x128xf32, #tpu.memory_space<vmem>> -> memref<1x128x128xf32, #tpu.memory_space<vmem>>
    %dma_wait3A_54 = tpu.memref_squeeze %dma_wait3A_53 : memref<1x128x128xf32, #tpu.memory_space<vmem>> -> memref<128x128xf32, #tpu.memory_space<vmem>>
    %dma_wait3A_55 = arith.constant 0 : i32
    %dma_wait3A_56 = tpu.memref_slice %arg6[%dma_wait3A, %dma_wait3A_55] : memref<4x128xi32, #tpu.memory_space<vmem>> -> memref<1x128xi32, #tpu.memory_space<vmem>>
    %dma_wait3A_57 = tpu.memref_squeeze %dma_wait3A_56 : memref<1x128xi32, #tpu.memory_space<vmem>> -> memref<128xi32, #tpu.memory_space<vmem>>
    %dma_wait3A_58 = arith.constant 0 : i32
    %dma_wait3A_59 = arith.constant 0 : i32
    %dma_wait3A_60 = tpu.memref_slice %arg2[%dma_wait3A_58, %dma_wait3A_59] : memref<1000000x128xf32, #tpu.memory_space<hbm>> -> memref<1000000x128xf32, #tpu.memory_space<hbm>>
    tpu.wait_indirect_dma semaphore(%arg11 : memref<!tpu.dma_semaphore, #tpu.memory_space<semaphore_mem>>) src(%dma_wait3A_60 : memref<1000000x128xf32, #tpu.memory_space<hbm>>) dst(%dma_wait3A_54 : memref<128x128xf32, #tpu.memory_space<vmem>>)
    %dma_wait3A_61 = arith.constant 0 : i32
    %dma_wait3A_62 = arith.constant 0 : i32
    %dma_wait3A_63 = arith.constant 0 : i32
    %dma_wait3A_64 = arith.constant 0 : i32
    %dma_wait3A_65 = tpu.memref_slice %arg9[%dma_wait3A_62, %dma_wait3A_63, %dma_wait3A_64] : memref<2x128x128xf32, #tpu.memory_space<vmem>> -> memref<1x128x128xf32, #tpu.memory_space<vmem>>
    %dma_wait3A_66 = tpu.memref_squeeze %dma_wait3A_65 : memref<1x128x128xf32, #tpu.memory_space<vmem>> -> memref<128x128xf32, #tpu.memory_space<vmem>>
    %dma_wait3A_67 = arith.constant 0 : i32
    %dma_wait3A_68 = tpu.memref_slice %arg7[%dma_wait3A_61, %dma_wait3A_67] : memref<4x128xi32, #tpu.memory_space<vmem>> -> memref<1x128xi32, #tpu.memory_space<vmem>>
    %dma_wait3A_69 = tpu.memref_squeeze %dma_wait3A_68 : memref<1x128xi32, #tpu.memory_space<vmem>> -> memref<128xi32, #tpu.memory_space<vmem>>
    %dma_wait3A_70 = arith.constant 0 : i32
    %dma_wait3A_71 = arith.constant 0 : i32
    %dma_wait3A_72 = tpu.memref_slice %arg2[%dma_wait3A_70, %dma_wait3A_71] : memref<1000000x128xf32, #tpu.memory_space<hbm>> -> memref<1000000x128xf32, #tpu.memory_space<hbm>>
    tpu.wait_indirect_dma semaphore(%arg11 : memref<!tpu.dma_semaphore, #tpu.memory_space<semaphore_mem>>) src(%dma_wait3A_72 : memref<1000000x128xf32, #tpu.memory_space<hbm>>) dst(%dma_wait3A_66 : memref<128x128xf32, #tpu.memory_space<vmem>>)
    %broadcast_in_dim3A = arith.constant 0 : i32
    %broadcast_in_dim3A_73 = vector.broadcast %broadcast_in_dim3A : i32 to vector<16xi32>
    %scan3A = arith.constant 0 : i32
    %scan3A_74 = arith.constant 0 : i32
    %scan3A_75 = arith.constant 8 : i32
    %scan3A_76 = arith.addi %scan3A_74, %scan3A_75 : i32
    %scan3A_77 = arith.constant 1 : i32
    scf.for %scan3A_223 = %scan3A_74 to %scan3A_76 step %scan3A_77  : i32 {
      %mul3A_224 = arith.constant 16 : i32
      %mul3A_225 = arith.muli %scan3A_223, %mul3A_224 : i32
      %add3A_226 = vector.broadcast %mul3A_225 : i32 to vector<16xi32>
      %add3A_227 = arith.addi %add3A_226, %iota3A : vector<16xi32>
      %broadcast_in_dim3A_228 = arith.constant 0 : i32
      %broadcast_in_dim3A_229 = vector.broadcast %broadcast_in_dim3A_228 : i32 to vector<16xi32>
      %gather3A = tpu.vector_load_idx %arg8[%broadcast_in_dim3A_73, %add3A_227, %broadcast_in_dim3A_229] : memref<2x128x128xf32, #tpu.memory_space<vmem>>[vector<16xi32>, vector<16xi32>, vector<16xi32>], vector<16xf32>,
      %gather3A_230 = tpu.vector_load_idx %arg9[%broadcast_in_dim3A_73, %add3A_227, %broadcast_in_dim3A_229] : memref<2x128x128xf32, #tpu.memory_space<vmem>>[vector<16xi32>, vector<16xi32>, vector<16xi32>], vector<16xf32>,
      %mul3A_231 = arith.mulf %gather3A, %gather3A_230 : vector<16xf32>
      %broadcast_in_dim3A_232 = arith.constant 1 : i32
      %broadcast_in_dim3A_233 = vector.broadcast %broadcast_in_dim3A_232 : i32 to vector<16xi32>
      %gather3A_234 = tpu.vector_load_idx %arg8[%broadcast_in_dim3A_73, %add3A_227, %broadcast_in_dim3A_233] : memref<2x128x128xf32, #tpu.memory_space<vmem>>[vector<16xi32>, vector<16xi32>, vector<16xi32>], vector<16xf32>,
      %gather3A_235 = tpu.vector_load_idx %arg9[%broadcast_in_dim3A_73, %add3A_227, %broadcast_in_dim3A_233] : memref<2x128x128xf32, #tpu.memory_space<vmem>>[vector<16xi32>, vector<16xi32>, vector<16xi32>], vector<16xf32>,
      %mul3A_236 = arith.mulf %gather3A_234, %gather3A_235 : vector<16xf32>
      %sub3A = arith.subf %mul3A_231, %mul3A_236 : vector<16xf32>
      %broadcast_in_dim3A_237 = arith.constant 2 : i32
      %broadcast_in_dim3A_238 = vector.broadcast %broadcast_in_dim3A_237 : i32 to vector<16xi32>
      %gather3A_239 = tpu.vector_load_idx %arg8[%broadcast_in_dim3A_73, %add3A_227, %broadcast_in_dim3A_238] : memref<2x128x128xf32, #tpu.memory_space<vmem>>[vector<16xi32>, vector<16xi32>, vector<16xi32>], vector<16xf32>,
      %gather3A_240 = tpu.vector_load_idx %arg9[%broadcast_in_dim3A_73, %add3A_227, %broadcast_in_dim3A_238] : memref<2x128x128xf32, #tpu.memory_space<vmem>>[vector<16xi32>, vector<16xi32>, vector<16xi32>], vector<16xf32>,
      %mul3A_241 = arith.mulf %gather3A_239, %gather3A_240 : vector<16xf32>
      %sub3A_242 = arith.subf %sub3A, %mul3A_241 : vector<16xf32>
      %broadcast_in_dim3A_243 = arith.constant 3 : i32
      %broadcast_in_dim3A_244 = vector.broadcast %broadcast_in_dim3A_243 : i32 to vector<16xi32>
      %gather3A_245 = tpu.vector_load_idx %arg8[%broadcast_in_dim3A_73, %add3A_227, %broadcast_in_dim3A_244] : memref<2x128x128xf32, #tpu.memory_space<vmem>>[vector<16xi32>, vector<16xi32>, vector<16xi32>], vector<16xf32>,
      %gather3A_246 = tpu.vector_load_idx %arg9[%broadcast_in_dim3A_73, %add3A_227, %broadcast_in_dim3A_244] : memref<2x128x128xf32, #tpu.memory_space<vmem>>[vector<16xi32>, vector<16xi32>, vector<16xi32>], vector<16xf32>,
      %mul3A_247 = arith.mulf %gather3A_245, %gather3A_246 : vector<16xf32>
      %sub3A_248 = arith.subf %sub3A_242, %mul3A_247 : vector<16xf32>
      %broadcast_in_dim3A_249 = arith.constant 4 : i32
      %broadcast_in_dim3A_250 = vector.broadcast %broadcast_in_dim3A_249 : i32 to vector<16xi32>
      %gather3A_251 = tpu.vector_load_idx %arg8[%broadcast_in_dim3A_73, %add3A_227, %broadcast_in_dim3A_250] : memref<2x128x128xf32, #tpu.memory_space<vmem>>[vector<16xi32>, vector<16xi32>, vector<16xi32>], vector<16xf32>,
      %gather3A_252 = tpu.vector_load_idx %arg9[%broadcast_in_dim3A_73, %add3A_227, %broadcast_in_dim3A_250] : memref<2x128x128xf32, #tpu.memory_space<vmem>>[vector<16xi32>, vector<16xi32>, vector<16xi32>], vector<16xf32>,
      %mul3A_253 = arith.mulf %gather3A_251, %gather3A_252 : vector<16xf32>
      %sub3A_254 = arith.subf %sub3A_248, %mul3A_253 : vector<16xf32>
      %broadcast_in_dim3A_255 = arith.constant 5 : i32
      %broadcast_in_dim3A_256 = vector.broadcast %broadcast_in_dim3A_255 : i32 to vector<16xi32>
      %gather3A_257 = tpu.vector_load_idx %arg8[%broadcast_in_dim3A_73, %add3A_227, %broadcast_in_dim3A_256] : memref<2x128x128xf32, #tpu.memory_space<vmem>>[vector<16xi32>, vector<16xi32>, vector<16xi32>], vector<16xf32>,
      %gather3A_258 = tpu.vector_load_idx %arg9[%broadcast_in_dim3A_73, %add3A_227, %broadcast_in_dim3A_256] : memref<2x128x128xf32, #tpu.memory_space<vmem>>[vector<16xi32>, vector<16xi32>, vector<16xi32>], vector<16xf32>,
      %mul3A_259 = arith.mulf %gather3A_257, %gather3A_258 : vector<16xf32>
      %sub3A_260 = arith.subf %sub3A_254, %mul3A_259 : vector<16xf32>
      %broadcast_in_dim3A_261 = arith.constant 6 : i32
      %broadcast_in_dim3A_262 = vector.broadcast %broadcast_in_dim3A_261 : i32 to vector<16xi32>
      %gather3A_263 = tpu.vector_load_idx %arg8[%broadcast_in_dim3A_73, %add3A_227, %broadcast_in_dim3A_262] : memref<2x128x128xf32, #tpu.memory_space<vmem>>[vector<16xi32>, vector<16xi32>, vector<16xi32>], vector<16xf32>,
      %gather3A_264 = tpu.vector_load_idx %arg9[%broadcast_in_dim3A_73, %add3A_227, %broadcast_in_dim3A_262] : memref<2x128x128xf32, #tpu.memory_space<vmem>>[vector<16xi32>, vector<16xi32>, vector<16xi32>], vector<16xf32>,
      %mul3A_265 = arith.mulf %gather3A_263, %gather3A_264 : vector<16xf32>
      %sub3A_266 = arith.subf %sub3A_260, %mul3A_265 : vector<16xf32>
      %broadcast_in_dim3A_267 = arith.constant 7 : i32
      %broadcast_in_dim3A_268 = vector.broadcast %broadcast_in_dim3A_267 : i32 to vector<16xi32>
      %gather3A_269 = tpu.vector_load_idx %arg8[%broadcast_in_dim3A_73, %add3A_227, %broadcast_in_dim3A_268] : memref<2x128x128xf32, #tpu.memory_space<vmem>>[vector<16xi32>, vector<16xi32>, vector<16xi32>], vector<16xf32>,
      %gather3A_270 = tpu.vector_load_idx %arg9[%broadcast_in_dim3A_73, %add3A_227, %broadcast_in_dim3A_268] : memref<2x128x128xf32, #tpu.memory_space<vmem>>[vector<16xi32>, vector<16xi32>, vector<16xi32>], vector<16xf32>,
      %mul3A_271 = arith.mulf %gather3A_269, %gather3A_270 : vector<16xf32>
      %sub3A_272 = arith.subf %sub3A_266, %mul3A_271 : vector<16xf32>
      %broadcast_in_dim3A_273 = arith.constant 8 : i32
      %broadcast_in_dim3A_274 = vector.broadcast %broadcast_in_dim3A_273 : i32 to vector<16xi32>
      %gather3A_275 = tpu.vector_load_idx %arg8[%broadcast_in_dim3A_73, %add3A_227, %broadcast_in_dim3A_274] : memref<2x128x128xf32, #tpu.memory_space<vmem>>[vector<16xi32>, vector<16xi32>, vector<16xi32>], vector<16xf32>,
      %gather3A_276 = tpu.vector_load_idx %arg9[%broadcast_in_dim3A_73, %add3A_227, %broadcast_in_dim3A_274] : memref<2x128x128xf32, #tpu.memory_space<vmem>>[vector<16xi32>, vector<16xi32>, vector<16xi32>], vector<16xf32>,
      %mul3A_277 = arith.mulf %gather3A_275, %gather3A_276 : vector<16xf32>
      %sub3A_278 = arith.subf %sub3A_272, %mul3A_277 : vector<16xf32>
      %broadcast_in_dim3A_279 = arith.constant 9 : i32
      %broadcast_in_dim3A_280 = vector.broadcast %broadcast_in_dim3A_279 : i32 to vector<16xi32>
      %gather3A_281 = tpu.vector_load_idx %arg8[%broadcast_in_dim3A_73, %add3A_227, %broadcast_in_dim3A_280] : memref<2x128x128xf32, #tpu.memory_space<vmem>>[vector<16xi32>, vector<16xi32>, vector<16xi32>], vector<16xf32>,
      %gather3A_282 = tpu.vector_load_idx %arg9[%broadcast_in_dim3A_73, %add3A_227, %broadcast_in_dim3A_280] : memref<2x128x128xf32, #tpu.memory_space<vmem>>[vector<16xi32>, vector<16xi32>, vector<16xi32>], vector<16xf32>,
      %mul3A_283 = arith.mulf %gather3A_281, %gather3A_282 : vector<16xf32>
      %sub3A_284 = arith.subf %sub3A_278, %mul3A_283 : vector<16xf32>
      %broadcast_in_dim3A_285 = arith.constant 10 : i32
      %broadcast_in_dim3A_286 = vector.broadcast %broadcast_in_dim3A_285 : i32 to vector<16xi32>
      %gather3A_287 = tpu.vector_load_idx %arg8[%broadcast_in_dim3A_73, %add3A_227, %broadcast_in_dim3A_286] : memref<2x128x128xf32, #tpu.memory_space<vmem>>[vector<16xi32>, vector<16xi32>, vector<16xi32>], vector<16xf32>,
      %gather3A_288 = tpu.vector_load_idx %arg9[%broadcast_in_dim3A_73, %add3A_227, %broadcast_in_dim3A_286] : memref<2x128x128xf32, #tpu.memory_space<vmem>>[vector<16xi32>, vector<16xi32>, vector<16xi32>], vector<16xf32>,
      %mul3A_289 = arith.mulf %gather3A_287, %gather3A_288 : vector<16xf32>
      %sub3A_290 = arith.subf %sub3A_284, %mul3A_289 : vector<16xf32>
      %broadcast_in_dim3A_291 = arith.constant 11 : i32
      %broadcast_in_dim3A_292 = vector.broadcast %broadcast_in_dim3A_291 : i32 to vector<16xi32>
      %gather3A_293 = tpu.vector_load_idx %arg8[%broadcast_in_dim3A_73, %add3A_227, %broadcast_in_dim3A_292] : memref<2x128x128xf32, #tpu.memory_space<vmem>>[vector<16xi32>, vector<16xi32>, vector<16xi32>], vector<16xf32>,
      %gather3A_294 = tpu.vector_load_idx %arg9[%broadcast_in_dim3A_73, %add3A_227, %broadcast_in_dim3A_292] : memref<2x128x128xf32, #tpu.memory_space<vmem>>[vector<16xi32>, vector<16xi32>, vector<16xi32>], vector<16xf32>,
      %mul3A_295 = arith.mulf %gather3A_293, %gather3A_294 : vector<16xf32>
      %sub3A_296 = arith.subf %sub3A_290, %mul3A_295 : vector<16xf32>
      %broadcast_in_dim3A_297 = arith.constant 12 : i32
      %broadcast_in_dim3A_298 = vector.broadcast %broadcast_in_dim3A_297 : i32 to vector<16xi32>
      %gather3A_299 = tpu.vector_load_idx %arg8[%broadcast_in_dim3A_73, %add3A_227, %broadcast_in_dim3A_298] : memref<2x128x128xf32, #tpu.memory_space<vmem>>[vector<16xi32>, vector<16xi32>, vector<16xi32>], vector<16xf32>,
      %gather3A_300 = tpu.vector_load_idx %arg9[%broadcast_in_dim3A_73, %add3A_227, %broadcast_in_dim3A_298] : memref<2x128x128xf32, #tpu.memory_space<vmem>>[vector<16xi32>, vector<16xi32>, vector<16xi32>], vector<16xf32>,
      %mul3A_301 = arith.mulf %gather3A_299, %gather3A_300 : vector<16xf32>
      %sub3A_302 = arith.subf %sub3A_296, %mul3A_301 : vector<16xf32>
      %broadcast_in_dim3A_303 = arith.constant 13 : i32
      %broadcast_in_dim3A_304 = vector.broadcast %broadcast_in_dim3A_303 : i32 to vector<16xi32>
      %gather3A_305 = tpu.vector_load_idx %arg8[%broadcast_in_dim3A_73, %add3A_227, %broadcast_in_dim3A_304] : memref<2x128x128xf32, #tpu.memory_space<vmem>>[vector<16xi32>, vector<16xi32>, vector<16xi32>], vector<16xf32>,
      %gather3A_306 = tpu.vector_load_idx %arg9[%broadcast_in_dim3A_73, %add3A_227, %broadcast_in_dim3A_304] : memref<2x128x128xf32, #tpu.memory_space<vmem>>[vector<16xi32>, vector<16xi32>, vector<16xi32>], vector<16xf32>,
      %mul3A_307 = arith.mulf %gather3A_305, %gather3A_306 : vector<16xf32>
      %sub3A_308 = arith.subf %sub3A_302, %mul3A_307 : vector<16xf32>
      %broadcast_in_dim3A_309 = arith.constant 14 : i32
      %broadcast_in_dim3A_310 = vector.broadcast %broadcast_in_dim3A_309 : i32 to vector<16xi32>
      %gather3A_311 = tpu.vector_load_idx %arg8[%broadcast_in_dim3A_73, %add3A_227, %broadcast_in_dim3A_310] : memref<2x128x128xf32, #tpu.memory_space<vmem>>[vector<16xi32>, vector<16xi32>, vector<16xi32>], vector<16xf32>,
      %gather3A_312 = tpu.vector_load_idx %arg9[%broadcast_in_dim3A_73, %add3A_227, %broadcast_in_dim3A_310] : memref<2x128x128xf32, #tpu.memory_space<vmem>>[vector<16xi32>, vector<16xi32>, vector<16xi32>], vector<16xf32>,
      %mul3A_313 = arith.mulf %gather3A_311, %gather3A_312 : vector<16xf32>
      %sub3A_314 = arith.subf %sub3A_308, %mul3A_313 : vector<16xf32>
      %broadcast_in_dim3A_315 = arith.constant 15 : i32
      %broadcast_in_dim3A_316 = vector.broadcast %broadcast_in_dim3A_315 : i32 to vector<16xi32>
      %gather3A_317 = tpu.vector_load_idx %arg8[%broadcast_in_dim3A_73, %add3A_227, %broadcast_in_dim3A_316] : memref<2x128x128xf32, #tpu.memory_space<vmem>>[vector<16xi32>, vector<16xi32>, vector<16xi32>], vector<16xf32>,
      %gather3A_318 = tpu.vector_load_idx %arg9[%broadcast_in_dim3A_73, %add3A_227, %broadcast_in_dim3A_316] : memref<2x128x128xf32, #tpu.memory_space<vmem>>[vector<16xi32>, vector<16xi32>, vector<16xi32>], vector<16xf32>,
      %mul3A_319 = arith.mulf %gather3A_317, %gather3A_318 : vector<16xf32>
      %sub3A_320 = arith.subf %sub3A_314, %mul3A_319 : vector<16xf32>
      %broadcast_in_dim3A_321 = arith.constant 16 : i32
      %broadcast_in_dim3A_322 = vector.broadcast %broadcast_in_dim3A_321 : i32 to vector<16xi32>
      %gather3A_323 = tpu.vector_load_idx %arg8[%broadcast_in_dim3A_73, %add3A_227, %broadcast_in_dim3A_322] : memref<2x128x128xf32, #tpu.memory_space<vmem>>[vector<16xi32>, vector<16xi32>, vector<16xi32>], vector<16xf32>,
      %gather3A_324 = tpu.vector_load_idx %arg9[%broadcast_in_dim3A_73, %add3A_227, %broadcast_in_dim3A_322] : memref<2x128x128xf32, #tpu.memory_space<vmem>>[vector<16xi32>, vector<16xi32>, vector<16xi32>], vector<16xf32>,
      %mul3A_325 = arith.mulf %gather3A_323, %gather3A_324 : vector<16xf32>
      %sub3A_326 = arith.subf %sub3A_320, %mul3A_325 : vector<16xf32>
      %broadcast_in_dim3A_327 = arith.constant 17 : i32
      %broadcast_in_dim3A_328 = vector.broadcast %broadcast_in_dim3A_327 : i32 to vector<16xi32>
      %gather3A_329 = tpu.vector_load_idx %arg8[%broadcast_in_dim3A_73, %add3A_227, %broadcast_in_dim3A_328] : memref<2x128x128xf32, #tpu.memory_space<vmem>>[vector<16xi32>, vector<16xi32>, vector<16xi32>], vector<16xf32>,
      %gather3A_330 = tpu.vector_load_idx %arg9[%broadcast_in_dim3A_73, %add3A_227, %broadcast_in_dim3A_328] : memref<2x128x128xf32, #tpu.memory_space<vmem>>[vector<16xi32>, vector<16xi32>, vector<16xi32>], vector<16xf32>,
      %mul3A_331 = arith.mulf %gather3A_329, %gather3A_330 : vector<16xf32>
      %sub3A_332 = arith.subf %sub3A_326, %mul3A_331 : vector<16xf32>
      %broadcast_in_dim3A_333 = arith.constant 18 : i32
      %broadcast_in_dim3A_334 = vector.broadcast %broadcast_in_dim3A_333 : i32 to vector<16xi32>
      %gather3A_335 = tpu.vector_load_idx %arg8[%broadcast_in_dim3A_73, %add3A_227, %broadcast_in_dim3A_334] : memref<2x128x128xf32, #tpu.memory_space<vmem>>[vector<16xi32>, vector<16xi32>, vector<16xi32>], vector<16xf32>,
      %gather3A_336 = tpu.vector_load_idx %arg9[%broadcast_in_dim3A_73, %add3A_227, %broadcast_in_dim3A_334] : memref<2x128x128xf32, #tpu.memory_space<vmem>>[vector<16xi32>, vector<16xi32>, vector<16xi32>], vector<16xf32>,
      %mul3A_337 = arith.mulf %gather3A_335, %gather3A_336 : vector<16xf32>
      %sub3A_338 = arith.subf %sub3A_332, %mul3A_337 : vector<16xf32>
      %broadcast_in_dim3A_339 = arith.constant 19 : i32
      %broadcast_in_dim3A_340 = vector.broadcast %broadcast_in_dim3A_339 : i32 to vector<16xi32>
      %gather3A_341 = tpu.vector_load_idx %arg8[%broadcast_in_dim3A_73, %add3A_227, %broadcast_in_dim3A_340] : memref<2x128x128xf32, #tpu.memory_space<vmem>>[vector<16xi32>, vector<16xi32>, vector<16xi32>], vector<16xf32>,
      %gather3A_342 = tpu.vector_load_idx %arg9[%broadcast_in_dim3A_73, %add3A_227, %broadcast_in_dim3A_340] : memref<2x128x128xf32, #tpu.memory_space<vmem>>[vector<16xi32>, vector<16xi32>, vector<16xi32>], vector<16xf32>,
      %mul3A_343 = arith.mulf %gather3A_341, %gather3A_342 : vector<16xf32>
      %sub3A_344 = arith.subf %sub3A_338, %mul3A_343 : vector<16xf32>
      %broadcast_in_dim3A_345 = arith.constant 20 : i32
      %broadcast_in_dim3A_346 = vector.broadcast %broadcast_in_dim3A_345 : i32 to vector<16xi32>
      %gather3A_347 = tpu.vector_load_idx %arg8[%broadcast_in_dim3A_73, %add3A_227, %broadcast_in_dim3A_346] : memref<2x128x128xf32, #tpu.memory_space<vmem>>[vector<16xi32>, vector<16xi32>, vector<16xi32>], vector<16xf32>,
      %gather3A_348 = tpu.vector_load_idx %arg9[%broadcast_in_dim3A_73, %add3A_227, %broadcast_in_dim3A_346] : memref<2x128x128xf32, #tpu.memory_space<vmem>>[vector<16xi32>, vector<16xi32>, vector<16xi32>], vector<16xf32>,
      %mul3A_349 = arith.mulf %gather3A_347, %gather3A_348 : vector<16xf32>
      %sub3A_350 = arith.subf %sub3A_344, %mul3A_349 : vector<16xf32>
      %broadcast_in_dim3A_351 = arith.constant 21 : i32
      %broadcast_in_dim3A_352 = vector.broadcast %broadcast_in_dim3A_351 : i32 to vector<16xi32>
      %gather3A_353 = tpu.vector_load_idx %arg8[%broadcast_in_dim3A_73, %add3A_227, %broadcast_in_dim3A_352] : memref<2x128x128xf32, #tpu.memory_space<vmem>>[vector<16xi32>, vector<16xi32>, vector<16xi32>], vector<16xf32>,
      %gather3A_354 = tpu.vector_load_idx %arg9[%broadcast_in_dim3A_73, %add3A_227, %broadcast_in_dim3A_352] : memref<2x128x128xf32, #tpu.memory_space<vmem>>[vector<16xi32>, vector<16xi32>, vector<16xi32>], vector<16xf32>,
      %mul3A_355 = arith.mulf %gather3A_353, %gather3A_354 : vector<16xf32>
      %sub3A_356 = arith.subf %sub3A_350, %mul3A_355 : vector<16xf32>
      %broadcast_in_dim3A_357 = arith.constant 22 : i32
      %broadcast_in_dim3A_358 = vector.broadcast %broadcast_in_dim3A_357 : i32 to vector<16xi32>
      %gather3A_359 = tpu.vector_load_idx %arg8[%broadcast_in_dim3A_73, %add3A_227, %broadcast_in_dim3A_358] : memref<2x128x128xf32, #tpu.memory_space<vmem>>[vector<16xi32>, vector<16xi32>, vector<16xi32>], vector<16xf32>,
      %gather3A_360 = tpu.vector_load_idx %arg9[%broadcast_in_dim3A_73, %add3A_227, %broadcast_in_dim3A_358] : memref<2x128x128xf32, #tpu.memory_space<vmem>>[vector<16xi32>, vector<16xi32>, vector<16xi32>], vector<16xf32>,
      %mul3A_361 = arith.mulf %gather3A_359, %gather3A_360 : vector<16xf32>
      %sub3A_362 = arith.subf %sub3A_356, %mul3A_361 : vector<16xf32>
      %broadcast_in_dim3A_363 = arith.constant 23 : i32
      %broadcast_in_dim3A_364 = vector.broadcast %broadcast_in_dim3A_363 : i32 to vector<16xi32>
      %gather3A_365 = tpu.vector_load_idx %arg8[%broadcast_in_dim3A_73, %add3A_227, %broadcast_in_dim3A_364] : memref<2x128x128xf32, #tpu.memory_space<vmem>>[vector<16xi32>, vector<16xi32>, vector<16xi32>], vector<16xf32>,
      %gather3A_366 = tpu.vector_load_idx %arg9[%broadcast_in_dim3A_73, %add3A_227, %broadcast_in_dim3A_364] : memref<2x128x128xf32, #tpu.memory_space<vmem>>[vector<16xi32>, vector<16xi32>, vector<16xi32>], vector<16xf32>,
      %mul3A_367 = arith.mulf %gather3A_365, %gather3A_366 : vector<16xf32>
      %sub3A_368 = arith.subf %sub3A_362, %mul3A_367 : vector<16xf32>
      %broadcast_in_dim3A_369 = arith.constant 24 : i32
      %broadcast_in_dim3A_370 = vector.broadcast %broadcast_in_dim3A_369 : i32 to vector<16xi32>
      %gather3A_371 = tpu.vector_load_idx %arg8[%broadcast_in_dim3A_73, %add3A_227, %broadcast_in_dim3A_370] : memref<2x128x128xf32, #tpu.memory_space<vmem>>[vector<16xi32>, vector<16xi32>, vector<16xi32>], vector<16xf32>,
      %gather3A_372 = tpu.vector_load_idx %arg9[%broadcast_in_dim3A_73, %add3A_227, %broadcast_in_dim3A_370] : memref<2x128x128xf32, #tpu.memory_space<vmem>>[vector<16xi32>, vector<16xi32>, vector<16xi32>], vector<16xf32>,
      %mul3A_373 = arith.mulf %gather3A_371, %gather3A_372 : vector<16xf32>
      %sub3A_374 = arith.subf %sub3A_368, %mul3A_373 : vector<16xf32>
      %broadcast_in_dim3A_375 = arith.constant 25 : i32
      %broadcast_in_dim3A_376 = vector.broadcast %broadcast_in_dim3A_375 : i32 to vector<16xi32>
      %gather3A_377 = tpu.vector_load_idx %arg8[%broadcast_in_dim3A_73, %add3A_227, %broadcast_in_dim3A_376] : memref<2x128x128xf32, #tpu.memory_space<vmem>>[vector<16xi32>, vector<16xi32>, vector<16xi32>], vector<16xf32>,
      %gather3A_378 = tpu.vector_load_idx %arg9[%broadcast_in_dim3A_73, %add3A_227, %broadcast_in_dim3A_376] : memref<2x128x128xf32, #tpu.memory_space<vmem>>[vector<16xi32>, vector<16xi32>, vector<16xi32>], vector<16xf32>,
      %mul3A_379 = arith.mulf %gather3A_377, %gather3A_378 : vector<16xf32>
      %sub3A_380 = arith.subf %sub3A_374, %mul3A_379 : vector<16xf32>
      %broadcast_in_dim3A_381 = arith.constant 26 : i32
      %broadcast_in_dim3A_382 = vector.broadcast %broadcast_in_dim3A_381 : i32 to vector<16xi32>
      %gather3A_383 = tpu.vector_load_idx %arg8[%broadcast_in_dim3A_73, %add3A_227, %broadcast_in_dim3A_382] : memref<2x128x128xf32, #tpu.memory_space<vmem>>[vector<16xi32>, vector<16xi32>, vector<16xi32>], vector<16xf32>,
      %gather3A_384 = tpu.vector_load_idx %arg9[%broadcast_in_dim3A_73, %add3A_227, %broadcast_in_dim3A_382] : memref<2x128x128xf32, #tpu.memory_space<vmem>>[vector<16xi32>, vector<16xi32>, vector<16xi32>], vector<16xf32>,
      %mul3A_385 = arith.mulf %gather3A_383, %gather3A_384 : vector<16xf32>
      %sub3A_386 = arith.subf %sub3A_380, %mul3A_385 : vector<16xf32>
      %broadcast_in_dim3A_387 = arith.constant 27 : i32
      %broadcast_in_dim3A_388 = vector.broadcast %broadcast_in_dim3A_387 : i32 to vector<16xi32>
      %gather3A_389 = tpu.vector_load_idx %arg8[%broadcast_in_dim3A_73, %add3A_227, %broadcast_in_dim3A_388] : memref<2x128x128xf32, #tpu.memory_space<vmem>>[vector<16xi32>, vector<16xi32>, vector<16xi32>], vector<16xf32>,
      %gather3A_390 = tpu.vector_load_idx %arg9[%broadcast_in_dim3A_73, %add3A_227, %broadcast_in_dim3A_388] : memref<2x128x128xf32, #tpu.memory_space<vmem>>[vector<16xi32>, vector<16xi32>, vector<16xi32>], vector<16xf32>,
      %mul3A_391 = arith.mulf %gather3A_389, %gather3A_390 : vector<16xf32>
      %sub3A_392 = arith.subf %sub3A_386, %mul3A_391 : vector<16xf32>
      %broadcast_in_dim3A_393 = arith.constant 28 : i32
      %broadcast_in_dim3A_394 = vector.broadcast %broadcast_in_dim3A_393 : i32 to vector<16xi32>
      %gather3A_395 = tpu.vector_load_idx %arg8[%broadcast_in_dim3A_73, %add3A_227, %broadcast_in_dim3A_394] : memref<2x128x128xf32, #tpu.memory_space<vmem>>[vector<16xi32>, vector<16xi32>, vector<16xi32>], vector<16xf32>,
      %gather3A_396 = tpu.vector_load_idx %arg9[%broadcast_in_dim3A_73, %add3A_227, %broadcast_in_dim3A_394] : memref<2x128x128xf32, #tpu.memory_space<vmem>>[vector<16xi32>, vector<16xi32>, vector<16xi32>], vector<16xf32>,
      %mul3A_397 = arith.mulf %gather3A_395, %gather3A_396 : vector<16xf32>
      %sub3A_398 = arith.subf %sub3A_392, %mul3A_397 : vector<16xf32>
      %broadcast_in_dim3A_399 = arith.constant 29 : i32
      %broadcast_in_dim3A_400 = vector.broadcast %broadcast_in_dim3A_399 : i32 to vector<16xi32>
      %gather3A_401 = tpu.vector_load_idx %arg8[%broadcast_in_dim3A_73, %add3A_227, %broadcast_in_dim3A_400] : memref<2x128x128xf32, #tpu.memory_space<vmem>>[vector<16xi32>, vector<16xi32>, vector<16xi32>], vector<16xf32>,
      %gather3A_402 = tpu.vector_load_idx %arg9[%broadcast_in_dim3A_73, %add3A_227, %broadcast_in_dim3A_400] : memref<2x128x128xf32, #tpu.memory_space<vmem>>[vector<16xi32>, vector<16xi32>, vector<16xi32>], vector<16xf32>,
      %mul3A_403 = arith.mulf %gather3A_401, %gather3A_402 : vector<16xf32>
      %sub3A_404 = arith.subf %sub3A_398, %mul3A_403 : vector<16xf32>
      %broadcast_in_dim3A_405 = arith.constant 30 : i32
      %broadcast_in_dim3A_406 = vector.broadcast %broadcast_in_dim3A_405 : i32 to vector<16xi32>
      %gather3A_407 = tpu.vector_load_idx %arg8[%broadcast_in_dim3A_73, %add3A_227, %broadcast_in_dim3A_406] : memref<2x128x128xf32, #tpu.memory_space<vmem>>[vector<16xi32>, vector<16xi32>, vector<16xi32>], vector<16xf32>,
      %gather3A_408 = tpu.vector_load_idx %arg9[%broadcast_in_dim3A_73, %add3A_227, %broadcast_in_dim3A_406] : memref<2x128x128xf32, #tpu.memory_space<vmem>>[vector<16xi32>, vector<16xi32>, vector<16xi32>], vector<16xf32>,
      %mul3A_409 = arith.mulf %gather3A_407, %gather3A_408 : vector<16xf32>
      %sub3A_410 = arith.subf %sub3A_404, %mul3A_409 : vector<16xf32>
      %broadcast_in_dim3A_411 = arith.constant 31 : i32
      %broadcast_in_dim3A_412 = vector.broadcast %broadcast_in_dim3A_411 : i32 to vector<16xi32>
      %gather3A_413 = tpu.vector_load_idx %arg8[%broadcast_in_dim3A_73, %add3A_227, %broadcast_in_dim3A_412] : memref<2x128x128xf32, #tpu.memory_space<vmem>>[vector<16xi32>, vector<16xi32>, vector<16xi32>], vector<16xf32>,
      %gather3A_414 = tpu.vector_load_idx %arg9[%broadcast_in_dim3A_73, %add3A_227, %broadcast_in_dim3A_412] : memref<2x128x128xf32, #tpu.memory_space<vmem>>[vector<16xi32>, vector<16xi32>, vector<16xi32>], vector<16xf32>,
      %mul3A_415 = arith.mulf %gather3A_413, %gather3A_414 : vector<16xf32>
      %sub3A_416 = arith.subf %sub3A_410, %mul3A_415 : vector<16xf32>
      %mul3A_417 = arith.constant 16 : i32
      %mul3A_418 = arith.muli %scan3A_223, %mul3A_417 : i32
      %add3A_419 = arith.constant 0 : i32
      %add3A_420 = arith.addi %add3A_419, %mul3A_418 : i32
      %swap3A = arith.index_cast %add3A_420 : i32 to index
      %swap3A_421 = tpu.vector_load %arg10[%swap3A] {strides = array<i32>} : memref<512xf32, #tpu.memory_space<vmem>>, vector<16xf32>,
      tpu.vector_store %arg10[%swap3A], %sub3A_416 {strides = array<i32>} : memref<512xf32, #tpu.memory_space<vmem>>, vector<16xf32>,
    }
    %scan3A_78 = arith.constant 8 : i32
    %dma_start3A_79 = arith.constant 2 : i32
    %dma_start3A_80 = arith.constant 0 : i32
    %dma_start3A_81 = arith.constant 0 : i32
    %dma_start3A_82 = arith.constant 0 : i32
    %dma_start3A_83 = tpu.memref_slice %arg8[%dma_start3A_80, %dma_start3A_81, %dma_start3A_82] : memref<2x128x128xf32, #tpu.memory_space<vmem>> -> memref<1x128x128xf32, #tpu.memory_space<vmem>>
    %dma_start3A_84 = tpu.memref_squeeze %dma_start3A_83 : memref<1x128x128xf32, #tpu.memory_space<vmem>> -> memref<128x128xf32, #tpu.memory_space<vmem>>
    %dma_start3A_85 = arith.constant 0 : i32
    %dma_start3A_86 = tpu.memref_slice %arg6[%dma_start3A_79, %dma_start3A_85] : memref<4x128xi32, #tpu.memory_space<vmem>> -> memref<1x128xi32, #tpu.memory_space<vmem>>
    %dma_start3A_87 = tpu.memref_squeeze %dma_start3A_86 : memref<1x128xi32, #tpu.memory_space<vmem>> -> memref<128xi32, #tpu.memory_space<vmem>>
    %dma_start3A_88 = arith.constant 0 : i32
    %dma_start3A_89 = arith.constant 0 : i32
    %dma_start3A_90 = tpu.memref_slice %arg2[%dma_start3A_88, %dma_start3A_89] : memref<1000000x128xf32, #tpu.memory_space<hbm>> -> memref<1000000x128xf32, #tpu.memory_space<hbm>>
    tpu.enqueue_indirect_dma source(%dma_start3A_90 : memref<1000000x128xf32, #tpu.memory_space<hbm>>) target(%dma_start3A_84 : memref<128x128xf32, #tpu.memory_space<vmem>>) offsets(%dma_start3A_87 : memref<128xi32, #tpu.memory_space<vmem>>) semaphore(%arg11 : memref<!tpu.dma_semaphore, #tpu.memory_space<semaphore_mem>>)
    %dma_start3A_91 = arith.constant 2 : i32
    %dma_start3A_92 = arith.constant 0 : i32
    %dma_start3A_93 = arith.constant 0 : i32
    %dma_start3A_94 = arith.constant 0 : i32
    %dma_start3A_95 = tpu.memref_slice %arg9[%dma_start3A_92, %dma_start3A_93, %dma_start3A_94] : memref<2x128x128xf32, #tpu.memory_space<vmem>> -> memref<1x128x128xf32, #tpu.memory_space<vmem>>
    %dma_start3A_96 = tpu.memref_squeeze %dma_start3A_95 : memref<1x128x128xf32, #tpu.memory_space<vmem>> -> memref<128x128xf32, #tpu.memory_space<vmem>>
    %dma_start3A_97 = arith.constant 0 : i32
    %dma_start3A_98 = tpu.memref_slice %arg7[%dma_start3A_91, %dma_start3A_97] : memref<4x128xi32, #tpu.memory_space<vmem>> -> memref<1x128xi32, #tpu.memory_space<vmem>>
    %dma_start3A_99 = tpu.memref_squeeze %dma_start3A_98 : memref<1x128xi32, #tpu.memory_space<vmem>> -> memref<128xi32, #tpu.memory_space<vmem>>
    %dma_start3A_100 = arith.constant 0 : i32
    %dma_start3A_101 = arith.constant 0 : i32
    %dma_start3A_102 = tpu.memref_slice %arg2[%dma_start3A_100, %dma_start3A_101] : memref<1000000x128xf32, #tpu.memory_space<hbm>> -> memref<1000000x128xf32, #tpu.memory_space<hbm>>
    tpu.enqueue_indirect_dma source(%dma_start3A_102 : memref<1000000x128xf32, #tpu.memory_space<hbm>>) target(%dma_start3A_96 : memref<128x128xf32, #tpu.memory_space<vmem>>) offsets(%dma_start3A_99 : memref<128xi32, #tpu.memory_space<vmem>>) semaphore(%arg11 : memref<!tpu.dma_semaphore, #tpu.memory_space<semaphore_mem>>)
    %dma_wait3A_103 = arith.constant 1 : i32
    %dma_wait3A_104 = arith.constant 1 : i32
    %dma_wait3A_105 = arith.constant 0 : i32
    %dma_wait3A_106 = arith.constant 0 : i32
    %dma_wait3A_107 = tpu.memref_slice %arg8[%dma_wait3A_104, %dma_wait3A_105, %dma_wait3A_106] : memref<2x128x128xf32, #tpu.memory_space<vmem>> -> memref<1x128x128xf32, #tpu.memory_space<vmem>>
    %dma_wait3A_108 = tpu.memref_squeeze %dma_wait3A_107 : memref<1x128x128xf32, #tpu.memory_space<vmem>> -> memref<128x128xf32, #tpu.memory_space<vmem>>
    %dma_wait3A_109 = arith.constant 0 : i32
    %dma_wait3A_110 = tpu.memref_slice %arg6[%dma_wait3A_103, %dma_wait3A_109] : memref<4x128xi32, #tpu.memory_space<vmem>> -> memref<1x128xi32, #tpu.memory_space<vmem>>
    %dma_wait3A_111 = tpu.memref_squeeze %dma_wait3A_110 : memref<1x128xi32, #tpu.memory_space<vmem>> -> memref<128xi32, #tpu.memory_space<vmem>>
    %dma_wait3A_112 = arith.constant 0 : i32
    %dma_wait3A_113 = arith.constant 0 : i32
    %dma_wait3A_114 = tpu.memref_slice %arg2[%dma_wait3A_112, %dma_wait3A_113] : memref<1000000x128xf32, #tpu.memory_space<hbm>> -> memref<1000000x128xf32, #tpu.memory_space<hbm>>
    tpu.wait_indirect_dma semaphore(%arg11 : memref<!tpu.dma_semaphore, #tpu.memory_space<semaphore_mem>>) src(%dma_wait3A_114 : memref<1000000x128xf32, #tpu.memory_space<hbm>>) dst(%dma_wait3A_108 : memref<128x128xf32, #tpu.memory_space<vmem>>)
    %dma_wait3A_115 = arith.constant 1 : i32
    %dma_wait3A_116 = arith.constant 1 : i32
    %dma_wait3A_117 = arith.constant 0 : i32
    %dma_wait3A_118 = arith.constant 0 : i32
    %dma_wait3A_119 = tpu.memref_slice %arg9[%dma_wait3A_116, %dma_wait3A_117, %dma_wait3A_118] : memref<2x128x128xf32, #tpu.memory_space<vmem>> -> memref<1x128x128xf32, #tpu.memory_space<vmem>>
    %dma_wait3A_120 = tpu.memref_squeeze %dma_wait3A_119 : memref<1x128x128xf32, #tpu.memory_space<vmem>> -> memref<128x128xf32, #tpu.memory_space<vmem>>
    %dma_wait3A_121 = arith.constant 0 : i32
    %dma_wait3A_122 = tpu.memref_slice %arg7[%dma_wait3A_115, %dma_wait3A_121] : memref<4x128xi32, #tpu.memory_space<vmem>> -> memref<1x128xi32, #tpu.memory_space<vmem>>
    %dma_wait3A_123 = tpu.memref_squeeze %dma_wait3A_122 : memref<1x128xi32, #tpu.memory_space<vmem>> -> memref<128xi32, #tpu.memory_space<vmem>>
    %dma_wait3A_124 = arith.constant 0 : i32
    %dma_wait3A_125 = arith.constant 0 : i32
    %dma_wait3A_126 = tpu.memref_slice %arg2[%dma_wait3A_124, %dma_wait3A_125] : memref<1000000x128xf32, #tpu.memory_space<hbm>> -> memref<1000000x128xf32, #tpu.memory_space<hbm>>
    tpu.wait_indirect_dma semaphore(%arg11 : memref<!tpu.dma_semaphore, #tpu.memory_space<semaphore_mem>>) src(%dma_wait3A_126 : memref<1000000x128xf32, #tpu.memory_space<hbm>>) dst(%dma_wait3A_120 : memref<128x128xf32, #tpu.memory_space<vmem>>)
    %broadcast_in_dim3A_127 = arith.constant 1 : i32
    %broadcast_in_dim3A_128 = vector.broadcast %broadcast_in_dim3A_127 : i32 to vector<16xi32>
    %scan3A_129 = arith.constant 0 : i32
    %scan3A_130 = arith.constant 0 : i32
    %scan3A_131 = arith.constant 8 : i32
    %scan3A_132 = arith.addi %scan3A_130, %scan3A_131 : i32
    %scan3A_133 = arith.constant 1 : i32
    scf.for %scan3A_223 = %scan3A_130 to %scan3A_132 step %scan3A_133  : i32 {
      %mul3A_224 = arith.constant 16 : i32
      %mul3A_225 = arith.muli %scan3A_223, %mul3A_224 : i32
      %add3A_226 = vector.broadcast %mul3A_225 : i32 to vector<16xi32>
      %add3A_227 = arith.addi %add3A_226, %iota3A : vector<16xi32>
      %broadcast_in_dim3A_228 = arith.constant 0 : i32
      %broadcast_in_dim3A_229 = vector.broadcast %broadcast_in_dim3A_228 : i32 to vector<16xi32>
      %gather3A = tpu.vector_load_idx %arg8[%broadcast_in_dim3A_128, %add3A_227, %broadcast_in_dim3A_229] : memref<2x128x128xf32, #tpu.memory_space<vmem>>[vector<16xi32>, vector<16xi32>, vector<16xi32>], vector<16xf32>,
      %gather3A_230 = tpu.vector_load_idx %arg9[%broadcast_in_dim3A_128, %add3A_227, %broadcast_in_dim3A_229] : memref<2x128x128xf32, #tpu.memory_space<vmem>>[vector<16xi32>, vector<16xi32>, vector<16xi32>], vector<16xf32>,
      %mul3A_231 = arith.mulf %gather3A, %gather3A_230 : vector<16xf32>
      %broadcast_in_dim3A_232 = arith.constant 1 : i32
      %broadcast_in_dim3A_233 = vector.broadcast %broadcast_in_dim3A_232 : i32 to vector<16xi32>
      %gather3A_234 = tpu.vector_load_idx %arg8[%broadcast_in_dim3A_128, %add3A_227, %broadcast_in_dim3A_233] : memref<2x128x128xf32, #tpu.memory_space<vmem>>[vector<16xi32>, vector<16xi32>, vector<16xi32>], vector<16xf32>,
      %gather3A_235 = tpu.vector_load_idx %arg9[%broadcast_in_dim3A_128, %add3A_227, %broadcast_in_dim3A_233] : memref<2x128x128xf32, #tpu.memory_space<vmem>>[vector<16xi32>, vector<16xi32>, vector<16xi32>], vector<16xf32>,
      %mul3A_236 = arith.mulf %gather3A_234, %gather3A_235 : vector<16xf32>
      %sub3A = arith.subf %mul3A_231, %mul3A_236 : vector<16xf32>
      %broadcast_in_dim3A_237 = arith.constant 2 : i32
      %broadcast_in_dim3A_238 = vector.broadcast %broadcast_in_dim3A_237 : i32 to vector<16xi32>
      %gather3A_239 = tpu.vector_load_idx %arg8[%broadcast_in_dim3A_128, %add3A_227, %broadcast_in_dim3A_238] : memref<2x128x128xf32, #tpu.memory_space<vmem>>[vector<16xi32>, vector<16xi32>, vector<16xi32>], vector<16xf32>,
      %gather3A_240 = tpu.vector_load_idx %arg9[%broadcast_in_dim3A_128, %add3A_227, %broadcast_in_dim3A_238] : memref<2x128x128xf32, #tpu.memory_space<vmem>>[vector<16xi32>, vector<16xi32>, vector<16xi32>], vector<16xf32>,
      %mul3A_241 = arith.mulf %gather3A_239, %gather3A_240 : vector<16xf32>
      %sub3A_242 = arith.subf %sub3A, %mul3A_241 : vector<16xf32>
      %broadcast_in_dim3A_243 = arith.constant 3 : i32
      %broadcast_in_dim3A_244 = vector.broadcast %broadcast_in_dim3A_243 : i32 to vector<16xi32>
      %gather3A_245 = tpu.vector_load_idx %arg8[%broadcast_in_dim3A_128, %add3A_227, %broadcast_in_dim3A_244] : memref<2x128x128xf32, #tpu.memory_space<vmem>>[vector<16xi32>, vector<16xi32>, vector<16xi32>], vector<16xf32>,
      %gather3A_246 = tpu.vector_load_idx %arg9[%broadcast_in_dim3A_128, %add3A_227, %broadcast_in_dim3A_244] : memref<2x128x128xf32, #tpu.memory_space<vmem>>[vector<16xi32>, vector<16xi32>, vector<16xi32>], vector<16xf32>,
      %mul3A_247 = arith.mulf %gather3A_245, %gather3A_246 : vector<16xf32>
      %sub3A_248 = arith.subf %sub3A_242, %mul3A_247 : vector<16xf32>
      %broadcast_in_dim3A_249 = arith.constant 4 : i32
      %broadcast_in_dim3A_250 = vector.broadcast %broadcast_in_dim3A_249 : i32 to vector<16xi32>
      %gather3A_251 = tpu.vector_load_idx %arg8[%broadcast_in_dim3A_128, %add3A_227, %broadcast_in_dim3A_250] : memref<2x128x128xf32, #tpu.memory_space<vmem>>[vector<16xi32>, vector<16xi32>, vector<16xi32>], vector<16xf32>,
      %gather3A_252 = tpu.vector_load_idx %arg9[%broadcast_in_dim3A_128, %add3A_227, %broadcast_in_dim3A_250] : memref<2x128x128xf32, #tpu.memory_space<vmem>>[vector<16xi32>, vector<16xi32>, vector<16xi32>], vector<16xf32>,
      %mul3A_253 = arith.mulf %gather3A_251, %gather3A_252 : vector<16xf32>
      %sub3A_254 = arith.subf %sub3A_248, %mul3A_253 : vector<16xf32>
      %broadcast_in_dim3A_255 = arith.constant 5 : i32
      %broadcast_in_dim3A_256 = vector.broadcast %broadcast_in_dim3A_255 : i32 to vector<16xi32>
      %gather3A_257 = tpu.vector_load_idx %arg8[%broadcast_in_dim3A_128, %add3A_227, %broadcast_in_dim3A_256] : memref<2x128x128xf32, #tpu.memory_space<vmem>>[vector<16xi32>, vector<16xi32>, vector<16xi32>], vector<16xf32>,
      %gather3A_258 = tpu.vector_load_idx %arg9[%broadcast_in_dim3A_128, %add3A_227, %broadcast_in_dim3A_256] : memref<2x128x128xf32, #tpu.memory_space<vmem>>[vector<16xi32>, vector<16xi32>, vector<16xi32>], vector<16xf32>,
      %mul3A_259 = arith.mulf %gather3A_257, %gather3A_258 : vector<16xf32>
      %sub3A_260 = arith.subf %sub3A_254, %mul3A_259 : vector<16xf32>
      %broadcast_in_dim3A_261 = arith.constant 6 : i32
      %broadcast_in_dim3A_262 = vector.broadcast %broadcast_in_dim3A_261 : i32 to vector<16xi32>
      %gather3A_263 = tpu.vector_load_idx %arg8[%broadcast_in_dim3A_128, %add3A_227, %broadcast_in_dim3A_262] : memref<2x128x128xf32, #tpu.memory_space<vmem>>[vector<16xi32>, vector<16xi32>, vector<16xi32>], vector<16xf32>,
      %gather3A_264 = tpu.vector_load_idx %arg9[%broadcast_in_dim3A_128, %add3A_227, %broadcast_in_dim3A_262] : memref<2x128x128xf32, #tpu.memory_space<vmem>>[vector<16xi32>, vector<16xi32>, vector<16xi32>], vector<16xf32>,
      %mul3A_265 = arith.mulf %gather3A_263, %gather3A_264 : vector<16xf32>
      %sub3A_266 = arith.subf %sub3A_260, %mul3A_265 : vector<16xf32>
      %broadcast_in_dim3A_267 = arith.constant 7 : i32
      %broadcast_in_dim3A_268 = vector.broadcast %broadcast_in_dim3A_267 : i32 to vector<16xi32>
      %gather3A_269 = tpu.vector_load_idx %arg8[%broadcast_in_dim3A_128, %add3A_227, %broadcast_in_dim3A_268] : memref<2x128x128xf32, #tpu.memory_space<vmem>>[vector<16xi32>, vector<16xi32>, vector<16xi32>], vector<16xf32>,
      %gather3A_270 = tpu.vector_load_idx %arg9[%broadcast_in_dim3A_128, %add3A_227, %broadcast_in_dim3A_268] : memref<2x128x128xf32, #tpu.memory_space<vmem>>[vector<16xi32>, vector<16xi32>, vector<16xi32>], vector<16xf32>,
      %mul3A_271 = arith.mulf %gather3A_269, %gather3A_270 : vector<16xf32>
      %sub3A_272 = arith.subf %sub3A_266, %mul3A_271 : vector<16xf32>
      %broadcast_in_dim3A_273 = arith.constant 8 : i32
      %broadcast_in_dim3A_274 = vector.broadcast %broadcast_in_dim3A_273 : i32 to vector<16xi32>
      %gather3A_275 = tpu.vector_load_idx %arg8[%broadcast_in_dim3A_128, %add3A_227, %broadcast_in_dim3A_274] : memref<2x128x128xf32, #tpu.memory_space<vmem>>[vector<16xi32>, vector<16xi32>, vector<16xi32>], vector<16xf32>,
      %gather3A_276 = tpu.vector_load_idx %arg9[%broadcast_in_dim3A_128, %add3A_227, %broadcast_in_dim3A_274] : memref<2x128x128xf32, #tpu.memory_space<vmem>>[vector<16xi32>, vector<16xi32>, vector<16xi32>], vector<16xf32>,
      %mul3A_277 = arith.mulf %gather3A_275, %gather3A_276 : vector<16xf32>
      %sub3A_278 = arith.subf %sub3A_272, %mul3A_277 : vector<16xf32>
      %broadcast_in_dim3A_279 = arith.constant 9 : i32
      %broadcast_in_dim3A_280 = vector.broadcast %broadcast_in_dim3A_279 : i32 to vector<16xi32>
      %gather3A_281 = tpu.vector_load_idx %arg8[%broadcast_in_dim3A_128, %add3A_227, %broadcast_in_dim3A_280] : memref<2x128x128xf32, #tpu.memory_space<vmem>>[vector<16xi32>, vector<16xi32>, vector<16xi32>], vector<16xf32>,
      %gather3A_282 = tpu.vector_load_idx %arg9[%broadcast_in_dim3A_128, %add3A_227, %broadcast_in_dim3A_280] : memref<2x128x128xf32, #tpu.memory_space<vmem>>[vector<16xi32>, vector<16xi32>, vector<16xi32>], vector<16xf32>,
      %mul3A_283 = arith.mulf %gather3A_281, %gather3A_282 : vector<16xf32>
      %sub3A_284 = arith.subf %sub3A_278, %mul3A_283 : vector<16xf32>
      %broadcast_in_dim3A_285 = arith.constant 10 : i32
      %broadcast_in_dim3A_286 = vector.broadcast %broadcast_in_dim3A_285 : i32 to vector<16xi32>
      %gather3A_287 = tpu.vector_load_idx %arg8[%broadcast_in_dim3A_128, %add3A_227, %broadcast_in_dim3A_286] : memref<2x128x128xf32, #tpu.memory_space<vmem>>[vector<16xi32>, vector<16xi32>, vector<16xi32>], vector<16xf32>,
      %gather3A_288 = tpu.vector_load_idx %arg9[%broadcast_in_dim3A_128, %add3A_227, %broadcast_in_dim3A_286] : memref<2x128x128xf32, #tpu.memory_space<vmem>>[vector<16xi32>, vector<16xi32>, vector<16xi32>], vector<16xf32>,
      %mul3A_289 = arith.mulf %gather3A_287, %gather3A_288 : vector<16xf32>
      %sub3A_290 = arith.subf %sub3A_284, %mul3A_289 : vector<16xf32>
      %broadcast_in_dim3A_291 = arith.constant 11 : i32
      %broadcast_in_dim3A_292 = vector.broadcast %broadcast_in_dim3A_291 : i32 to vector<16xi32>
      %gather3A_293 = tpu.vector_load_idx %arg8[%broadcast_in_dim3A_128, %add3A_227, %broadcast_in_dim3A_292] : memref<2x128x128xf32, #tpu.memory_space<vmem>>[vector<16xi32>, vector<16xi32>, vector<16xi32>], vector<16xf32>,
      %gather3A_294 = tpu.vector_load_idx %arg9[%broadcast_in_dim3A_128, %add3A_227, %broadcast_in_dim3A_292] : memref<2x128x128xf32, #tpu.memory_space<vmem>>[vector<16xi32>, vector<16xi32>, vector<16xi32>], vector<16xf32>,
      %mul3A_295 = arith.mulf %gather3A_293, %gather3A_294 : vector<16xf32>
      %sub3A_296 = arith.subf %sub3A_290, %mul3A_295 : vector<16xf32>
      %broadcast_in_dim3A_297 = arith.constant 12 : i32
      %broadcast_in_dim3A_298 = vector.broadcast %broadcast_in_dim3A_297 : i32 to vector<16xi32>
      %gather3A_299 = tpu.vector_load_idx %arg8[%broadcast_in_dim3A_128, %add3A_227, %broadcast_in_dim3A_298] : memref<2x128x128xf32, #tpu.memory_space<vmem>>[vector<16xi32>, vector<16xi32>, vector<16xi32>], vector<16xf32>,
      %gather3A_300 = tpu.vector_load_idx %arg9[%broadcast_in_dim3A_128, %add3A_227, %broadcast_in_dim3A_298] : memref<2x128x128xf32, #tpu.memory_space<vmem>>[vector<16xi32>, vector<16xi32>, vector<16xi32>], vector<16xf32>,
      %mul3A_301 = arith.mulf %gather3A_299, %gather3A_300 : vector<16xf32>
      %sub3A_302 = arith.subf %sub3A_296, %mul3A_301 : vector<16xf32>
      %broadcast_in_dim3A_303 = arith.constant 13 : i32
      %broadcast_in_dim3A_304 = vector.broadcast %broadcast_in_dim3A_303 : i32 to vector<16xi32>
      %gather3A_305 = tpu.vector_load_idx %arg8[%broadcast_in_dim3A_128, %add3A_227, %broadcast_in_dim3A_304] : memref<2x128x128xf32, #tpu.memory_space<vmem>>[vector<16xi32>, vector<16xi32>, vector<16xi32>], vector<16xf32>,
      %gather3A_306 = tpu.vector_load_idx %arg9[%broadcast_in_dim3A_128, %add3A_227, %broadcast_in_dim3A_304] : memref<2x128x128xf32, #tpu.memory_space<vmem>>[vector<16xi32>, vector<16xi32>, vector<16xi32>], vector<16xf32>,
      %mul3A_307 = arith.mulf %gather3A_305, %gather3A_306 : vector<16xf32>
      %sub3A_308 = arith.subf %sub3A_302, %mul3A_307 : vector<16xf32>
      %broadcast_in_dim3A_309 = arith.constant 14 : i32
      %broadcast_in_dim3A_310 = vector.broadcast %broadcast_in_dim3A_309 : i32 to vector<16xi32>
      %gather3A_311 = tpu.vector_load_idx %arg8[%broadcast_in_dim3A_128, %add3A_227, %broadcast_in_dim3A_310] : memref<2x128x128xf32, #tpu.memory_space<vmem>>[vector<16xi32>, vector<16xi32>, vector<16xi32>], vector<16xf32>,
      %gather3A_312 = tpu.vector_load_idx %arg9[%broadcast_in_dim3A_128, %add3A_227, %broadcast_in_dim3A_310] : memref<2x128x128xf32, #tpu.memory_space<vmem>>[vector<16xi32>, vector<16xi32>, vector<16xi32>], vector<16xf32>,
      %mul3A_313 = arith.mulf %gather3A_311, %gather3A_312 : vector<16xf32>
      %sub3A_314 = arith.subf %sub3A_308, %mul3A_313 : vector<16xf32>
      %broadcast_in_dim3A_315 = arith.constant 15 : i32
      %broadcast_in_dim3A_316 = vector.broadcast %broadcast_in_dim3A_315 : i32 to vector<16xi32>
      %gather3A_317 = tpu.vector_load_idx %arg8[%broadcast_in_dim3A_128, %add3A_227, %broadcast_in_dim3A_316] : memref<2x128x128xf32, #tpu.memory_space<vmem>>[vector<16xi32>, vector<16xi32>, vector<16xi32>], vector<16xf32>,
      %gather3A_318 = tpu.vector_load_idx %arg9[%broadcast_in_dim3A_128, %add3A_227, %broadcast_in_dim3A_316] : memref<2x128x128xf32, #tpu.memory_space<vmem>>[vector<16xi32>, vector<16xi32>, vector<16xi32>], vector<16xf32>,
      %mul3A_319 = arith.mulf %gather3A_317, %gather3A_318 : vector<16xf32>
      %sub3A_320 = arith.subf %sub3A_314, %mul3A_319 : vector<16xf32>
      %broadcast_in_dim3A_321 = arith.constant 16 : i32
      %broadcast_in_dim3A_322 = vector.broadcast %broadcast_in_dim3A_321 : i32 to vector<16xi32>
      %gather3A_323 = tpu.vector_load_idx %arg8[%broadcast_in_dim3A_128, %add3A_227, %broadcast_in_dim3A_322] : memref<2x128x128xf32, #tpu.memory_space<vmem>>[vector<16xi32>, vector<16xi32>, vector<16xi32>], vector<16xf32>,
      %gather3A_324 = tpu.vector_load_idx %arg9[%broadcast_in_dim3A_128, %add3A_227, %broadcast_in_dim3A_322] : memref<2x128x128xf32, #tpu.memory_space<vmem>>[vector<16xi32>, vector<16xi32>, vector<16xi32>], vector<16xf32>,
      %mul3A_325 = arith.mulf %gather3A_323, %gather3A_324 : vector<16xf32>
      %sub3A_326 = arith.subf %sub3A_320, %mul3A_325 : vector<16xf32>
      %broadcast_in_dim3A_327 = arith.constant 17 : i32
      %broadcast_in_dim3A_328 = vector.broadcast %broadcast_in_dim3A_327 : i32 to vector<16xi32>
      %gather3A_329 = tpu.vector_load_idx %arg8[%broadcast_in_dim3A_128, %add3A_227, %broadcast_in_dim3A_328] : memref<2x128x128xf32, #tpu.memory_space<vmem>>[vector<16xi32>, vector<16xi32>, vector<16xi32>], vector<16xf32>,
      %gather3A_330 = tpu.vector_load_idx %arg9[%broadcast_in_dim3A_128, %add3A_227, %broadcast_in_dim3A_328] : memref<2x128x128xf32, #tpu.memory_space<vmem>>[vector<16xi32>, vector<16xi32>, vector<16xi32>], vector<16xf32>,
      %mul3A_331 = arith.mulf %gather3A_329, %gather3A_330 : vector<16xf32>
      %sub3A_332 = arith.subf %sub3A_326, %mul3A_331 : vector<16xf32>
      %broadcast_in_dim3A_333 = arith.constant 18 : i32
      %broadcast_in_dim3A_334 = vector.broadcast %broadcast_in_dim3A_333 : i32 to vector<16xi32>
      %gather3A_335 = tpu.vector_load_idx %arg8[%broadcast_in_dim3A_128, %add3A_227, %broadcast_in_dim3A_334] : memref<2x128x128xf32, #tpu.memory_space<vmem>>[vector<16xi32>, vector<16xi32>, vector<16xi32>], vector<16xf32>,
      %gather3A_336 = tpu.vector_load_idx %arg9[%broadcast_in_dim3A_128, %add3A_227, %broadcast_in_dim3A_334] : memref<2x128x128xf32, #tpu.memory_space<vmem>>[vector<16xi32>, vector<16xi32>, vector<16xi32>], vector<16xf32>,
      %mul3A_337 = arith.mulf %gather3A_335, %gather3A_336 : vector<16xf32>
      %sub3A_338 = arith.subf %sub3A_332, %mul3A_337 : vector<16xf32>
      %broadcast_in_dim3A_339 = arith.constant 19 : i32
      %broadcast_in_dim3A_340 = vector.broadcast %broadcast_in_dim3A_339 : i32 to vector<16xi32>
      %gather3A_341 = tpu.vector_load_idx %arg8[%broadcast_in_dim3A_128, %add3A_227, %broadcast_in_dim3A_340] : memref<2x128x128xf32, #tpu.memory_space<vmem>>[vector<16xi32>, vector<16xi32>, vector<16xi32>], vector<16xf32>,
      %gather3A_342 = tpu.vector_load_idx %arg9[%broadcast_in_dim3A_128, %add3A_227, %broadcast_in_dim3A_340] : memref<2x128x128xf32, #tpu.memory_space<vmem>>[vector<16xi32>, vector<16xi32>, vector<16xi32>], vector<16xf32>,
      %mul3A_343 = arith.mulf %gather3A_341, %gather3A_342 : vector<16xf32>
      %sub3A_344 = arith.subf %sub3A_338, %mul3A_343 : vector<16xf32>
      %broadcast_in_dim3A_345 = arith.constant 20 : i32
      %broadcast_in_dim3A_346 = vector.broadcast %broadcast_in_dim3A_345 : i32 to vector<16xi32>
      %gather3A_347 = tpu.vector_load_idx %arg8[%broadcast_in_dim3A_128, %add3A_227, %broadcast_in_dim3A_346] : memref<2x128x128xf32, #tpu.memory_space<vmem>>[vector<16xi32>, vector<16xi32>, vector<16xi32>], vector<16xf32>,
      %gather3A_348 = tpu.vector_load_idx %arg9[%broadcast_in_dim3A_128, %add3A_227, %broadcast_in_dim3A_346] : memref<2x128x128xf32, #tpu.memory_space<vmem>>[vector<16xi32>, vector<16xi32>, vector<16xi32>], vector<16xf32>,
      %mul3A_349 = arith.mulf %gather3A_347, %gather3A_348 : vector<16xf32>
      %sub3A_350 = arith.subf %sub3A_344, %mul3A_349 : vector<16xf32>
      %broadcast_in_dim3A_351 = arith.constant 21 : i32
      %broadcast_in_dim3A_352 = vector.broadcast %broadcast_in_dim3A_351 : i32 to vector<16xi32>
      %gather3A_353 = tpu.vector_load_idx %arg8[%broadcast_in_dim3A_128, %add3A_227, %broadcast_in_dim3A_352] : memref<2x128x128xf32, #tpu.memory_space<vmem>>[vector<16xi32>, vector<16xi32>, vector<16xi32>], vector<16xf32>,
      %gather3A_354 = tpu.vector_load_idx %arg9[%broadcast_in_dim3A_128, %add3A_227, %broadcast_in_dim3A_352] : memref<2x128x128xf32, #tpu.memory_space<vmem>>[vector<16xi32>, vector<16xi32>, vector<16xi32>], vector<16xf32>,
      %mul3A_355 = arith.mulf %gather3A_353, %gather3A_354 : vector<16xf32>
      %sub3A_356 = arith.subf %sub3A_350, %mul3A_355 : vector<16xf32>
      %broadcast_in_dim3A_357 = arith.constant 22 : i32
      %broadcast_in_dim3A_358 = vector.broadcast %broadcast_in_dim3A_357 : i32 to vector<16xi32>
      %gather3A_359 = tpu.vector_load_idx %arg8[%broadcast_in_dim3A_128, %add3A_227, %broadcast_in_dim3A_358] : memref<2x128x128xf32, #tpu.memory_space<vmem>>[vector<16xi32>, vector<16xi32>, vector<16xi32>], vector<16xf32>,
      %gather3A_360 = tpu.vector_load_idx %arg9[%broadcast_in_dim3A_128, %add3A_227, %broadcast_in_dim3A_358] : memref<2x128x128xf32, #tpu.memory_space<vmem>>[vector<16xi32>, vector<16xi32>, vector<16xi32>], vector<16xf32>,
      %mul3A_361 = arith.mulf %gather3A_359, %gather3A_360 : vector<16xf32>
      %sub3A_362 = arith.subf %sub3A_356, %mul3A_361 : vector<16xf32>
      %broadcast_in_dim3A_363 = arith.constant 23 : i32
      %broadcast_in_dim3A_364 = vector.broadcast %broadcast_in_dim3A_363 : i32 to vector<16xi32>
      %gather3A_365 = tpu.vector_load_idx %arg8[%broadcast_in_dim3A_128, %add3A_227, %broadcast_in_dim3A_364] : memref<2x128x128xf32, #tpu.memory_space<vmem>>[vector<16xi32>, vector<16xi32>, vector<16xi32>], vector<16xf32>,
      %gather3A_366 = tpu.vector_load_idx %arg9[%broadcast_in_dim3A_128, %add3A_227, %broadcast_in_dim3A_364] : memref<2x128x128xf32, #tpu.memory_space<vmem>>[vector<16xi32>, vector<16xi32>, vector<16xi32>], vector<16xf32>,
      %mul3A_367 = arith.mulf %gather3A_365, %gather3A_366 : vector<16xf32>
      %sub3A_368 = arith.subf %sub3A_362, %mul3A_367 : vector<16xf32>
      %broadcast_in_dim3A_369 = arith.constant 24 : i32
      %broadcast_in_dim3A_370 = vector.broadcast %broadcast_in_dim3A_369 : i32 to vector<16xi32>
      %gather3A_371 = tpu.vector_load_idx %arg8[%broadcast_in_dim3A_128, %add3A_227, %broadcast_in_dim3A_370] : memref<2x128x128xf32, #tpu.memory_space<vmem>>[vector<16xi32>, vector<16xi32>, vector<16xi32>], vector<16xf32>,
      %gather3A_372 = tpu.vector_load_idx %arg9[%broadcast_in_dim3A_128, %add3A_227, %broadcast_in_dim3A_370] : memref<2x128x128xf32, #tpu.memory_space<vmem>>[vector<16xi32>, vector<16xi32>, vector<16xi32>], vector<16xf32>,
      %mul3A_373 = arith.mulf %gather3A_371, %gather3A_372 : vector<16xf32>
      %sub3A_374 = arith.subf %sub3A_368, %mul3A_373 : vector<16xf32>
      %broadcast_in_dim3A_375 = arith.constant 25 : i32
      %broadcast_in_dim3A_376 = vector.broadcast %broadcast_in_dim3A_375 : i32 to vector<16xi32>
      %gather3A_377 = tpu.vector_load_idx %arg8[%broadcast_in_dim3A_128, %add3A_227, %broadcast_in_dim3A_376] : memref<2x128x128xf32, #tpu.memory_space<vmem>>[vector<16xi32>, vector<16xi32>, vector<16xi32>], vector<16xf32>,
      %gather3A_378 = tpu.vector_load_idx %arg9[%broadcast_in_dim3A_128, %add3A_227, %broadcast_in_dim3A_376] : memref<2x128x128xf32, #tpu.memory_space<vmem>>[vector<16xi32>, vector<16xi32>, vector<16xi32>], vector<16xf32>,
      %mul3A_379 = arith.mulf %gather3A_377, %gather3A_378 : vector<16xf32>
      %sub3A_380 = arith.subf %sub3A_374, %mul3A_379 : vector<16xf32>
      %broadcast_in_dim3A_381 = arith.constant 26 : i32
      %broadcast_in_dim3A_382 = vector.broadcast %broadcast_in_dim3A_381 : i32 to vector<16xi32>
      %gather3A_383 = tpu.vector_load_idx %arg8[%broadcast_in_dim3A_128, %add3A_227, %broadcast_in_dim3A_382] : memref<2x128x128xf32, #tpu.memory_space<vmem>>[vector<16xi32>, vector<16xi32>, vector<16xi32>], vector<16xf32>,
      %gather3A_384 = tpu.vector_load_idx %arg9[%broadcast_in_dim3A_128, %add3A_227, %broadcast_in_dim3A_382] : memref<2x128x128xf32, #tpu.memory_space<vmem>>[vector<16xi32>, vector<16xi32>, vector<16xi32>], vector<16xf32>,
      %mul3A_385 = arith.mulf %gather3A_383, %gather3A_384 : vector<16xf32>
      %sub3A_386 = arith.subf %sub3A_380, %mul3A_385 : vector<16xf32>
      %broadcast_in_dim3A_387 = arith.constant 27 : i32
      %broadcast_in_dim3A_388 = vector.broadcast %broadcast_in_dim3A_387 : i32 to vector<16xi32>
      %gather3A_389 = tpu.vector_load_idx %arg8[%broadcast_in_dim3A_128, %add3A_227, %broadcast_in_dim3A_388] : memref<2x128x128xf32, #tpu.memory_space<vmem>>[vector<16xi32>, vector<16xi32>, vector<16xi32>], vector<16xf32>,
      %gather3A_390 = tpu.vector_load_idx %arg9[%broadcast_in_dim3A_128, %add3A_227, %broadcast_in_dim3A_388] : memref<2x128x128xf32, #tpu.memory_space<vmem>>[vector<16xi32>, vector<16xi32>, vector<16xi32>], vector<16xf32>,
      %mul3A_391 = arith.mulf %gather3A_389, %gather3A_390 : vector<16xf32>
      %sub3A_392 = arith.subf %sub3A_386, %mul3A_391 : vector<16xf32>
      %broadcast_in_dim3A_393 = arith.constant 28 : i32
      %broadcast_in_dim3A_394 = vector.broadcast %broadcast_in_dim3A_393 : i32 to vector<16xi32>
      %gather3A_395 = tpu.vector_load_idx %arg8[%broadcast_in_dim3A_128, %add3A_227, %broadcast_in_dim3A_394] : memref<2x128x128xf32, #tpu.memory_space<vmem>>[vector<16xi32>, vector<16xi32>, vector<16xi32>], vector<16xf32>,
      %gather3A_396 = tpu.vector_load_idx %arg9[%broadcast_in_dim3A_128, %add3A_227, %broadcast_in_dim3A_394] : memref<2x128x128xf32, #tpu.memory_space<vmem>>[vector<16xi32>, vector<16xi32>, vector<16xi32>], vector<16xf32>,
      %mul3A_397 = arith.mulf %gather3A_395, %gather3A_396 : vector<16xf32>
      %sub3A_398 = arith.subf %sub3A_392, %mul3A_397 : vector<16xf32>
      %broadcast_in_dim3A_399 = arith.constant 29 : i32
      %broadcast_in_dim3A_400 = vector.broadcast %broadcast_in_dim3A_399 : i32 to vector<16xi32>
      %gather3A_401 = tpu.vector_load_idx %arg8[%broadcast_in_dim3A_128, %add3A_227, %broadcast_in_dim3A_400] : memref<2x128x128xf32, #tpu.memory_space<vmem>>[vector<16xi32>, vector<16xi32>, vector<16xi32>], vector<16xf32>,
      %gather3A_402 = tpu.vector_load_idx %arg9[%broadcast_in_dim3A_128, %add3A_227, %broadcast_in_dim3A_400] : memref<2x128x128xf32, #tpu.memory_space<vmem>>[vector<16xi32>, vector<16xi32>, vector<16xi32>], vector<16xf32>,
      %mul3A_403 = arith.mulf %gather3A_401, %gather3A_402 : vector<16xf32>
      %sub3A_404 = arith.subf %sub3A_398, %mul3A_403 : vector<16xf32>
      %broadcast_in_dim3A_405 = arith.constant 30 : i32
      %broadcast_in_dim3A_406 = vector.broadcast %broadcast_in_dim3A_405 : i32 to vector<16xi32>
      %gather3A_407 = tpu.vector_load_idx %arg8[%broadcast_in_dim3A_128, %add3A_227, %broadcast_in_dim3A_406] : memref<2x128x128xf32, #tpu.memory_space<vmem>>[vector<16xi32>, vector<16xi32>, vector<16xi32>], vector<16xf32>,
      %gather3A_408 = tpu.vector_load_idx %arg9[%broadcast_in_dim3A_128, %add3A_227, %broadcast_in_dim3A_406] : memref<2x128x128xf32, #tpu.memory_space<vmem>>[vector<16xi32>, vector<16xi32>, vector<16xi32>], vector<16xf32>,
      %mul3A_409 = arith.mulf %gather3A_407, %gather3A_408 : vector<16xf32>
      %sub3A_410 = arith.subf %sub3A_404, %mul3A_409 : vector<16xf32>
      %broadcast_in_dim3A_411 = arith.constant 31 : i32
      %broadcast_in_dim3A_412 = vector.broadcast %broadcast_in_dim3A_411 : i32 to vector<16xi32>
      %gather3A_413 = tpu.vector_load_idx %arg8[%broadcast_in_dim3A_128, %add3A_227, %broadcast_in_dim3A_412] : memref<2x128x128xf32, #tpu.memory_space<vmem>>[vector<16xi32>, vector<16xi32>, vector<16xi32>], vector<16xf32>,
      %gather3A_414 = tpu.vector_load_idx %arg9[%broadcast_in_dim3A_128, %add3A_227, %broadcast_in_dim3A_412] : memref<2x128x128xf32, #tpu.memory_space<vmem>>[vector<16xi32>, vector<16xi32>, vector<16xi32>], vector<16xf32>,
      %mul3A_415 = arith.mulf %gather3A_413, %gather3A_414 : vector<16xf32>
      %sub3A_416 = arith.subf %sub3A_410, %mul3A_415 : vector<16xf32>
      %mul3A_417 = arith.constant 16 : i32
      %mul3A_418 = arith.muli %scan3A_223, %mul3A_417 : i32
      %add3A_419 = arith.constant 128 : i32
      %add3A_420 = arith.addi %add3A_419, %mul3A_418 : i32
      %swap3A = arith.index_cast %add3A_420 : i32 to index
      %swap3A_421 = tpu.vector_load %arg10[%swap3A] {strides = array<i32>} : memref<512xf32, #tpu.memory_space<vmem>>, vector<16xf32>,
      tpu.vector_store %arg10[%swap3A], %sub3A_416 {strides = array<i32>} : memref<512xf32, #tpu.memory_space<vmem>>, vector<16xf32>,
    }
    %scan3A_134 = arith.constant 8 : i32
    %dma_start3A_135 = arith.constant 3 : i32
    %dma_start3A_136 = arith.constant 1 : i32
    %dma_start3A_137 = arith.constant 0 : i32
    %dma_start3A_138 = arith.constant 0 : i32
    %dma_start3A_139 = tpu.memref_slice %arg8[%dma_start3A_136, %dma_start3A_137, %dma_start3A_138] : memref<2x128x128xf32, #tpu.memory_space<vmem>> -> memref<1x128x128xf32, #tpu.memory_space<vmem>>
    %dma_start3A_140 = tpu.memref_squeeze %dma_start3A_139 : memref<1x128x128xf32, #tpu.memory_space<vmem>> -> memref<128x128xf32, #tpu.memory_space<vmem>>
    %dma_start3A_141 = arith.constant 0 : i32
    %dma_start3A_142 = tpu.memref_slice %arg6[%dma_start3A_135, %dma_start3A_141] : memref<4x128xi32, #tpu.memory_space<vmem>> -> memref<1x128xi32, #tpu.memory_space<vmem>>
    %dma_start3A_143 = tpu.memref_squeeze %dma_start3A_142 : memref<1x128xi32, #tpu.memory_space<vmem>> -> memref<128xi32, #tpu.memory_space<vmem>>
    %dma_start3A_144 = arith.constant 0 : i32
    %dma_start3A_145 = arith.constant 0 : i32
    %dma_start3A_146 = tpu.memref_slice %arg2[%dma_start3A_144, %dma_start3A_145] : memref<1000000x128xf32, #tpu.memory_space<hbm>> -> memref<1000000x128xf32, #tpu.memory_space<hbm>>
    tpu.enqueue_indirect_dma source(%dma_start3A_146 : memref<1000000x128xf32, #tpu.memory_space<hbm>>) target(%dma_start3A_140 : memref<128x128xf32, #tpu.memory_space<vmem>>) offsets(%dma_start3A_143 : memref<128xi32, #tpu.memory_space<vmem>>) semaphore(%arg11 : memref<!tpu.dma_semaphore, #tpu.memory_space<semaphore_mem>>)
    %dma_start3A_147 = arith.constant 3 : i32
    %dma_start3A_148 = arith.constant 1 : i32
    %dma_start3A_149 = arith.constant 0 : i32
    %dma_start3A_150 = arith.constant 0 : i32
    %dma_start3A_151 = tpu.memref_slice %arg9[%dma_start3A_148, %dma_start3A_149, %dma_start3A_150] : memref<2x128x128xf32, #tpu.memory_space<vmem>> -> memref<1x128x128xf32, #tpu.memory_space<vmem>>
    %dma_start3A_152 = tpu.memref_squeeze %dma_start3A_151 : memref<1x128x128xf32, #tpu.memory_space<vmem>> -> memref<128x128xf32, #tpu.memory_space<vmem>>
    %dma_start3A_153 = arith.constant 0 : i32
    %dma_start3A_154 = tpu.memref_slice %arg7[%dma_start3A_147, %dma_start3A_153] : memref<4x128xi32, #tpu.memory_space<vmem>> -> memref<1x128xi32, #tpu.memory_space<vmem>>
    %dma_start3A_155 = tpu.memref_squeeze %dma_start3A_154 : memref<1x128xi32, #tpu.memory_space<vmem>> -> memref<128xi32, #tpu.memory_space<vmem>>
    %dma_start3A_156 = arith.constant 0 : i32
    %dma_start3A_157 = arith.constant 0 : i32
    %dma_start3A_158 = tpu.memref_slice %arg2[%dma_start3A_156, %dma_start3A_157] : memref<1000000x128xf32, #tpu.memory_space<hbm>> -> memref<1000000x128xf32, #tpu.memory_space<hbm>>
    tpu.enqueue_indirect_dma source(%dma_start3A_158 : memref<1000000x128xf32, #tpu.memory_space<hbm>>) target(%dma_start3A_152 : memref<128x128xf32, #tpu.memory_space<vmem>>) offsets(%dma_start3A_155 : memref<128xi32, #tpu.memory_space<vmem>>) semaphore(%arg11 : memref<!tpu.dma_semaphore, #tpu.memory_space<semaphore_mem>>)
    %dma_wait3A_159 = arith.constant 2 : i32
    %dma_wait3A_160 = arith.constant 0 : i32
    %dma_wait3A_161 = arith.constant 0 : i32
    %dma_wait3A_162 = arith.constant 0 : i32
    %dma_wait3A_163 = tpu.memref_slice %arg8[%dma_wait3A_160, %dma_wait3A_161, %dma_wait3A_162] : memref<2x128x128xf32, #tpu.memory_space<vmem>> -> memref<1x128x128xf32, #tpu.memory_space<vmem>>
    %dma_wait3A_164 = tpu.memref_squeeze %dma_wait3A_163 : memref<1x128x128xf32, #tpu.memory_space<vmem>> -> memref<128x128xf32, #tpu.memory_space<vmem>>
    %dma_wait3A_165 = arith.constant 0 : i32
    %dma_wait3A_166 = tpu.memref_slice %arg6[%dma_wait3A_159, %dma_wait3A_165] : memref<4x128xi32, #tpu.memory_space<vmem>> -> memref<1x128xi32, #tpu.memory_space<vmem>>
    %dma_wait3A_167 = tpu.memref_squeeze %dma_wait3A_166 : memref<1x128xi32, #tpu.memory_space<vmem>> -> memref<128xi32, #tpu.memory_space<vmem>>
    %dma_wait3A_168 = arith.constant 0 : i32
    %dma_wait3A_169 = arith.constant 0 : i32
    %dma_wait3A_170 = tpu.memref_slice %arg2[%dma_wait3A_168, %dma_wait3A_169] : memref<1000000x128xf32, #tpu.memory_space<hbm>> -> memref<1000000x128xf32, #tpu.memory_space<hbm>>
    tpu.wait_indirect_dma semaphore(%arg11 : memref<!tpu.dma_semaphore, #tpu.memory_space<semaphore_mem>>) src(%dma_wait3A_170 : memref<1000000x128xf32, #tpu.memory_space<hbm>>) dst(%dma_wait3A_164 : memref<128x128xf32, #tpu.memory_space<vmem>>)
    %dma_wait3A_171 = arith.constant 2 : i32
    %dma_wait3A_172 = arith.constant 0 : i32
    %dma_wait3A_173 = arith.constant 0 : i32
    %dma_wait3A_174 = arith.constant 0 : i32
    %dma_wait3A_175 = tpu.memref_slice %arg9[%dma_wait3A_172, %dma_wait3A_173, %dma_wait3A_174] : memref<2x128x128xf32, #tpu.memory_space<vmem>> -> memref<1x128x128xf32, #tpu.memory_space<vmem>>
    %dma_wait3A_176 = tpu.memref_squeeze %dma_wait3A_175 : memref<1x128x128xf32, #tpu.memory_space<vmem>> -> memref<128x128xf32, #tpu.memory_space<vmem>>
    %dma_wait3A_177 = arith.constant 0 : i32
    %dma_wait3A_178 = tpu.memref_slice %arg7[%dma_wait3A_171, %dma_wait3A_177] : memref<4x128xi32, #tpu.memory_space<vmem>> -> memref<1x128xi32, #tpu.memory_space<vmem>>
    %dma_wait3A_179 = tpu.memref_squeeze %dma_wait3A_178 : memref<1x128xi32, #tpu.memory_space<vmem>> -> memref<128xi32, #tpu.memory_space<vmem>>
    %dma_wait3A_180 = arith.constant 0 : i32
    %dma_wait3A_181 = arith.constant 0 : i32
    %dma_wait3A_182 = tpu.memref_slice %arg2[%dma_wait3A_180, %dma_wait3A_181] : memref<1000000x128xf32, #tpu.memory_space<hbm>> -> memref<1000000x128xf32, #tpu.memory_space<hbm>>
    tpu.wait_indirect_dma semaphore(%arg11 : memref<!tpu.dma_semaphore, #tpu.memory_space<semaphore_mem>>) src(%dma_wait3A_182 : memref<1000000x128xf32, #tpu.memory_space<hbm>>) dst(%dma_wait3A_176 : memref<128x128xf32, #tpu.memory_space<vmem>>)
    %broadcast_in_dim3A_183 = arith.constant 0 : i32
    %broadcast_in_dim3A_184 = vector.broadcast %broadcast_in_dim3A_183 : i32 to vector<16xi32>
    %scan3A_185 = arith.constant 0 : i32
    %scan3A_186 = arith.constant 0 : i32
    %scan3A_187 = arith.constant 8 : i32
    %scan3A_188 = arith.addi %scan3A_186, %scan3A_187 : i32
    %scan3A_189 = arith.constant 1 : i32
    scf.for %scan3A_223 = %scan3A_186 to %scan3A_188 step %scan3A_189  : i32 {
      %mul3A_224 = arith.constant 16 : i32
      %mul3A_225 = arith.muli %scan3A_223, %mul3A_224 : i32
      %add3A_226 = vector.broadcast %mul3A_225 : i32 to vector<16xi32>
      %add3A_227 = arith.addi %add3A_226, %iota3A : vector<16xi32>
      %broadcast_in_dim3A_228 = arith.constant 0 : i32
      %broadcast_in_dim3A_229 = vector.broadcast %broadcast_in_dim3A_228 : i32 to vector<16xi32>
      %gather3A = tpu.vector_load_idx %arg8[%broadcast_in_dim3A_184, %add3A_227, %broadcast_in_dim3A_229] : memref<2x128x128xf32, #tpu.memory_space<vmem>>[vector<16xi32>, vector<16xi32>, vector<16xi32>], vector<16xf32>,
      %gather3A_230 = tpu.vector_load_idx %arg9[%broadcast_in_dim3A_184, %add3A_227, %broadcast_in_dim3A_229] : memref<2x128x128xf32, #tpu.memory_space<vmem>>[vector<16xi32>, vector<16xi32>, vector<16xi32>], vector<16xf32>,
      %mul3A_231 = arith.mulf %gather3A, %gather3A_230 : vector<16xf32>
      %broadcast_in_dim3A_232 = arith.constant 1 : i32
      %broadcast_in_dim3A_233 = vector.broadcast %broadcast_in_dim3A_232 : i32 to vector<16xi32>
      %gather3A_234 = tpu.vector_load_idx %arg8[%broadcast_in_dim3A_184, %add3A_227, %broadcast_in_dim3A_233] : memref<2x128x128xf32, #tpu.memory_space<vmem>>[vector<16xi32>, vector<16xi32>, vector<16xi32>], vector<16xf32>,
      %gather3A_235 = tpu.vector_load_idx %arg9[%broadcast_in_dim3A_184, %add3A_227, %broadcast_in_dim3A_233] : memref<2x128x128xf32, #tpu.memory_space<vmem>>[vector<16xi32>, vector<16xi32>, vector<16xi32>], vector<16xf32>,
      %mul3A_236 = arith.mulf %gather3A_234, %gather3A_235 : vector<16xf32>
      %sub3A = arith.subf %mul3A_231, %mul3A_236 : vector<16xf32>
      %broadcast_in_dim3A_237 = arith.constant 2 : i32
      %broadcast_in_dim3A_238 = vector.broadcast %broadcast_in_dim3A_237 : i32 to vector<16xi32>
      %gather3A_239 = tpu.vector_load_idx %arg8[%broadcast_in_dim3A_184, %add3A_227, %broadcast_in_dim3A_238] : memref<2x128x128xf32, #tpu.memory_space<vmem>>[vector<16xi32>, vector<16xi32>, vector<16xi32>], vector<16xf32>,
      %gather3A_240 = tpu.vector_load_idx %arg9[%broadcast_in_dim3A_184, %add3A_227, %broadcast_in_dim3A_238] : memref<2x128x128xf32, #tpu.memory_space<vmem>>[vector<16xi32>, vector<16xi32>, vector<16xi32>], vector<16xf32>,
      %mul3A_241 = arith.mulf %gather3A_239, %gather3A_240 : vector<16xf32>
      %sub3A_242 = arith.subf %sub3A, %mul3A_241 : vector<16xf32>
      %broadcast_in_dim3A_243 = arith.constant 3 : i32
      %broadcast_in_dim3A_244 = vector.broadcast %broadcast_in_dim3A_243 : i32 to vector<16xi32>
      %gather3A_245 = tpu.vector_load_idx %arg8[%broadcast_in_dim3A_184, %add3A_227, %broadcast_in_dim3A_244] : memref<2x128x128xf32, #tpu.memory_space<vmem>>[vector<16xi32>, vector<16xi32>, vector<16xi32>], vector<16xf32>,
      %gather3A_246 = tpu.vector_load_idx %arg9[%broadcast_in_dim3A_184, %add3A_227, %broadcast_in_dim3A_244] : memref<2x128x128xf32, #tpu.memory_space<vmem>>[vector<16xi32>, vector<16xi32>, vector<16xi32>], vector<16xf32>,
      %mul3A_247 = arith.mulf %gather3A_245, %gather3A_246 : vector<16xf32>
      %sub3A_248 = arith.subf %sub3A_242, %mul3A_247 : vector<16xf32>
      %broadcast_in_dim3A_249 = arith.constant 4 : i32
      %broadcast_in_dim3A_250 = vector.broadcast %broadcast_in_dim3A_249 : i32 to vector<16xi32>
      %gather3A_251 = tpu.vector_load_idx %arg8[%broadcast_in_dim3A_184, %add3A_227, %broadcast_in_dim3A_250] : memref<2x128x128xf32, #tpu.memory_space<vmem>>[vector<16xi32>, vector<16xi32>, vector<16xi32>], vector<16xf32>,
      %gather3A_252 = tpu.vector_load_idx %arg9[%broadcast_in_dim3A_184, %add3A_227, %broadcast_in_dim3A_250] : memref<2x128x128xf32, #tpu.memory_space<vmem>>[vector<16xi32>, vector<16xi32>, vector<16xi32>], vector<16xf32>,
      %mul3A_253 = arith.mulf %gather3A_251, %gather3A_252 : vector<16xf32>
      %sub3A_254 = arith.subf %sub3A_248, %mul3A_253 : vector<16xf32>
      %broadcast_in_dim3A_255 = arith.constant 5 : i32
      %broadcast_in_dim3A_256 = vector.broadcast %broadcast_in_dim3A_255 : i32 to vector<16xi32>
      %gather3A_257 = tpu.vector_load_idx %arg8[%broadcast_in_dim3A_184, %add3A_227, %broadcast_in_dim3A_256] : memref<2x128x128xf32, #tpu.memory_space<vmem>>[vector<16xi32>, vector<16xi32>, vector<16xi32>], vector<16xf32>,
      %gather3A_258 = tpu.vector_load_idx %arg9[%broadcast_in_dim3A_184, %add3A_227, %broadcast_in_dim3A_256] : memref<2x128x128xf32, #tpu.memory_space<vmem>>[vector<16xi32>, vector<16xi32>, vector<16xi32>], vector<16xf32>,
      %mul3A_259 = arith.mulf %gather3A_257, %gather3A_258 : vector<16xf32>
      %sub3A_260 = arith.subf %sub3A_254, %mul3A_259 : vector<16xf32>
      %broadcast_in_dim3A_261 = arith.constant 6 : i32
      %broadcast_in_dim3A_262 = vector.broadcast %broadcast_in_dim3A_261 : i32 to vector<16xi32>
      %gather3A_263 = tpu.vector_load_idx %arg8[%broadcast_in_dim3A_184, %add3A_227, %broadcast_in_dim3A_262] : memref<2x128x128xf32, #tpu.memory_space<vmem>>[vector<16xi32>, vector<16xi32>, vector<16xi32>], vector<16xf32>,
      %gather3A_264 = tpu.vector_load_idx %arg9[%broadcast_in_dim3A_184, %add3A_227, %broadcast_in_dim3A_262] : memref<2x128x128xf32, #tpu.memory_space<vmem>>[vector<16xi32>, vector<16xi32>, vector<16xi32>], vector<16xf32>,
      %mul3A_265 = arith.mulf %gather3A_263, %gather3A_264 : vector<16xf32>
      %sub3A_266 = arith.subf %sub3A_260, %mul3A_265 : vector<16xf32>
      %broadcast_in_dim3A_267 = arith.constant 7 : i32
      %broadcast_in_dim3A_268 = vector.broadcast %broadcast_in_dim3A_267 : i32 to vector<16xi32>
      %gather3A_269 = tpu.vector_load_idx %arg8[%broadcast_in_dim3A_184, %add3A_227, %broadcast_in_dim3A_268] : memref<2x128x128xf32, #tpu.memory_space<vmem>>[vector<16xi32>, vector<16xi32>, vector<16xi32>], vector<16xf32>,
      %gather3A_270 = tpu.vector_load_idx %arg9[%broadcast_in_dim3A_184, %add3A_227, %broadcast_in_dim3A_268] : memref<2x128x128xf32, #tpu.memory_space<vmem>>[vector<16xi32>, vector<16xi32>, vector<16xi32>], vector<16xf32>,
      %mul3A_271 = arith.mulf %gather3A_269, %gather3A_270 : vector<16xf32>
      %sub3A_272 = arith.subf %sub3A_266, %mul3A_271 : vector<16xf32>
      %broadcast_in_dim3A_273 = arith.constant 8 : i32
      %broadcast_in_dim3A_274 = vector.broadcast %broadcast_in_dim3A_273 : i32 to vector<16xi32>
      %gather3A_275 = tpu.vector_load_idx %arg8[%broadcast_in_dim3A_184, %add3A_227, %broadcast_in_dim3A_274] : memref<2x128x128xf32, #tpu.memory_space<vmem>>[vector<16xi32>, vector<16xi32>, vector<16xi32>], vector<16xf32>,
      %gather3A_276 = tpu.vector_load_idx %arg9[%broadcast_in_dim3A_184, %add3A_227, %broadcast_in_dim3A_274] : memref<2x128x128xf32, #tpu.memory_space<vmem>>[vector<16xi32>, vector<16xi32>, vector<16xi32>], vector<16xf32>,
      %mul3A_277 = arith.mulf %gather3A_275, %gather3A_276 : vector<16xf32>
      %sub3A_278 = arith.subf %sub3A_272, %mul3A_277 : vector<16xf32>
      %broadcast_in_dim3A_279 = arith.constant 9 : i32
      %broadcast_in_dim3A_280 = vector.broadcast %broadcast_in_dim3A_279 : i32 to vector<16xi32>
      %gather3A_281 = tpu.vector_load_idx %arg8[%broadcast_in_dim3A_184, %add3A_227, %broadcast_in_dim3A_280] : memref<2x128x128xf32, #tpu.memory_space<vmem>>[vector<16xi32>, vector<16xi32>, vector<16xi32>], vector<16xf32>,
      %gather3A_282 = tpu.vector_load_idx %arg9[%broadcast_in_dim3A_184, %add3A_227, %broadcast_in_dim3A_280] : memref<2x128x128xf32, #tpu.memory_space<vmem>>[vector<16xi32>, vector<16xi32>, vector<16xi32>], vector<16xf32>,
      %mul3A_283 = arith.mulf %gather3A_281, %gather3A_282 : vector<16xf32>
      %sub3A_284 = arith.subf %sub3A_278, %mul3A_283 : vector<16xf32>
      %broadcast_in_dim3A_285 = arith.constant 10 : i32
      %broadcast_in_dim3A_286 = vector.broadcast %broadcast_in_dim3A_285 : i32 to vector<16xi32>
      %gather3A_287 = tpu.vector_load_idx %arg8[%broadcast_in_dim3A_184, %add3A_227, %broadcast_in_dim3A_286] : memref<2x128x128xf32, #tpu.memory_space<vmem>>[vector<16xi32>, vector<16xi32>, vector<16xi32>], vector<16xf32>,
      %gather3A_288 = tpu.vector_load_idx %arg9[%broadcast_in_dim3A_184, %add3A_227, %broadcast_in_dim3A_286] : memref<2x128x128xf32, #tpu.memory_space<vmem>>[vector<16xi32>, vector<16xi32>, vector<16xi32>], vector<16xf32>,
      %mul3A_289 = arith.mulf %gather3A_287, %gather3A_288 : vector<16xf32>
      %sub3A_290 = arith.subf %sub3A_284, %mul3A_289 : vector<16xf32>
      %broadcast_in_dim3A_291 = arith.constant 11 : i32
      %broadcast_in_dim3A_292 = vector.broadcast %broadcast_in_dim3A_291 : i32 to vector<16xi32>
      %gather3A_293 = tpu.vector_load_idx %arg8[%broadcast_in_dim3A_184, %add3A_227, %broadcast_in_dim3A_292] : memref<2x128x128xf32, #tpu.memory_space<vmem>>[vector<16xi32>, vector<16xi32>, vector<16xi32>], vector<16xf32>,
      %gather3A_294 = tpu.vector_load_idx %arg9[%broadcast_in_dim3A_184, %add3A_227, %broadcast_in_dim3A_292] : memref<2x128x128xf32, #tpu.memory_space<vmem>>[vector<16xi32>, vector<16xi32>, vector<16xi32>], vector<16xf32>,
      %mul3A_295 = arith.mulf %gather3A_293, %gather3A_294 : vector<16xf32>
      %sub3A_296 = arith.subf %sub3A_290, %mul3A_295 : vector<16xf32>
      %broadcast_in_dim3A_297 = arith.constant 12 : i32
      %broadcast_in_dim3A_298 = vector.broadcast %broadcast_in_dim3A_297 : i32 to vector<16xi32>
      %gather3A_299 = tpu.vector_load_idx %arg8[%broadcast_in_dim3A_184, %add3A_227, %broadcast_in_dim3A_298] : memref<2x128x128xf32, #tpu.memory_space<vmem>>[vector<16xi32>, vector<16xi32>, vector<16xi32>], vector<16xf32>,
      %gather3A_300 = tpu.vector_load_idx %arg9[%broadcast_in_dim3A_184, %add3A_227, %broadcast_in_dim3A_298] : memref<2x128x128xf32, #tpu.memory_space<vmem>>[vector<16xi32>, vector<16xi32>, vector<16xi32>], vector<16xf32>,
      %mul3A_301 = arith.mulf %gather3A_299, %gather3A_300 : vector<16xf32>
      %sub3A_302 = arith.subf %sub3A_296, %mul3A_301 : vector<16xf32>
      %broadcast_in_dim3A_303 = arith.constant 13 : i32
      %broadcast_in_dim3A_304 = vector.broadcast %broadcast_in_dim3A_303 : i32 to vector<16xi32>
      %gather3A_305 = tpu.vector_load_idx %arg8[%broadcast_in_dim3A_184, %add3A_227, %broadcast_in_dim3A_304] : memref<2x128x128xf32, #tpu.memory_space<vmem>>[vector<16xi32>, vector<16xi32>, vector<16xi32>], vector<16xf32>,
      %gather3A_306 = tpu.vector_load_idx %arg9[%broadcast_in_dim3A_184, %add3A_227, %broadcast_in_dim3A_304] : memref<2x128x128xf32, #tpu.memory_space<vmem>>[vector<16xi32>, vector<16xi32>, vector<16xi32>], vector<16xf32>,
      %mul3A_307 = arith.mulf %gather3A_305, %gather3A_306 : vector<16xf32>
      %sub3A_308 = arith.subf %sub3A_302, %mul3A_307 : vector<16xf32>
      %broadcast_in_dim3A_309 = arith.constant 14 : i32
      %broadcast_in_dim3A_310 = vector.broadcast %broadcast_in_dim3A_309 : i32 to vector<16xi32>
      %gather3A_311 = tpu.vector_load_idx %arg8[%broadcast_in_dim3A_184, %add3A_227, %broadcast_in_dim3A_310] : memref<2x128x128xf32, #tpu.memory_space<vmem>>[vector<16xi32>, vector<16xi32>, vector<16xi32>], vector<16xf32>,
      %gather3A_312 = tpu.vector_load_idx %arg9[%broadcast_in_dim3A_184, %add3A_227, %broadcast_in_dim3A_310] : memref<2x128x128xf32, #tpu.memory_space<vmem>>[vector<16xi32>, vector<16xi32>, vector<16xi32>], vector<16xf32>,
      %mul3A_313 = arith.mulf %gather3A_311, %gather3A_312 : vector<16xf32>
      %sub3A_314 = arith.subf %sub3A_308, %mul3A_313 : vector<16xf32>
      %broadcast_in_dim3A_315 = arith.constant 15 : i32
      %broadcast_in_dim3A_316 = vector.broadcast %broadcast_in_dim3A_315 : i32 to vector<16xi32>
      %gather3A_317 = tpu.vector_load_idx %arg8[%broadcast_in_dim3A_184, %add3A_227, %broadcast_in_dim3A_316] : memref<2x128x128xf32, #tpu.memory_space<vmem>>[vector<16xi32>, vector<16xi32>, vector<16xi32>], vector<16xf32>,
      %gather3A_318 = tpu.vector_load_idx %arg9[%broadcast_in_dim3A_184, %add3A_227, %broadcast_in_dim3A_316] : memref<2x128x128xf32, #tpu.memory_space<vmem>>[vector<16xi32>, vector<16xi32>, vector<16xi32>], vector<16xf32>,
      %mul3A_319 = arith.mulf %gather3A_317, %gather3A_318 : vector<16xf32>
      %sub3A_320 = arith.subf %sub3A_314, %mul3A_319 : vector<16xf32>
      %broadcast_in_dim3A_321 = arith.constant 16 : i32
      %broadcast_in_dim3A_322 = vector.broadcast %broadcast_in_dim3A_321 : i32 to vector<16xi32>
      %gather3A_323 = tpu.vector_load_idx %arg8[%broadcast_in_dim3A_184, %add3A_227, %broadcast_in_dim3A_322] : memref<2x128x128xf32, #tpu.memory_space<vmem>>[vector<16xi32>, vector<16xi32>, vector<16xi32>], vector<16xf32>,
      %gather3A_324 = tpu.vector_load_idx %arg9[%broadcast_in_dim3A_184, %add3A_227, %broadcast_in_dim3A_322] : memref<2x128x128xf32, #tpu.memory_space<vmem>>[vector<16xi32>, vector<16xi32>, vector<16xi32>], vector<16xf32>,
      %mul3A_325 = arith.mulf %gather3A_323, %gather3A_324 : vector<16xf32>
      %sub3A_326 = arith.subf %sub3A_320, %mul3A_325 : vector<16xf32>
      %broadcast_in_dim3A_327 = arith.constant 17 : i32
      %broadcast_in_dim3A_328 = vector.broadcast %broadcast_in_dim3A_327 : i32 to vector<16xi32>
      %gather3A_329 = tpu.vector_load_idx %arg8[%broadcast_in_dim3A_184, %add3A_227, %broadcast_in_dim3A_328] : memref<2x128x128xf32, #tpu.memory_space<vmem>>[vector<16xi32>, vector<16xi32>, vector<16xi32>], vector<16xf32>,
      %gather3A_330 = tpu.vector_load_idx %arg9[%broadcast_in_dim3A_184, %add3A_227, %broadcast_in_dim3A_328] : memref<2x128x128xf32, #tpu.memory_space<vmem>>[vector<16xi32>, vector<16xi32>, vector<16xi32>], vector<16xf32>,
      %mul3A_331 = arith.mulf %gather3A_329, %gather3A_330 : vector<16xf32>
      %sub3A_332 = arith.subf %sub3A_326, %mul3A_331 : vector<16xf32>
      %broadcast_in_dim3A_333 = arith.constant 18 : i32
      %broadcast_in_dim3A_334 = vector.broadcast %broadcast_in_dim3A_333 : i32 to vector<16xi32>
      %gather3A_335 = tpu.vector_load_idx %arg8[%broadcast_in_dim3A_184, %add3A_227, %broadcast_in_dim3A_334] : memref<2x128x128xf32, #tpu.memory_space<vmem>>[vector<16xi32>, vector<16xi32>, vector<16xi32>], vector<16xf32>,
      %gather3A_336 = tpu.vector_load_idx %arg9[%broadcast_in_dim3A_184, %add3A_227, %broadcast_in_dim3A_334] : memref<2x128x128xf32, #tpu.memory_space<vmem>>[vector<16xi32>, vector<16xi32>, vector<16xi32>], vector<16xf32>,
      %mul3A_337 = arith.mulf %gather3A_335, %gather3A_336 : vector<16xf32>
      %sub3A_338 = arith.subf %sub3A_332, %mul3A_337 : vector<16xf32>
      %broadcast_in_dim3A_339 = arith.constant 19 : i32
      %broadcast_in_dim3A_340 = vector.broadcast %broadcast_in_dim3A_339 : i32 to vector<16xi32>
      %gather3A_341 = tpu.vector_load_idx %arg8[%broadcast_in_dim3A_184, %add3A_227, %broadcast_in_dim3A_340] : memref<2x128x128xf32, #tpu.memory_space<vmem>>[vector<16xi32>, vector<16xi32>, vector<16xi32>], vector<16xf32>,
      %gather3A_342 = tpu.vector_load_idx %arg9[%broadcast_in_dim3A_184, %add3A_227, %broadcast_in_dim3A_340] : memref<2x128x128xf32, #tpu.memory_space<vmem>>[vector<16xi32>, vector<16xi32>, vector<16xi32>], vector<16xf32>,
      %mul3A_343 = arith.mulf %gather3A_341, %gather3A_342 : vector<16xf32>
      %sub3A_344 = arith.subf %sub3A_338, %mul3A_343 : vector<16xf32>
      %broadcast_in_dim3A_345 = arith.constant 20 : i32
      %broadcast_in_dim3A_346 = vector.broadcast %broadcast_in_dim3A_345 : i32 to vector<16xi32>
      %gather3A_347 = tpu.vector_load_idx %arg8[%broadcast_in_dim3A_184, %add3A_227, %broadcast_in_dim3A_346] : memref<2x128x128xf32, #tpu.memory_space<vmem>>[vector<16xi32>, vector<16xi32>, vector<16xi32>], vector<16xf32>,
      %gather3A_348 = tpu.vector_load_idx %arg9[%broadcast_in_dim3A_184, %add3A_227, %broadcast_in_dim3A_346] : memref<2x128x128xf32, #tpu.memory_space<vmem>>[vector<16xi32>, vector<16xi32>, vector<16xi32>], vector<16xf32>,
      %mul3A_349 = arith.mulf %gather3A_347, %gather3A_348 : vector<16xf32>
      %sub3A_350 = arith.subf %sub3A_344, %mul3A_349 : vector<16xf32>
      %broadcast_in_dim3A_351 = arith.constant 21 : i32
      %broadcast_in_dim3A_352 = vector.broadcast %broadcast_in_dim3A_351 : i32 to vector<16xi32>
      %gather3A_353 = tpu.vector_load_idx %arg8[%broadcast_in_dim3A_184, %add3A_227, %broadcast_in_dim3A_352] : memref<2x128x128xf32, #tpu.memory_space<vmem>>[vector<16xi32>, vector<16xi32>, vector<16xi32>], vector<16xf32>,
      %gather3A_354 = tpu.vector_load_idx %arg9[%broadcast_in_dim3A_184, %add3A_227, %broadcast_in_dim3A_352] : memref<2x128x128xf32, #tpu.memory_space<vmem>>[vector<16xi32>, vector<16xi32>, vector<16xi32>], vector<16xf32>,
      %mul3A_355 = arith.mulf %gather3A_353, %gather3A_354 : vector<16xf32>
      %sub3A_356 = arith.subf %sub3A_350, %mul3A_355 : vector<16xf32>
      %broadcast_in_dim3A_357 = arith.constant 22 : i32
      %broadcast_in_dim3A_358 = vector.broadcast %broadcast_in_dim3A_357 : i32 to vector<16xi32>
      %gather3A_359 = tpu.vector_load_idx %arg8[%broadcast_in_dim3A_184, %add3A_227, %broadcast_in_dim3A_358] : memref<2x128x128xf32, #tpu.memory_space<vmem>>[vector<16xi32>, vector<16xi32>, vector<16xi32>], vector<16xf32>,
      %gather3A_360 = tpu.vector_load_idx %arg9[%broadcast_in_dim3A_184, %add3A_227, %broadcast_in_dim3A_358] : memref<2x128x128xf32, #tpu.memory_space<vmem>>[vector<16xi32>, vector<16xi32>, vector<16xi32>], vector<16xf32>,
      %mul3A_361 = arith.mulf %gather3A_359, %gather3A_360 : vector<16xf32>
      %sub3A_362 = arith.subf %sub3A_356, %mul3A_361 : vector<16xf32>
      %broadcast_in_dim3A_363 = arith.constant 23 : i32
      %broadcast_in_dim3A_364 = vector.broadcast %broadcast_in_dim3A_363 : i32 to vector<16xi32>
      %gather3A_365 = tpu.vector_load_idx %arg8[%broadcast_in_dim3A_184, %add3A_227, %broadcast_in_dim3A_364] : memref<2x128x128xf32, #tpu.memory_space<vmem>>[vector<16xi32>, vector<16xi32>, vector<16xi32>], vector<16xf32>,
      %gather3A_366 = tpu.vector_load_idx %arg9[%broadcast_in_dim3A_184, %add3A_227, %broadcast_in_dim3A_364] : memref<2x128x128xf32, #tpu.memory_space<vmem>>[vector<16xi32>, vector<16xi32>, vector<16xi32>], vector<16xf32>,
      %mul3A_367 = arith.mulf %gather3A_365, %gather3A_366 : vector<16xf32>
      %sub3A_368 = arith.subf %sub3A_362, %mul3A_367 : vector<16xf32>
      %broadcast_in_dim3A_369 = arith.constant 24 : i32
      %broadcast_in_dim3A_370 = vector.broadcast %broadcast_in_dim3A_369 : i32 to vector<16xi32>
      %gather3A_371 = tpu.vector_load_idx %arg8[%broadcast_in_dim3A_184, %add3A_227, %broadcast_in_dim3A_370] : memref<2x128x128xf32, #tpu.memory_space<vmem>>[vector<16xi32>, vector<16xi32>, vector<16xi32>], vector<16xf32>,
      %gather3A_372 = tpu.vector_load_idx %arg9[%broadcast_in_dim3A_184, %add3A_227, %broadcast_in_dim3A_370] : memref<2x128x128xf32, #tpu.memory_space<vmem>>[vector<16xi32>, vector<16xi32>, vector<16xi32>], vector<16xf32>,
      %mul3A_373 = arith.mulf %gather3A_371, %gather3A_372 : vector<16xf32>
      %sub3A_374 = arith.subf %sub3A_368, %mul3A_373 : vector<16xf32>
      %broadcast_in_dim3A_375 = arith.constant 25 : i32
      %broadcast_in_dim3A_376 = vector.broadcast %broadcast_in_dim3A_375 : i32 to vector<16xi32>
      %gather3A_377 = tpu.vector_load_idx %arg8[%broadcast_in_dim3A_184, %add3A_227, %broadcast_in_dim3A_376] : memref<2x128x128xf32, #tpu.memory_space<vmem>>[vector<16xi32>, vector<16xi32>, vector<16xi32>], vector<16xf32>,
      %gather3A_378 = tpu.vector_load_idx %arg9[%broadcast_in_dim3A_184, %add3A_227, %broadcast_in_dim3A_376] : memref<2x128x128xf32, #tpu.memory_space<vmem>>[vector<16xi32>, vector<16xi32>, vector<16xi32>], vector<16xf32>,
      %mul3A_379 = arith.mulf %gather3A_377, %gather3A_378 : vector<16xf32>
      %sub3A_380 = arith.subf %sub3A_374, %mul3A_379 : vector<16xf32>
      %broadcast_in_dim3A_381 = arith.constant 26 : i32
      %broadcast_in_dim3A_382 = vector.broadcast %broadcast_in_dim3A_381 : i32 to vector<16xi32>
      %gather3A_383 = tpu.vector_load_idx %arg8[%broadcast_in_dim3A_184, %add3A_227, %broadcast_in_dim3A_382] : memref<2x128x128xf32, #tpu.memory_space<vmem>>[vector<16xi32>, vector<16xi32>, vector<16xi32>], vector<16xf32>,
      %gather3A_384 = tpu.vector_load_idx %arg9[%broadcast_in_dim3A_184, %add3A_227, %broadcast_in_dim3A_382] : memref<2x128x128xf32, #tpu.memory_space<vmem>>[vector<16xi32>, vector<16xi32>, vector<16xi32>], vector<16xf32>,
      %mul3A_385 = arith.mulf %gather3A_383, %gather3A_384 : vector<16xf32>
      %sub3A_386 = arith.subf %sub3A_380, %mul3A_385 : vector<16xf32>
      %broadcast_in_dim3A_387 = arith.constant 27 : i32
      %broadcast_in_dim3A_388 = vector.broadcast %broadcast_in_dim3A_387 : i32 to vector<16xi32>
      %gather3A_389 = tpu.vector_load_idx %arg8[%broadcast_in_dim3A_184, %add3A_227, %broadcast_in_dim3A_388] : memref<2x128x128xf32, #tpu.memory_space<vmem>>[vector<16xi32>, vector<16xi32>, vector<16xi32>], vector<16xf32>,
      %gather3A_390 = tpu.vector_load_idx %arg9[%broadcast_in_dim3A_184, %add3A_227, %broadcast_in_dim3A_388] : memref<2x128x128xf32, #tpu.memory_space<vmem>>[vector<16xi32>, vector<16xi32>, vector<16xi32>], vector<16xf32>,
      %mul3A_391 = arith.mulf %gather3A_389, %gather3A_390 : vector<16xf32>
      %sub3A_392 = arith.subf %sub3A_386, %mul3A_391 : vector<16xf32>
      %broadcast_in_dim3A_393 = arith.constant 28 : i32
      %broadcast_in_dim3A_394 = vector.broadcast %broadcast_in_dim3A_393 : i32 to vector<16xi32>
      %gather3A_395 = tpu.vector_load_idx %arg8[%broadcast_in_dim3A_184, %add3A_227, %broadcast_in_dim3A_394] : memref<2x128x128xf32, #tpu.memory_space<vmem>>[vector<16xi32>, vector<16xi32>, vector<16xi32>], vector<16xf32>,
      %gather3A_396 = tpu.vector_load_idx %arg9[%broadcast_in_dim3A_184, %add3A_227, %broadcast_in_dim3A_394] : memref<2x128x128xf32, #tpu.memory_space<vmem>>[vector<16xi32>, vector<16xi32>, vector<16xi32>], vector<16xf32>,
      %mul3A_397 = arith.mulf %gather3A_395, %gather3A_396 : vector<16xf32>
      %sub3A_398 = arith.subf %sub3A_392, %mul3A_397 : vector<16xf32>
      %broadcast_in_dim3A_399 = arith.constant 29 : i32
      %broadcast_in_dim3A_400 = vector.broadcast %broadcast_in_dim3A_399 : i32 to vector<16xi32>
      %gather3A_401 = tpu.vector_load_idx %arg8[%broadcast_in_dim3A_184, %add3A_227, %broadcast_in_dim3A_400] : memref<2x128x128xf32, #tpu.memory_space<vmem>>[vector<16xi32>, vector<16xi32>, vector<16xi32>], vector<16xf32>,
      %gather3A_402 = tpu.vector_load_idx %arg9[%broadcast_in_dim3A_184, %add3A_227, %broadcast_in_dim3A_400] : memref<2x128x128xf32, #tpu.memory_space<vmem>>[vector<16xi32>, vector<16xi32>, vector<16xi32>], vector<16xf32>,
      %mul3A_403 = arith.mulf %gather3A_401, %gather3A_402 : vector<16xf32>
      %sub3A_404 = arith.subf %sub3A_398, %mul3A_403 : vector<16xf32>
      %broadcast_in_dim3A_405 = arith.constant 30 : i32
      %broadcast_in_dim3A_406 = vector.broadcast %broadcast_in_dim3A_405 : i32 to vector<16xi32>
      %gather3A_407 = tpu.vector_load_idx %arg8[%broadcast_in_dim3A_184, %add3A_227, %broadcast_in_dim3A_406] : memref<2x128x128xf32, #tpu.memory_space<vmem>>[vector<16xi32>, vector<16xi32>, vector<16xi32>], vector<16xf32>,
      %gather3A_408 = tpu.vector_load_idx %arg9[%broadcast_in_dim3A_184, %add3A_227, %broadcast_in_dim3A_406] : memref<2x128x128xf32, #tpu.memory_space<vmem>>[vector<16xi32>, vector<16xi32>, vector<16xi32>], vector<16xf32>,
      %mul3A_409 = arith.mulf %gather3A_407, %gather3A_408 : vector<16xf32>
      %sub3A_410 = arith.subf %sub3A_404, %mul3A_409 : vector<16xf32>
      %broadcast_in_dim3A_411 = arith.constant 31 : i32
      %broadcast_in_dim3A_412 = vector.broadcast %broadcast_in_dim3A_411 : i32 to vector<16xi32>
      %gather3A_413 = tpu.vector_load_idx %arg8[%broadcast_in_dim3A_184, %add3A_227, %broadcast_in_dim3A_412] : memref<2x128x128xf32, #tpu.memory_space<vmem>>[vector<16xi32>, vector<16xi32>, vector<16xi32>], vector<16xf32>,
      %gather3A_414 = tpu.vector_load_idx %arg9[%broadcast_in_dim3A_184, %add3A_227, %broadcast_in_dim3A_412] : memref<2x128x128xf32, #tpu.memory_space<vmem>>[vector<16xi32>, vector<16xi32>, vector<16xi32>], vector<16xf32>,
      %mul3A_415 = arith.mulf %gather3A_413, %gather3A_414 : vector<16xf32>
      %sub3A_416 = arith.subf %sub3A_410, %mul3A_415 : vector<16xf32>
      %mul3A_417 = arith.constant 16 : i32
      %mul3A_418 = arith.muli %scan3A_223, %mul3A_417 : i32
      %add3A_419 = arith.constant 256 : i32
      %add3A_420 = arith.addi %add3A_419, %mul3A_418 : i32
      %swap3A = arith.index_cast %add3A_420 : i32 to index
      %swap3A_421 = tpu.vector_load %arg10[%swap3A] {strides = array<i32>} : memref<512xf32, #tpu.memory_space<vmem>>, vector<16xf32>,
      tpu.vector_store %arg10[%swap3A], %sub3A_416 {strides = array<i32>} : memref<512xf32, #tpu.memory_space<vmem>>, vector<16xf32>,
    }
    %scan3A_190 = arith.constant 8 : i32
    %dma_wait3A_191 = arith.constant 3 : i32
    %dma_wait3A_192 = arith.constant 1 : i32
    %dma_wait3A_193 = arith.constant 0 : i32
    %dma_wait3A_194 = arith.constant 0 : i32
    %dma_wait3A_195 = tpu.memref_slice %arg8[%dma_wait3A_192, %dma_wait3A_193, %dma_wait3A_194] : memref<2x128x128xf32, #tpu.memory_space<vmem>> -> memref<1x128x128xf32, #tpu.memory_space<vmem>>
    %dma_wait3A_196 = tpu.memref_squeeze %dma_wait3A_195 : memref<1x128x128xf32, #tpu.memory_space<vmem>> -> memref<128x128xf32, #tpu.memory_space<vmem>>
    %dma_wait3A_197 = arith.constant 0 : i32
    %dma_wait3A_198 = tpu.memref_slice %arg6[%dma_wait3A_191, %dma_wait3A_197] : memref<4x128xi32, #tpu.memory_space<vmem>> -> memref<1x128xi32, #tpu.memory_space<vmem>>
    %dma_wait3A_199 = tpu.memref_squeeze %dma_wait3A_198 : memref<1x128xi32, #tpu.memory_space<vmem>> -> memref<128xi32, #tpu.memory_space<vmem>>
    %dma_wait3A_200 = arith.constant 0 : i32
    %dma_wait3A_201 = arith.constant 0 : i32
    %dma_wait3A_202 = tpu.memref_slice %arg2[%dma_wait3A_200, %dma_wait3A_201] : memref<1000000x128xf32, #tpu.memory_space<hbm>> -> memref<1000000x128xf32, #tpu.memory_space<hbm>>
    tpu.wait_indirect_dma semaphore(%arg11 : memref<!tpu.dma_semaphore, #tpu.memory_space<semaphore_mem>>) src(%dma_wait3A_202 : memref<1000000x128xf32, #tpu.memory_space<hbm>>) dst(%dma_wait3A_196 : memref<128x128xf32, #tpu.memory_space<vmem>>)
    %dma_wait3A_203 = arith.constant 3 : i32
    %dma_wait3A_204 = arith.constant 1 : i32
    %dma_wait3A_205 = arith.constant 0 : i32
    %dma_wait3A_206 = arith.constant 0 : i32
    %dma_wait3A_207 = tpu.memref_slice %arg9[%dma_wait3A_204, %dma_wait3A_205, %dma_wait3A_206] : memref<2x128x128xf32, #tpu.memory_space<vmem>> -> memref<1x128x128xf32, #tpu.memory_space<vmem>>
    %dma_wait3A_208 = tpu.memref_squeeze %dma_wait3A_207 : memref<1x128x128xf32, #tpu.memory_space<vmem>> -> memref<128x128xf32, #tpu.memory_space<vmem>>
    %dma_wait3A_209 = arith.constant 0 : i32
    %dma_wait3A_210 = tpu.memref_slice %arg7[%dma_wait3A_203, %dma_wait3A_209] : memref<4x128xi32, #tpu.memory_space<vmem>> -> memref<1x128xi32, #tpu.memory_space<vmem>>
    %dma_wait3A_211 = tpu.memref_squeeze %dma_wait3A_210 : memref<1x128xi32, #tpu.memory_space<vmem>> -> memref<128xi32, #tpu.memory_space<vmem>>
    %dma_wait3A_212 = arith.constant 0 : i32
    %dma_wait3A_213 = arith.constant 0 : i32
    %dma_wait3A_214 = tpu.memref_slice %arg2[%dma_wait3A_212, %dma_wait3A_213] : memref<1000000x128xf32, #tpu.memory_space<hbm>> -> memref<1000000x128xf32, #tpu.memory_space<hbm>>
    tpu.wait_indirect_dma semaphore(%arg11 : memref<!tpu.dma_semaphore, #tpu.memory_space<semaphore_mem>>) src(%dma_wait3A_214 : memref<1000000x128xf32, #tpu.memory_space<hbm>>) dst(%dma_wait3A_208 : memref<128x128xf32, #tpu.memory_space<vmem>>)
    %broadcast_in_dim3A_215 = arith.constant 1 : i32
    %broadcast_in_dim3A_216 = vector.broadcast %broadcast_in_dim3A_215 : i32 to vector<16xi32>
    %scan3A_217 = arith.constant 0 : i32
    %scan3A_218 = arith.constant 0 : i32
    %scan3A_219 = arith.constant 8 : i32
    %scan3A_220 = arith.addi %scan3A_218, %scan3A_219 : i32
    %scan3A_221 = arith.constant 1 : i32
    scf.for %scan3A_223 = %scan3A_218 to %scan3A_220 step %scan3A_221  : i32 {
      %mul3A_224 = arith.constant 16 : i32
      %mul3A_225 = arith.muli %scan3A_223, %mul3A_224 : i32
      %add3A_226 = vector.broadcast %mul3A_225 : i32 to vector<16xi32>
      %add3A_227 = arith.addi %add3A_226, %iota3A : vector<16xi32>
      %broadcast_in_dim3A_228 = arith.constant 0 : i32
      %broadcast_in_dim3A_229 = vector.broadcast %broadcast_in_dim3A_228 : i32 to vector<16xi32>
      %gather3A = tpu.vector_load_idx %arg8[%broadcast_in_dim3A_216, %add3A_227, %broadcast_in_dim3A_229] : memref<2x128x128xf32, #tpu.memory_space<vmem>>[vector<16xi32>, vector<16xi32>, vector<16xi32>], vector<16xf32>,
      %gather3A_230 = tpu.vector_load_idx %arg9[%broadcast_in_dim3A_216, %add3A_227, %broadcast_in_dim3A_229] : memref<2x128x128xf32, #tpu.memory_space<vmem>>[vector<16xi32>, vector<16xi32>, vector<16xi32>], vector<16xf32>,
      %mul3A_231 = arith.mulf %gather3A, %gather3A_230 : vector<16xf32>
      %broadcast_in_dim3A_232 = arith.constant 1 : i32
      %broadcast_in_dim3A_233 = vector.broadcast %broadcast_in_dim3A_232 : i32 to vector<16xi32>
      %gather3A_234 = tpu.vector_load_idx %arg8[%broadcast_in_dim3A_216, %add3A_227, %broadcast_in_dim3A_233] : memref<2x128x128xf32, #tpu.memory_space<vmem>>[vector<16xi32>, vector<16xi32>, vector<16xi32>], vector<16xf32>,
      %gather3A_235 = tpu.vector_load_idx %arg9[%broadcast_in_dim3A_216, %add3A_227, %broadcast_in_dim3A_233] : memref<2x128x128xf32, #tpu.memory_space<vmem>>[vector<16xi32>, vector<16xi32>, vector<16xi32>], vector<16xf32>,
      %mul3A_236 = arith.mulf %gather3A_234, %gather3A_235 : vector<16xf32>
      %sub3A = arith.subf %mul3A_231, %mul3A_236 : vector<16xf32>
      %broadcast_in_dim3A_237 = arith.constant 2 : i32
      %broadcast_in_dim3A_238 = vector.broadcast %broadcast_in_dim3A_237 : i32 to vector<16xi32>
      %gather3A_239 = tpu.vector_load_idx %arg8[%broadcast_in_dim3A_216, %add3A_227, %broadcast_in_dim3A_238] : memref<2x128x128xf32, #tpu.memory_space<vmem>>[vector<16xi32>, vector<16xi32>, vector<16xi32>], vector<16xf32>,
      %gather3A_240 = tpu.vector_load_idx %arg9[%broadcast_in_dim3A_216, %add3A_227, %broadcast_in_dim3A_238] : memref<2x128x128xf32, #tpu.memory_space<vmem>>[vector<16xi32>, vector<16xi32>, vector<16xi32>], vector<16xf32>,
      %mul3A_241 = arith.mulf %gather3A_239, %gather3A_240 : vector<16xf32>
      %sub3A_242 = arith.subf %sub3A, %mul3A_241 : vector<16xf32>
      %broadcast_in_dim3A_243 = arith.constant 3 : i32
      %broadcast_in_dim3A_244 = vector.broadcast %broadcast_in_dim3A_243 : i32 to vector<16xi32>
      %gather3A_245 = tpu.vector_load_idx %arg8[%broadcast_in_dim3A_216, %add3A_227, %broadcast_in_dim3A_244] : memref<2x128x128xf32, #tpu.memory_space<vmem>>[vector<16xi32>, vector<16xi32>, vector<16xi32>], vector<16xf32>,
      %gather3A_246 = tpu.vector_load_idx %arg9[%broadcast_in_dim3A_216, %add3A_227, %broadcast_in_dim3A_244] : memref<2x128x128xf32, #tpu.memory_space<vmem>>[vector<16xi32>, vector<16xi32>, vector<16xi32>], vector<16xf32>,
      %mul3A_247 = arith.mulf %gather3A_245, %gather3A_246 : vector<16xf32>
      %sub3A_248 = arith.subf %sub3A_242, %mul3A_247 : vector<16xf32>
      %broadcast_in_dim3A_249 = arith.constant 4 : i32
      %broadcast_in_dim3A_250 = vector.broadcast %broadcast_in_dim3A_249 : i32 to vector<16xi32>
      %gather3A_251 = tpu.vector_load_idx %arg8[%broadcast_in_dim3A_216, %add3A_227, %broadcast_in_dim3A_250] : memref<2x128x128xf32, #tpu.memory_space<vmem>>[vector<16xi32>, vector<16xi32>, vector<16xi32>], vector<16xf32>,
      %gather3A_252 = tpu.vector_load_idx %arg9[%broadcast_in_dim3A_216, %add3A_227, %broadcast_in_dim3A_250] : memref<2x128x128xf32, #tpu.memory_space<vmem>>[vector<16xi32>, vector<16xi32>, vector<16xi32>], vector<16xf32>,
      %mul3A_253 = arith.mulf %gather3A_251, %gather3A_252 : vector<16xf32>
      %sub3A_254 = arith.subf %sub3A_248, %mul3A_253 : vector<16xf32>
      %broadcast_in_dim3A_255 = arith.constant 5 : i32
      %broadcast_in_dim3A_256 = vector.broadcast %broadcast_in_dim3A_255 : i32 to vector<16xi32>
      %gather3A_257 = tpu.vector_load_idx %arg8[%broadcast_in_dim3A_216, %add3A_227, %broadcast_in_dim3A_256] : memref<2x128x128xf32, #tpu.memory_space<vmem>>[vector<16xi32>, vector<16xi32>, vector<16xi32>], vector<16xf32>,
      %gather3A_258 = tpu.vector_load_idx %arg9[%broadcast_in_dim3A_216, %add3A_227, %broadcast_in_dim3A_256] : memref<2x128x128xf32, #tpu.memory_space<vmem>>[vector<16xi32>, vector<16xi32>, vector<16xi32>], vector<16xf32>,
      %mul3A_259 = arith.mulf %gather3A_257, %gather3A_258 : vector<16xf32>
      %sub3A_260 = arith.subf %sub3A_254, %mul3A_259 : vector<16xf32>
      %broadcast_in_dim3A_261 = arith.constant 6 : i32
      %broadcast_in_dim3A_262 = vector.broadcast %broadcast_in_dim3A_261 : i32 to vector<16xi32>
      %gather3A_263 = tpu.vector_load_idx %arg8[%broadcast_in_dim3A_216, %add3A_227, %broadcast_in_dim3A_262] : memref<2x128x128xf32, #tpu.memory_space<vmem>>[vector<16xi32>, vector<16xi32>, vector<16xi32>], vector<16xf32>,
      %gather3A_264 = tpu.vector_load_idx %arg9[%broadcast_in_dim3A_216, %add3A_227, %broadcast_in_dim3A_262] : memref<2x128x128xf32, #tpu.memory_space<vmem>>[vector<16xi32>, vector<16xi32>, vector<16xi32>], vector<16xf32>,
      %mul3A_265 = arith.mulf %gather3A_263, %gather3A_264 : vector<16xf32>
      %sub3A_266 = arith.subf %sub3A_260, %mul3A_265 : vector<16xf32>
      %broadcast_in_dim3A_267 = arith.constant 7 : i32
      %broadcast_in_dim3A_268 = vector.broadcast %broadcast_in_dim3A_267 : i32 to vector<16xi32>
      %gather3A_269 = tpu.vector_load_idx %arg8[%broadcast_in_dim3A_216, %add3A_227, %broadcast_in_dim3A_268] : memref<2x128x128xf32, #tpu.memory_space<vmem>>[vector<16xi32>, vector<16xi32>, vector<16xi32>], vector<16xf32>,
      %gather3A_270 = tpu.vector_load_idx %arg9[%broadcast_in_dim3A_216, %add3A_227, %broadcast_in_dim3A_268] : memref<2x128x128xf32, #tpu.memory_space<vmem>>[vector<16xi32>, vector<16xi32>, vector<16xi32>], vector<16xf32>,
      %mul3A_271 = arith.mulf %gather3A_269, %gather3A_270 : vector<16xf32>
      %sub3A_272 = arith.subf %sub3A_266, %mul3A_271 : vector<16xf32>
      %broadcast_in_dim3A_273 = arith.constant 8 : i32
      %broadcast_in_dim3A_274 = vector.broadcast %broadcast_in_dim3A_273 : i32 to vector<16xi32>
      %gather3A_275 = tpu.vector_load_idx %arg8[%broadcast_in_dim3A_216, %add3A_227, %broadcast_in_dim3A_274] : memref<2x128x128xf32, #tpu.memory_space<vmem>>[vector<16xi32>, vector<16xi32>, vector<16xi32>], vector<16xf32>,
      %gather3A_276 = tpu.vector_load_idx %arg9[%broadcast_in_dim3A_216, %add3A_227, %broadcast_in_dim3A_274] : memref<2x128x128xf32, #tpu.memory_space<vmem>>[vector<16xi32>, vector<16xi32>, vector<16xi32>], vector<16xf32>,
      %mul3A_277 = arith.mulf %gather3A_275, %gather3A_276 : vector<16xf32>
      %sub3A_278 = arith.subf %sub3A_272, %mul3A_277 : vector<16xf32>
      %broadcast_in_dim3A_279 = arith.constant 9 : i32
      %broadcast_in_dim3A_280 = vector.broadcast %broadcast_in_dim3A_279 : i32 to vector<16xi32>
      %gather3A_281 = tpu.vector_load_idx %arg8[%broadcast_in_dim3A_216, %add3A_227, %broadcast_in_dim3A_280] : memref<2x128x128xf32, #tpu.memory_space<vmem>>[vector<16xi32>, vector<16xi32>, vector<16xi32>], vector<16xf32>,
      %gather3A_282 = tpu.vector_load_idx %arg9[%broadcast_in_dim3A_216, %add3A_227, %broadcast_in_dim3A_280] : memref<2x128x128xf32, #tpu.memory_space<vmem>>[vector<16xi32>, vector<16xi32>, vector<16xi32>], vector<16xf32>,
      %mul3A_283 = arith.mulf %gather3A_281, %gather3A_282 : vector<16xf32>
      %sub3A_284 = arith.subf %sub3A_278, %mul3A_283 : vector<16xf32>
      %broadcast_in_dim3A_285 = arith.constant 10 : i32
      %broadcast_in_dim3A_286 = vector.broadcast %broadcast_in_dim3A_285 : i32 to vector<16xi32>
      %gather3A_287 = tpu.vector_load_idx %arg8[%broadcast_in_dim3A_216, %add3A_227, %broadcast_in_dim3A_286] : memref<2x128x128xf32, #tpu.memory_space<vmem>>[vector<16xi32>, vector<16xi32>, vector<16xi32>], vector<16xf32>,
      %gather3A_288 = tpu.vector_load_idx %arg9[%broadcast_in_dim3A_216, %add3A_227, %broadcast_in_dim3A_286] : memref<2x128x128xf32, #tpu.memory_space<vmem>>[vector<16xi32>, vector<16xi32>, vector<16xi32>], vector<16xf32>,
      %mul3A_289 = arith.mulf %gather3A_287, %gather3A_288 : vector<16xf32>
      %sub3A_290 = arith.subf %sub3A_284, %mul3A_289 : vector<16xf32>
      %broadcast_in_dim3A_291 = arith.constant 11 : i32
      %broadcast_in_dim3A_292 = vector.broadcast %broadcast_in_dim3A_291 : i32 to vector<16xi32>
      %gather3A_293 = tpu.vector_load_idx %arg8[%broadcast_in_dim3A_216, %add3A_227, %broadcast_in_dim3A_292] : memref<2x128x128xf32, #tpu.memory_space<vmem>>[vector<16xi32>, vector<16xi32>, vector<16xi32>], vector<16xf32>,
      %gather3A_294 = tpu.vector_load_idx %arg9[%broadcast_in_dim3A_216, %add3A_227, %broadcast_in_dim3A_292] : memref<2x128x128xf32, #tpu.memory_space<vmem>>[vector<16xi32>, vector<16xi32>, vector<16xi32>], vector<16xf32>,
      %mul3A_295 = arith.mulf %gather3A_293, %gather3A_294 : vector<16xf32>
      %sub3A_296 = arith.subf %sub3A_290, %mul3A_295 : vector<16xf32>
      %broadcast_in_dim3A_297 = arith.constant 12 : i32
      %broadcast_in_dim3A_298 = vector.broadcast %broadcast_in_dim3A_297 : i32 to vector<16xi32>
      %gather3A_299 = tpu.vector_load_idx %arg8[%broadcast_in_dim3A_216, %add3A_227, %broadcast_in_dim3A_298] : memref<2x128x128xf32, #tpu.memory_space<vmem>>[vector<16xi32>, vector<16xi32>, vector<16xi32>], vector<16xf32>,
      %gather3A_300 = tpu.vector_load_idx %arg9[%broadcast_in_dim3A_216, %add3A_227, %broadcast_in_dim3A_298] : memref<2x128x128xf32, #tpu.memory_space<vmem>>[vector<16xi32>, vector<16xi32>, vector<16xi32>], vector<16xf32>,
      %mul3A_301 = arith.mulf %gather3A_299, %gather3A_300 : vector<16xf32>
      %sub3A_302 = arith.subf %sub3A_296, %mul3A_301 : vector<16xf32>
      %broadcast_in_dim3A_303 = arith.constant 13 : i32
      %broadcast_in_dim3A_304 = vector.broadcast %broadcast_in_dim3A_303 : i32 to vector<16xi32>
      %gather3A_305 = tpu.vector_load_idx %arg8[%broadcast_in_dim3A_216, %add3A_227, %broadcast_in_dim3A_304] : memref<2x128x128xf32, #tpu.memory_space<vmem>>[vector<16xi32>, vector<16xi32>, vector<16xi32>], vector<16xf32>,
      %gather3A_306 = tpu.vector_load_idx %arg9[%broadcast_in_dim3A_216, %add3A_227, %broadcast_in_dim3A_304] : memref<2x128x128xf32, #tpu.memory_space<vmem>>[vector<16xi32>, vector<16xi32>, vector<16xi32>], vector<16xf32>,
      %mul3A_307 = arith.mulf %gather3A_305, %gather3A_306 : vector<16xf32>
      %sub3A_308 = arith.subf %sub3A_302, %mul3A_307 : vector<16xf32>
      %broadcast_in_dim3A_309 = arith.constant 14 : i32
      %broadcast_in_dim3A_310 = vector.broadcast %broadcast_in_dim3A_309 : i32 to vector<16xi32>
      %gather3A_311 = tpu.vector_load_idx %arg8[%broadcast_in_dim3A_216, %add3A_227, %broadcast_in_dim3A_310] : memref<2x128x128xf32, #tpu.memory_space<vmem>>[vector<16xi32>, vector<16xi32>, vector<16xi32>], vector<16xf32>,
      %gather3A_312 = tpu.vector_load_idx %arg9[%broadcast_in_dim3A_216, %add3A_227, %broadcast_in_dim3A_310] : memref<2x128x128xf32, #tpu.memory_space<vmem>>[vector<16xi32>, vector<16xi32>, vector<16xi32>], vector<16xf32>,
      %mul3A_313 = arith.mulf %gather3A_311, %gather3A_312 : vector<16xf32>
      %sub3A_314 = arith.subf %sub3A_308, %mul3A_313 : vector<16xf32>
      %broadcast_in_dim3A_315 = arith.constant 15 : i32
      %broadcast_in_dim3A_316 = vector.broadcast %broadcast_in_dim3A_315 : i32 to vector<16xi32>
      %gather3A_317 = tpu.vector_load_idx %arg8[%broadcast_in_dim3A_216, %add3A_227, %broadcast_in_dim3A_316] : memref<2x128x128xf32, #tpu.memory_space<vmem>>[vector<16xi32>, vector<16xi32>, vector<16xi32>], vector<16xf32>,
      %gather3A_318 = tpu.vector_load_idx %arg9[%broadcast_in_dim3A_216, %add3A_227, %broadcast_in_dim3A_316] : memref<2x128x128xf32, #tpu.memory_space<vmem>>[vector<16xi32>, vector<16xi32>, vector<16xi32>], vector<16xf32>,
      %mul3A_319 = arith.mulf %gather3A_317, %gather3A_318 : vector<16xf32>
      %sub3A_320 = arith.subf %sub3A_314, %mul3A_319 : vector<16xf32>
      %broadcast_in_dim3A_321 = arith.constant 16 : i32
      %broadcast_in_dim3A_322 = vector.broadcast %broadcast_in_dim3A_321 : i32 to vector<16xi32>
      %gather3A_323 = tpu.vector_load_idx %arg8[%broadcast_in_dim3A_216, %add3A_227, %broadcast_in_dim3A_322] : memref<2x128x128xf32, #tpu.memory_space<vmem>>[vector<16xi32>, vector<16xi32>, vector<16xi32>], vector<16xf32>,
      %gather3A_324 = tpu.vector_load_idx %arg9[%broadcast_in_dim3A_216, %add3A_227, %broadcast_in_dim3A_322] : memref<2x128x128xf32, #tpu.memory_space<vmem>>[vector<16xi32>, vector<16xi32>, vector<16xi32>], vector<16xf32>,
      %mul3A_325 = arith.mulf %gather3A_323, %gather3A_324 : vector<16xf32>
      %sub3A_326 = arith.subf %sub3A_320, %mul3A_325 : vector<16xf32>
      %broadcast_in_dim3A_327 = arith.constant 17 : i32
      %broadcast_in_dim3A_328 = vector.broadcast %broadcast_in_dim3A_327 : i32 to vector<16xi32>
      %gather3A_329 = tpu.vector_load_idx %arg8[%broadcast_in_dim3A_216, %add3A_227, %broadcast_in_dim3A_328] : memref<2x128x128xf32, #tpu.memory_space<vmem>>[vector<16xi32>, vector<16xi32>, vector<16xi32>], vector<16xf32>,
      %gather3A_330 = tpu.vector_load_idx %arg9[%broadcast_in_dim3A_216, %add3A_227, %broadcast_in_dim3A_328] : memref<2x128x128xf32, #tpu.memory_space<vmem>>[vector<16xi32>, vector<16xi32>, vector<16xi32>], vector<16xf32>,
      %mul3A_331 = arith.mulf %gather3A_329, %gather3A_330 : vector<16xf32>
      %sub3A_332 = arith.subf %sub3A_326, %mul3A_331 : vector<16xf32>
      %broadcast_in_dim3A_333 = arith.constant 18 : i32
      %broadcast_in_dim3A_334 = vector.broadcast %broadcast_in_dim3A_333 : i32 to vector<16xi32>
      %gather3A_335 = tpu.vector_load_idx %arg8[%broadcast_in_dim3A_216, %add3A_227, %broadcast_in_dim3A_334] : memref<2x128x128xf32, #tpu.memory_space<vmem>>[vector<16xi32>, vector<16xi32>, vector<16xi32>], vector<16xf32>,
      %gather3A_336 = tpu.vector_load_idx %arg9[%broadcast_in_dim3A_216, %add3A_227, %broadcast_in_dim3A_334] : memref<2x128x128xf32, #tpu.memory_space<vmem>>[vector<16xi32>, vector<16xi32>, vector<16xi32>], vector<16xf32>,
      %mul3A_337 = arith.mulf %gather3A_335, %gather3A_336 : vector<16xf32>
      %sub3A_338 = arith.subf %sub3A_332, %mul3A_337 : vector<16xf32>
      %broadcast_in_dim3A_339 = arith.constant 19 : i32
      %broadcast_in_dim3A_340 = vector.broadcast %broadcast_in_dim3A_339 : i32 to vector<16xi32>
      %gather3A_341 = tpu.vector_load_idx %arg8[%broadcast_in_dim3A_216, %add3A_227, %broadcast_in_dim3A_340] : memref<2x128x128xf32, #tpu.memory_space<vmem>>[vector<16xi32>, vector<16xi32>, vector<16xi32>], vector<16xf32>,
      %gather3A_342 = tpu.vector_load_idx %arg9[%broadcast_in_dim3A_216, %add3A_227, %broadcast_in_dim3A_340] : memref<2x128x128xf32, #tpu.memory_space<vmem>>[vector<16xi32>, vector<16xi32>, vector<16xi32>], vector<16xf32>,
      %mul3A_343 = arith.mulf %gather3A_341, %gather3A_342 : vector<16xf32>
      %sub3A_344 = arith.subf %sub3A_338, %mul3A_343 : vector<16xf32>
      %broadcast_in_dim3A_345 = arith.constant 20 : i32
      %broadcast_in_dim3A_346 = vector.broadcast %broadcast_in_dim3A_345 : i32 to vector<16xi32>
      %gather3A_347 = tpu.vector_load_idx %arg8[%broadcast_in_dim3A_216, %add3A_227, %broadcast_in_dim3A_346] : memref<2x128x128xf32, #tpu.memory_space<vmem>>[vector<16xi32>, vector<16xi32>, vector<16xi32>], vector<16xf32>,
      %gather3A_348 = tpu.vector_load_idx %arg9[%broadcast_in_dim3A_216, %add3A_227, %broadcast_in_dim3A_346] : memref<2x128x128xf32, #tpu.memory_space<vmem>>[vector<16xi32>, vector<16xi32>, vector<16xi32>], vector<16xf32>,
      %mul3A_349 = arith.mulf %gather3A_347, %gather3A_348 : vector<16xf32>
      %sub3A_350 = arith.subf %sub3A_344, %mul3A_349 : vector<16xf32>
      %broadcast_in_dim3A_351 = arith.constant 21 : i32
      %broadcast_in_dim3A_352 = vector.broadcast %broadcast_in_dim3A_351 : i32 to vector<16xi32>
      %gather3A_353 = tpu.vector_load_idx %arg8[%broadcast_in_dim3A_216, %add3A_227, %broadcast_in_dim3A_352] : memref<2x128x128xf32, #tpu.memory_space<vmem>>[vector<16xi32>, vector<16xi32>, vector<16xi32>], vector<16xf32>,
      %gather3A_354 = tpu.vector_load_idx %arg9[%broadcast_in_dim3A_216, %add3A_227, %broadcast_in_dim3A_352] : memref<2x128x128xf32, #tpu.memory_space<vmem>>[vector<16xi32>, vector<16xi32>, vector<16xi32>], vector<16xf32>,
      %mul3A_355 = arith.mulf %gather3A_353, %gather3A_354 : vector<16xf32>
      %sub3A_356 = arith.subf %sub3A_350, %mul3A_355 : vector<16xf32>
      %broadcast_in_dim3A_357 = arith.constant 22 : i32
      %broadcast_in_dim3A_358 = vector.broadcast %broadcast_in_dim3A_357 : i32 to vector<16xi32>
      %gather3A_359 = tpu.vector_load_idx %arg8[%broadcast_in_dim3A_216, %add3A_227, %broadcast_in_dim3A_358] : memref<2x128x128xf32, #tpu.memory_space<vmem>>[vector<16xi32>, vector<16xi32>, vector<16xi32>], vector<16xf32>,
      %gather3A_360 = tpu.vector_load_idx %arg9[%broadcast_in_dim3A_216, %add3A_227, %broadcast_in_dim3A_358] : memref<2x128x128xf32, #tpu.memory_space<vmem>>[vector<16xi32>, vector<16xi32>, vector<16xi32>], vector<16xf32>,
      %mul3A_361 = arith.mulf %gather3A_359, %gather3A_360 : vector<16xf32>
      %sub3A_362 = arith.subf %sub3A_356, %mul3A_361 : vector<16xf32>
      %broadcast_in_dim3A_363 = arith.constant 23 : i32
      %broadcast_in_dim3A_364 = vector.broadcast %broadcast_in_dim3A_363 : i32 to vector<16xi32>
      %gather3A_365 = tpu.vector_load_idx %arg8[%broadcast_in_dim3A_216, %add3A_227, %broadcast_in_dim3A_364] : memref<2x128x128xf32, #tpu.memory_space<vmem>>[vector<16xi32>, vector<16xi32>, vector<16xi32>], vector<16xf32>,
      %gather3A_366 = tpu.vector_load_idx %arg9[%broadcast_in_dim3A_216, %add3A_227, %broadcast_in_dim3A_364] : memref<2x128x128xf32, #tpu.memory_space<vmem>>[vector<16xi32>, vector<16xi32>, vector<16xi32>], vector<16xf32>,
      %mul3A_367 = arith.mulf %gather3A_365, %gather3A_366 : vector<16xf32>
      %sub3A_368 = arith.subf %sub3A_362, %mul3A_367 : vector<16xf32>
      %broadcast_in_dim3A_369 = arith.constant 24 : i32
      %broadcast_in_dim3A_370 = vector.broadcast %broadcast_in_dim3A_369 : i32 to vector<16xi32>
      %gather3A_371 = tpu.vector_load_idx %arg8[%broadcast_in_dim3A_216, %add3A_227, %broadcast_in_dim3A_370] : memref<2x128x128xf32, #tpu.memory_space<vmem>>[vector<16xi32>, vector<16xi32>, vector<16xi32>], vector<16xf32>,
      %gather3A_372 = tpu.vector_load_idx %arg9[%broadcast_in_dim3A_216, %add3A_227, %broadcast_in_dim3A_370] : memref<2x128x128xf32, #tpu.memory_space<vmem>>[vector<16xi32>, vector<16xi32>, vector<16xi32>], vector<16xf32>,
      %mul3A_373 = arith.mulf %gather3A_371, %gather3A_372 : vector<16xf32>
      %sub3A_374 = arith.subf %sub3A_368, %mul3A_373 : vector<16xf32>
      %broadcast_in_dim3A_375 = arith.constant 25 : i32
      %broadcast_in_dim3A_376 = vector.broadcast %broadcast_in_dim3A_375 : i32 to vector<16xi32>
      %gather3A_377 = tpu.vector_load_idx %arg8[%broadcast_in_dim3A_216, %add3A_227, %broadcast_in_dim3A_376] : memref<2x128x128xf32, #tpu.memory_space<vmem>>[vector<16xi32>, vector<16xi32>, vector<16xi32>], vector<16xf32>,
      %gather3A_378 = tpu.vector_load_idx %arg9[%broadcast_in_dim3A_216, %add3A_227, %broadcast_in_dim3A_376] : memref<2x128x128xf32, #tpu.memory_space<vmem>>[vector<16xi32>, vector<16xi32>, vector<16xi32>], vector<16xf32>,
      %mul3A_379 = arith.mulf %gather3A_377, %gather3A_378 : vector<16xf32>
      %sub3A_380 = arith.subf %sub3A_374, %mul3A_379 : vector<16xf32>
      %broadcast_in_dim3A_381 = arith.constant 26 : i32
      %broadcast_in_dim3A_382 = vector.broadcast %broadcast_in_dim3A_381 : i32 to vector<16xi32>
      %gather3A_383 = tpu.vector_load_idx %arg8[%broadcast_in_dim3A_216, %add3A_227, %broadcast_in_dim3A_382] : memref<2x128x128xf32, #tpu.memory_space<vmem>>[vector<16xi32>, vector<16xi32>, vector<16xi32>], vector<16xf32>,
      %gather3A_384 = tpu.vector_load_idx %arg9[%broadcast_in_dim3A_216, %add3A_227, %broadcast_in_dim3A_382] : memref<2x128x128xf32, #tpu.memory_space<vmem>>[vector<16xi32>, vector<16xi32>, vector<16xi32>], vector<16xf32>,
      %mul3A_385 = arith.mulf %gather3A_383, %gather3A_384 : vector<16xf32>
      %sub3A_386 = arith.subf %sub3A_380, %mul3A_385 : vector<16xf32>
      %broadcast_in_dim3A_387 = arith.constant 27 : i32
      %broadcast_in_dim3A_388 = vector.broadcast %broadcast_in_dim3A_387 : i32 to vector<16xi32>
      %gather3A_389 = tpu.vector_load_idx %arg8[%broadcast_in_dim3A_216, %add3A_227, %broadcast_in_dim3A_388] : memref<2x128x128xf32, #tpu.memory_space<vmem>>[vector<16xi32>, vector<16xi32>, vector<16xi32>], vector<16xf32>,
      %gather3A_390 = tpu.vector_load_idx %arg9[%broadcast_in_dim3A_216, %add3A_227, %broadcast_in_dim3A_388] : memref<2x128x128xf32, #tpu.memory_space<vmem>>[vector<16xi32>, vector<16xi32>, vector<16xi32>], vector<16xf32>,
      %mul3A_391 = arith.mulf %gather3A_389, %gather3A_390 : vector<16xf32>
      %sub3A_392 = arith.subf %sub3A_386, %mul3A_391 : vector<16xf32>
      %broadcast_in_dim3A_393 = arith.constant 28 : i32
      %broadcast_in_dim3A_394 = vector.broadcast %broadcast_in_dim3A_393 : i32 to vector<16xi32>
      %gather3A_395 = tpu.vector_load_idx %arg8[%broadcast_in_dim3A_216, %add3A_227, %broadcast_in_dim3A_394] : memref<2x128x128xf32, #tpu.memory_space<vmem>>[vector<16xi32>, vector<16xi32>, vector<16xi32>], vector<16xf32>,
      %gather3A_396 = tpu.vector_load_idx %arg9[%broadcast_in_dim3A_216, %add3A_227, %broadcast_in_dim3A_394] : memref<2x128x128xf32, #tpu.memory_space<vmem>>[vector<16xi32>, vector<16xi32>, vector<16xi32>], vector<16xf32>,
      %mul3A_397 = arith.mulf %gather3A_395, %gather3A_396 : vector<16xf32>
      %sub3A_398 = arith.subf %sub3A_392, %mul3A_397 : vector<16xf32>
      %broadcast_in_dim3A_399 = arith.constant 29 : i32
      %broadcast_in_dim3A_400 = vector.broadcast %broadcast_in_dim3A_399 : i32 to vector<16xi32>
      %gather3A_401 = tpu.vector_load_idx %arg8[%broadcast_in_dim3A_216, %add3A_227, %broadcast_in_dim3A_400] : memref<2x128x128xf32, #tpu.memory_space<vmem>>[vector<16xi32>, vector<16xi32>, vector<16xi32>], vector<16xf32>,
      %gather3A_402 = tpu.vector_load_idx %arg9[%broadcast_in_dim3A_216, %add3A_227, %broadcast_in_dim3A_400] : memref<2x128x128xf32, #tpu.memory_space<vmem>>[vector<16xi32>, vector<16xi32>, vector<16xi32>], vector<16xf32>,
      %mul3A_403 = arith.mulf %gather3A_401, %gather3A_402 : vector<16xf32>
      %sub3A_404 = arith.subf %sub3A_398, %mul3A_403 : vector<16xf32>
      %broadcast_in_dim3A_405 = arith.constant 30 : i32
      %broadcast_in_dim3A_406 = vector.broadcast %broadcast_in_dim3A_405 : i32 to vector<16xi32>
      %gather3A_407 = tpu.vector_load_idx %arg8[%broadcast_in_dim3A_216, %add3A_227, %broadcast_in_dim3A_406] : memref<2x128x128xf32, #tpu.memory_space<vmem>>[vector<16xi32>, vector<16xi32>, vector<16xi32>], vector<16xf32>,
      %gather3A_408 = tpu.vector_load_idx %arg9[%broadcast_in_dim3A_216, %add3A_227, %broadcast_in_dim3A_406] : memref<2x128x128xf32, #tpu.memory_space<vmem>>[vector<16xi32>, vector<16xi32>, vector<16xi32>], vector<16xf32>,
      %mul3A_409 = arith.mulf %gather3A_407, %gather3A_408 : vector<16xf32>
      %sub3A_410 = arith.subf %sub3A_404, %mul3A_409 : vector<16xf32>
      %broadcast_in_dim3A_411 = arith.constant 31 : i32
      %broadcast_in_dim3A_412 = vector.broadcast %broadcast_in_dim3A_411 : i32 to vector<16xi32>
      %gather3A_413 = tpu.vector_load_idx %arg8[%broadcast_in_dim3A_216, %add3A_227, %broadcast_in_dim3A_412] : memref<2x128x128xf32, #tpu.memory_space<vmem>>[vector<16xi32>, vector<16xi32>, vector<16xi32>], vector<16xf32>,
      %gather3A_414 = tpu.vector_load_idx %arg9[%broadcast_in_dim3A_216, %add3A_227, %broadcast_in_dim3A_412] : memref<2x128x128xf32, #tpu.memory_space<vmem>>[vector<16xi32>, vector<16xi32>, vector<16xi32>], vector<16xf32>,
      %mul3A_415 = arith.mulf %gather3A_413, %gather3A_414 : vector<16xf32>
      %sub3A_416 = arith.subf %sub3A_410, %mul3A_415 : vector<16xf32>
      %mul3A_417 = arith.constant 16 : i32
      %mul3A_418 = arith.muli %scan3A_223, %mul3A_417 : i32
      %add3A_419 = arith.constant 384 : i32
      %add3A_420 = arith.addi %add3A_419, %mul3A_418 : i32
      %swap3A = arith.index_cast %add3A_420 : i32 to index
      %swap3A_421 = tpu.vector_load %arg10[%swap3A] {strides = array<i32>} : memref<512xf32, #tpu.memory_space<vmem>>, vector<16xf32>,
      tpu.vector_store %arg10[%swap3A], %sub3A_416 {strides = array<i32>} : memref<512xf32, #tpu.memory_space<vmem>>, vector<16xf32>,
    }
    %scan3A_222 = arith.constant 8 : i32
    "tpu.region"() ({
      %run_scoped3A = tpu.sem_alloc : memref<!tpu.dma_semaphore, #tpu.memory_space<semaphore_mem>>
      %dma_start3A_223 = tpu.memref_slice %arg5[%mul3A_2] : memref<16384xf32, #tpu.memory_space<hbm>> -> memref<512xf32, #tpu.memory_space<hbm>>
      %dma_start3A_224 = tpu.memref_slice %arg5[%mul3A_2] : memref<16384xf32, #tpu.memory_space<hbm>> -> memref<512xf32, #tpu.memory_space<hbm>>
      tpu.enqueue_dma source(%arg10 : memref<512xf32, #tpu.memory_space<vmem>>) target(%dma_start3A_224 : memref<512xf32, #tpu.memory_space<hbm>>) target_semaphore(%run_scoped3A : memref<!tpu.dma_semaphore, #tpu.memory_space<semaphore_mem>>)
      %dma_wait3A_225 = tpu.memref_slice %arg5[%mul3A_2] : memref<16384xf32, #tpu.memory_space<hbm>> -> memref<512xf32, #tpu.memory_space<hbm>>
      %dma_wait3A_226 = tpu.memref_slice %arg5[%mul3A_2] : memref<16384xf32, #tpu.memory_space<hbm>> -> memref<512xf32, #tpu.memory_space<hbm>>
      tpu.wait_dma2 semaphore(%run_scoped3A : memref<!tpu.dma_semaphore, #tpu.memory_space<semaphore_mem>>) src(%arg10 : memref<512xf32, #tpu.memory_space<vmem>>) dst(%dma_wait3A_226 : memref<512xf32, #tpu.memory_space<hbm>>)
      tpu.yield
    }) : () -> ()
    return
  }
}

module attributes {stable_mosaic.version = 14 : i64} {
  func.func @_tc_body(%arg0: memref<128x128xf32, #tpu.memory_space<vmem>>, %arg1: memref<1x1xf32, #tpu.memory_space<smem>>, %arg2: memref<1x1xf32, #tpu.memory_space<smem>>, %arg3: memref<128x128xf32, #tpu.memory_space<vmem>>) attributes {dimension_semantics = [], scalar_prefetch = 0 : i64, scratch_operands = 0 : i64, tpu.core_type = #tpu.core_type<tc>} {
    %get3A = arith.constant 0 : index
    %get3A_0 = arith.constant 0 : index
    %get3A_1 = vector.load %arg0[%get3A, %get3A_0] : memref<128x128xf32, #tpu.memory_space<vmem>>, vector<128x128xf32>
    %jit3A = arith.constant 1.00000095 : f32
    %jit3A_2 = arith.constant 1.000000e+02 : f32
    %max3A = vector.broadcast %jit3A : f32 to vector<128x128xf32>
    %max3A_3 = arith.maximumf %max3A, %get3A_1 : vector<128x128xf32>
    %min3A = vector.broadcast %jit3A_2 : f32 to vector<128x128xf32>
    %min3A_4 = arith.minimumf %min3A, %max3A_3 : vector<128x128xf32>
    %sub3A = arith.constant 1.000000e+00 : f32
    %sub3A_5 = vector.broadcast %sub3A : f32 to vector<128x128xf32>
    %sub3A_6 = arith.subf %min3A_4, %sub3A_5 : vector<128x128xf32>
    %add3A = arith.constant 1.000000e+00 : f32
    %add3A_7 = vector.broadcast %add3A : f32 to vector<128x128xf32>
    %add3A_8 = arith.addf %min3A_4, %add3A_7 : vector<128x128xf32>
    %mul3A = arith.mulf %sub3A_6, %add3A_8 : vector<128x128xf32>
    %sqrt3A = math.sqrt %mul3A : vector<128x128xf32>
    %add3A_9 = arith.addf %min3A_4, %sqrt3A : vector<128x128xf32>
    %log3A = math.log %add3A_9 : vector<128x128xf32>
    %get3A_10 = arith.constant 0 : index
    %get3A_11 = arith.constant 0 : index
    %get3A_12 = memref.load %arg1[%get3A_10, %get3A_11] : memref<1x1xf32, #tpu.memory_space<smem>>
    %sub3A_13 = vector.broadcast %get3A_12 : f32 to vector<128x128xf32>
    %sub3A_14 = arith.subf %log3A, %sub3A_13 : vector<128x128xf32>
    %get3A_15 = arith.constant 0 : index
    %get3A_16 = arith.constant 0 : index
    %get3A_17 = memref.load %arg2[%get3A_15, %get3A_16] : memref<1x1xf32, #tpu.memory_space<smem>>
    %div3A = vector.broadcast %get3A_17 : f32 to vector<128x128xf32>
    %div3A_18 = arith.divf %sub3A_14, %div3A : vector<128x128xf32>
    %exp3A = math.exp %div3A_18 : vector<128x128xf32>
    %add3A_19 = arith.constant 1.000000e+00 : f32
    %add3A_20 = vector.broadcast %add3A_19 : f32 to vector<128x128xf32>
    %add3A_21 = arith.addf %exp3A, %add3A_20 : vector<128x128xf32>
    %div3A_22 = arith.constant 1.000000e+00 : f32
    %div3A_23 = vector.broadcast %div3A_22 : f32 to vector<128x128xf32>
    %div3A_24 = arith.divf %div3A_23, %add3A_21 : vector<128x128xf32>
    %swap3A = arith.constant 0 : index
    %swap3A_25 = arith.constant 0 : index
    %swap3A_26 = vector.load %arg3[%swap3A, %swap3A_25] : memref<128x128xf32, #tpu.memory_space<vmem>>, vector<128x128xf32>
    tpu.vector_store %arg3[%swap3A, %swap3A_25], %div3A_24 {strides = array<i32>} : memref<128x128xf32, #tpu.memory_space<vmem>>, vector<128x128xf32>,
    return
  }
}

</mosaic_0001>

<sc_bundles>
// kernel: kernel.4.cloned.1.call-start
scs
__scs_entry_jumppad:
0x0: {  	(pc) =	sbr.rel $0x88, $3  }
0x1: {  	(tag) =	ssettag $0x0;
	lr =	simm.s32 $0x1  }
0x2: {  	[smem:$0x3F9C] =	sst lr;
	_ =	strace $0xD0000000  }
0x3: {  	_ = 	snop  }
0x4: {  	_ = 	snop  }
0x5: {  	_ = 	snop  }
0x6: {  	_ = 	snop  }
0x7: {  	_ = 	snop  }
__scs_overlays_trampoline_lowered:
0x8: {  	[smem:$0x3FAB] =	sst s0  }
0x9: {  	[smem:$0x3FAC] =	sst s1  }
0xa: {  	[smem:$0x3FAD] =	sst s2  }
0xb: {  	[smem:$0x3FAE] =	sst s3  }
0xc: {  	[smem:$0x3FAF] =	sst s4  }
0xd: {  	[smem:$0x3FB0] =	sst s5  }
0xe: {  	[smem:$0x3FB1] =	sst s6  }
0xf: {  	[smem:$0x3FB2] =	sst s7  }
0x10: {  	[smem:$0x3FB3] =	sst s8  }
0x11: {  	[smem:$0x3FB4] =	sst s9;
	s0 =	simm.s32 @!p0 $0x0  }
0x12: {  	s1 =	sld [smem:$0x3F9A];
	s0 =	simm.s32 @p0 $0x1  }
0x13: {  	[smem:$0x3FB5] =	sst s0;
	s0 =	simm.s32 @!p1 $0x0  }
0x14: {  	s2 =	sld [smem:$0x3F99];
	s0 =	simm.s32 @p1 $0x1  }
0x15: {  	[smem:$0x3FB6] =	sst s0;
	s0 =	simm.s32 @!p2 $0x0  }
0x16: {  	s3 =	sld [smem:$0x3FDB];
	s0 =	simm.s32 @p2 $0x1  }
0x17: {  	s4 =	simm.s32 $0x1BF5;
	[smem:$0x3FB8] =	sst s0  }
0x18: {  	s0 =	sld [smem:$0x3F9B];
	_ =	swait.ge [sflag:s4], $0x0  }
0x19: {  	s7 =	sld [smem:$0x3F9C]  }
0x1a: {  	s8 =	sadd.s32 $0xFFFFE003, lr  }
0x1b: {  	s9 =	sadd.s32 $0xFFFFFEF7, lr;
	s5 =	simm.s32 $0xFFFFFFFF;
	p2 =	slt.u32 s8, $0xFFFFF086  }
0x1c: {  	p1 =	slt.u32 s9, $0xF7A;
	s5 =	simm.s32 @!p2 $0x0  }
0x1d: {  	s5 =	simm.s32 @p1 $0x1;
	p0 =	seq.s32 s7, s2  }
0x1e: {  	s7 =	smul.u32 @!p0 $0xF7A, s2;
	p2 =	seq.s32 @!p0 s5, $0x0  }
0x1f: {  	s9 =	smul.u32 $0xF7A, s1;
	s8 =	simm.s32 @!p0 $0x1BF5;
	p2 =	por !p2, p0  }
0x20: {  	[sflag:s8] =	ssyncset.s32 @!p0 $0xFFFFF086;
	s6 =	sadd.s32 @!p0 s3, s7;
	s7 =	simm.s32 @!p0 $0x108  }
0x21: {  	s3 =	sadd.s32 s3, s9;
	s6 =	sadd.s32 @!p0 $0x88, s6;
	s7 =	simm.s32 @p2 $0x1082  }
0x22: {  	[simem:s7], [sflag:s8] =	dma.local @!p0 [hbm:s6], $0xF7A  }
0x23: {  	s9 =	sor.u32 $0xD0000000, s2;
	s6 =	simm.s32 $0x108;
	_ =	swait.ge @!p0 [sflag:s8], $0x0  }
0x24: {  	s3 =	sadd.s32 $0x88, s3;
	s6 =	simm.s32 @!p1 $0x1082;
	[sflag:s4] =	ssyncset.s32 $0xFFFFF086  }
0x25: {  	[simem:s6], [sflag:s4] =	dma.local [hbm:s3], $0xF7A  }
0x26: {  	[smem:$0x3F9C] =	sst s1;
	(tag) =	ssettag s2;
	_ =	strace s9  }
0x27: {  	s1 =	sld [smem:$0x3FAC]  }
0x28: {  	s2 =	sld [smem:$0x3FAD]  }
0x29: {  	s4 =	sld [smem:$0x3FAF]  }
0x2a: {  	p0 =	seq.s32 s5, $0x0;
	s5 =	sld [smem:$0x3FB0]  }
0x2b: {  	s6 =	sld [smem:$0x3FB1]  }
0x2c: {  	s7 =	sld [smem:$0x3FB2]  }
0x2d: {  	s3 =	simm.s32 $0x108;
	s8 =	sld [smem:$0x3FB3]  }
0x2e: {  	s3 =	simm.s32 @!p0 $0x1082;
	s9 =	sld [smem:$0x3FB4]  }
0x2f: {  	lr =	sadd.s32 s0, s3;
	s0 =	sld [smem:$0x3FAB]  }
0x30: {  	s3 =	sld [smem:$0x3FAE]  }
0x31: {  	[smem:$0x3FB7] =	sst s10  }
0x32: {  	s10 =	sld [smem:$0x3FB5];
	_ =	sdelay $0x3  }
0x33: {  	p0 =	seq.s32 s10, $0x1;
	s10 =	sld [smem:$0x3FB7];
	_ =	sdelay $0x3  }
0x34: {  	[smem:$0x3FB7] =	sst s10  }
0x35: {  	s10 =	sld [smem:$0x3FB6];
	_ =	sdelay $0x3  }
0x36: {  	p1 =	seq.s32 s10, $0x1;
	s10 =	sld [smem:$0x3FB7];
	_ =	sdelay $0x3  }
0x37: {  	[smem:$0x3FB7] =	sst s10  }
0x38: {  	s10 =	sld [smem:$0x3FB8]  }
0x39: {  	_ = 	snop;
	(pc) =	sbr.ind lr, $3  }
0x3a: {  	_ = 	snop  }
0x3b: {  	_ = 	snop  }
0x3c: {  	p2 =	seq.s32 s10, $0x1;
	s10 =	sld [smem:$0x3FB7]  }
0x3d: {  	_ =	shalt  }
0x3e: {  	_ =	shalt  }
0x3f: {  	_ =	shalt  }
0x40: {  	_ =	shalt  }
0x41: {  	_ =	shalt  }
0x42: {  	_ =	shalt  }
0x43: {  	_ =	shalt  }
0x44: {  	_ =	shalt  }
0x45: {  	_ =	shalt  }
0x46: {  	_ =	shalt  }
0x47: {  	_ =	shalt  }
0x48: {  	_ =	shalt  }
0x49: {  	_ =	shalt  }
0x4a: {  	_ =	shalt  }
0x4b: {  	_ =	shalt  }
0x4c: {  	_ =	shalt  }
0x4d: {  	_ =	shalt  }
0x4e: {  	_ =	shalt  }
0x4f: {  	_ =	shalt  }
0x50: {  	_ =	shalt  }
0x51: {  	_ =	shalt  }
0x52: {  	_ =	shalt  }
0x53: {  	_ =	shalt  }
0x54: {  	_ =	shalt  }
0x55: {  	_ =	shalt  }
0x56: {  	_ =	shalt  }
0x57: {  	_ =	shalt  }
0x58: {  	_ =	shalt  }
0x59: {  	_ =	shalt  }
0x5a: {  	_ =	shalt  }
0x5b: {  	_ =	shalt  }
0x5c: {  	_ =	shalt  }
0x5d: {  	_ =	shalt  }
0x5e: {  	_ =	shalt  }
0x5f: {  	_ =	shalt  }
0x60: {  	_ =	shalt  }
0x61: {  	_ =	shalt  }
0x62: {  	_ =	shalt  }
0x63: {  	_ =	shalt  }
0x64: {  	_ =	shalt  }
0x65: {  	_ =	shalt  }
0x66: {  	_ =	shalt  }
0x67: {  	_ =	shalt  }
0x68: {  	_ =	shalt  }
0x69: {  	_ =	shalt  }
0x6a: {  	_ =	shalt  }
0x6b: {  	_ =	shalt  }
0x6c: {  	_ =	shalt  }
0x6d: {  	_ =	shalt  }
0x6e: {  	_ =	shalt  }
0x6f: {  	_ =	shalt  }
0x70: {  	_ =	shalt  }
0x71: {  	_ =	shalt  }
0x72: {  	_ =	shalt  }
0x73: {  	_ =	shalt  }
0x74: {  	_ =	shalt  }
0x75: {  	_ =	shalt  }
0x76: {  	_ =	shalt  }
0x77: {  	_ =	shalt  }
0x78: {  	_ =	shalt  }
0x79: {  	_ =	shalt  }
0x7a: {  	_ =	shalt  }
0x7b: {  	_ =	shalt  }
0x7c: {  	_ =	shalt  }
0x7d: {  	_ =	shalt  }
0x7e: {  	_ =	shalt  }
0x7f: {  	_ =	shalt  }
0x80: {  	_ =	shalt  }
0x81: {  	_ =	shalt  }
0x82: {  	_ =	shalt  }
0x83: {  	_ =	shalt  }
0x84: {  	_ =	shalt  }
0x85: {  	_ =	shalt  }
0x86: {  	_ =	shalt  }
0x87: {  	_ =	shalt  }
.Lfunc_end0:
.L_simem_size_0:
called_computation_lowered:
.L_overlay_start_0:
0x88: {  	s2 =	sld [smem:$0x3FD9]  }
0x89: {  	s3 =	sld [smem:$0x3FFE];
	_ =	sdelay $0x1  }
0x8a: {  	s1 =	srdreg.scid  }
0x8b: {  	s0 =	sand.u32 $0x1, s1  }
0x8c: {  	s17 =	sshll.u32 s0, $0xA;
	s2 =	sadd.s32 s3, s2  }
0x8d: {  	s2 =	sadd.s32 s2, s17  }
0x8e: {  	[smem:$0x3FC3] =	sst s2  }
0x8f: {  	_ = 	snop  }
0x90: {  	s2 =	sld [smem:$0x3FC9]  }
0x91: {  	s18 =	sld [smem:$0x3FC8]  }
0x92: {  	s4 =	sld [smem:$0x3FD0];
	(tm) =	ssettm $0x1  }
0x93: {  	s5 =	sld [smem:$0x3FFB];
	_ =	sdelay $0x3  }
0x94: {  	_ =	strace s5  }
0x95: {  	s5 =	sld [smem:$0x3FFC];
	_ =	sdelay $0x3  }
0x96: {  	_ =	strace s5  }
0x97: {  	s5 =	sld [smem:$0x3FFD];
	_ =	sdelay $0x3  }
0x98: {  	_ =	strace s5  }
0x99: {  	_ =	strace $0x8FFFFFFF  }
0x9a: {  	s19 =	sld [smem:$0x3FDB];
	_ =	sdelay $0x1  }
0x9b: {  	s6 =	simm.s32 $_scs_section_size  }
0x9c: {  	s7 =	simm.s32 $_size__tile_overlayer_lowered;
	s8 =	simm.s32 $_tile_overlayer_lowered  }
0x9d: {  	s22 =	simm.s32 $0x1BFF;
	s21 =	sshll.u32 s8, $0x1;
	s5 =	sadd.s32 s6, s19  }
0x9e: {  	s9 =	simm.s32 $0x0;
	s20 =	sshll.u32 s7, $0x1;
	s7 =	sadd.s32 s21, s5  }
0x9f: {  	[timem:s9], [sflag:s22] =	dma.local [hbm:s7], s20  }
0xa0: {  	_ =	swait.ge [sflag:s22], s20  }
0xa1: {  	s6 =	ssub.s32 $0x0, s20;
	[sflag:s22] =	ssyncset.done $0x0  }
0xa2: {  	[sflag:s22] =	ssyncadd.s32 s6;
	_ =	sdelay $0x1  }
0xa3: {  	s23 =	simm.s32 $0x1B8B  }
0xa4: {  	_ =	swait.ge [sflag:s23], $0x1  }
0xa5: {  	[sflag:s23] =	ssyncset.done $0x0  }
0xa6: {  	s25 =	simm.s32 $0x1B8E;
	s24 =	sld [smem:$0x3FFE];
	[sflag:s23] =	ssyncadd.s32 $0xFFFFFFFF  }
0xa7: {  	s26 =	simm.s32 $execute0_lowered;
	[smem:$0x3FD2] =	sst s25  }
0xa8: {  	s7 =	sshll.u32 s26, $0x1;
	_ =	strace $0x80000046;
	[dreg:$0x1] =	wrdreg $0xFFFFFFFF  }
0xa9: {  	s28 =	simm.s32 $_size_execute0_lowered;
	s5 =	sadd.s32 s5, s7;
	[dreg:$0x0] =	wrdreg $0x0  }
0xaa: {  	s7 =	sshll.u32 s28, $0x1;
	[dreg:$0x2] =	wrdreg s5  }
0xab: {  	[dreg:$0x3] =	wrdreg s7  }
0xac: {  	[dreg:$0x4] =	wrdreg $0xC0  }
0xad: {  	_ =	task [dreg:s9], $0x5FFFF  }
0xae: {  	[dreg:$0x1] =	wrdreg $0xFFFFFFFF  }
0xaf: {  	[dreg:$0x0] =	wrdreg $0x60  }
0xb0: {  	[dreg:$0x2] =	wrdreg s24  }
0xb1: {  	[dreg:$0x3] =	wrdreg s2  }
0xb2: {  	[dreg:$0x4] =	wrdreg s18  }
0xb3: {  	[dreg:$0x5] =	wrdreg s4  }
0xb4: {  	[dreg:$0x6] =	wrdreg $0x9  }
0xb5: {  	_ =	task.clear_ibuf [dreg:s9], $0x7FFFF;
	_ =	strace $0x90000046  }
0xb6: {  	s29 =	simm.s32 $0x9;
	_ =	strace $0x80000048  }
0xb7: {  	_ =	swait.ge [sflag:s29], $0x1  }
0xb8: {  	[sflag:s29] =	ssyncadd.s32 $0xFFFFFFFF  }
0xb9: {  	_ =	strace $0x90000048  }
0xba: {  	_ =	sfence  }
0xbb: {  	s30 =	sld [smem:$0x0];
	_ =	sdelay $0x2  }
0xbc: {  	s31 =	sshll.u32 s1, $0xD;
	s1 =	sshrl.u32 s1, $0x2  }
0xbd: {  	s3 =	sand.u32 $0x4000, s31;
	s1 =	sadd.s32 s1, s30  }
0xbe: {  	s0 =	sor.u32 s3, s0;
	s1 =	sshll.u32 s1, $0x11  }
0xbf: {  	s0 =	sor.u32 s1, s0  }
0xc0: {  	s0 =	sadd.s32 $0x8F2B, s0  }
0xc1: {  	[sflag:s0] =	ssyncadd.remote.s32 $0x1  }
0xc2: {  	_ =	sfence.sel $0xFFFF  }
0xc3: {  	[dreg:$0x0] =	wrdreg $0xFFFFFFFF;
	(pc) =	sbr.abs _section_cstart, $3  }
0xc4: {  	[dreg:$0x1] =	wrdreg $0xFFFFFFFF  }
0xc5: {  	_ =	task.clear_ibuf [dreg:s9], $0x2FFFF;
	_ =	strace $0x9FFFFFFF  }
0xc6: {  	(tm) =	ssettm $0x7FFFFFFF  }
0xc7: {  	_ =	shalt  }
tec
execute0_lowered:
.L_overlay_start_1:
0x0: {  	(tag) =	ssettag $0x1  }
0x1: {  	s3 =	rddreg [dreg:$0x0]  }
0x2: {  	s4 =	rddreg [dreg:$0x1]  }
0x3: {  	s5 =	rddreg [dreg:$0x2]  }
0x4: {  	s6 =	rddreg [dreg:$0x3]  }
0x5: {  	s0 =	rddreg [dreg:$0x4];
	s2 =	simm.s32 $0x0;
	s7 =	srdreg.scid  }
0x6: {  	s1 =	stileid.u32;
	s11 =	simm.s32 $0x400;
	s12 =	simm.s32 $0x8400  }
0x7: {  	s13 =	simm.s32 $0x4400;
	s14 =	simm.s32 $0x280;
	s15 =	simm.s32 $0xC400  }
0x8: {  	s16 =	simm.s32 $0x1;
	s17 =	simm.s32 $0x100;
	s18 =	simm.s32 $0x300  }
0x9: {  	s19 =	simm.s32 $0x180;
	s20 =	simm.s32 $0x380;
	s21 =	simm.s32 $0x10400  }
0xa: {  	s22 =	simm.s32 $0x0;
	[smem:$0x7FF] =	sst s2;
	s7 =	sand.u32 $0x1, s7  }
0xb: {  	s9 =	sshll.u32 s1, $0x7;
	s3 =	sadd.s32 $0xF42A00, s3;
	s8 =	ssub.s32 $0x2, s7  }
0xc: {  	s7 =	sshll.u32 s7, $0x6;
	_ =	strace $0x80000047;
	s10 =	sshrl.u32 s8, $0x1  }
0xd: {  	s7 =	sor.u32 s7, s9;
	s9 =	simm.s32 $0x200;
	s8 =	ssub.s32 s8, s10  }
0xe: {  	v0 =	vlaneseq.u32;
	s4 =	sadd.s32 s4, s7;
	s5 =	sadd.s32 s5, s7;
	s6 =	sadd.s32 s6, s7  }
0xf: {  	v0 =	vmul.u32 $0x80, v0;
	s10 =	simm.s32 $0x80;
	s7 =	smax.u32 s8, $0x1;
	s8 =	simm.s32 $0x2  }
.LBB2_1:
0x10: {  	[tilespmem:s2], [sflag:$0x2] =	stream.linear.gather [hbm4b:s4+s2], $0x200, $0x38;
	[tilespmem:$0x10600] =	vst v63  }
0x11: {  	_ =	swait.ge [sflag:s8], $0x200  }
0x12: {  	[sflag:s8] =	ssyncset.done $0x0  }
0x13: {  	[sflag:s8] =	ssyncadd.s32 $0xFFFFFE00  }
0x14: {  	[tilespmem:s9], [sflag:$0x2] =	stream.linear.gather [hbm4b:s5+s2], $0x200, $0x38;
	[tilespmem:$0x10600] =	vst v63  }
0x15: {  	_ =	swait.ge [sflag:s8], $0x200  }
0x16: {  	[sflag:s8] =	ssyncset.done $0x0  }
0x17: {  	[sflag:s8] =	ssyncadd.s32 $0xFFFFFE00  }
0x18: {  	[tilespmem:s11], [sflag:$0x1] =	stream.indirect.gather [hbm4b:s3+s10], $0x80, s2, s10, $0xb8;
	[tilespmem:$0x10600] =	vst v63  }
0x19: {  	_ = 	snop  }
0x1a: {  	[tilespmem:s12], [sflag:$0x1] =	stream.indirect.gather [hbm4b:s3+s10], $0x80, s9, s10, $0xb8;
	[tilespmem:$0x10600] =	vst v63  }
0x1b: {  	_ = 	snop  }
0x1c: {  	[tilespmem:s13], [sflag:$0x1] =	stream.indirect.gather [hbm4b:s3+s10], $0x80, s10, s10, $0xb8;
	[tilespmem:$0x10600] =	vst v63  }
0x1d: {  	_ = 	snop  }
0x1e: {  	v1 =	vmov s2;
	[tilespmem:s15], [sflag:$0x1] =	stream.indirect.gather [hbm4b:s3+s10], $0x80, s14, s10, $0xb8;
	[tilespmem:$0x10600] =	vst v63  }
0x1f: {  	v1 =	vshll.u32 v1, $0x7;
	_ =	swait.ge [sflag:s16], $0x4000  }
0x20: {  	v1 =	vor.u32 v0, v1;
	[sflag:s16] =	ssyncset.done $0x0  }
0x21: {  	[sflag:s16] =	ssyncadd.s32 $0xFFFFC000  }
0x22: {  	v2 =	vor.u32 $0x1, v1;
	_ =	swait.ge [sflag:s16], $0x4000  }
0x23: {  	[sflag:s16] =	ssyncset.done $0x0  }
0x24: {  	v3 =	vor.u32 $0x2, v1;
	[sflag:s16] =	ssyncadd.s32 $0xFFFFC000  }
0x25: {  	v4 =	vld.idx.msk [tilespmem:v1+s12+$0x0], $0xffff  }
0x26: {  	v6 =	vor.u32 $0x3, v1;
	v5 =	vld.idx.msk [tilespmem:v1+s11+$0x0], $0xffff  }
0x27: {  	v7 =	vld.idx.msk [tilespmem:v2+s11+$0x0], $0xffff  }
0x28: {  	v8 =	vor.u32 $0x4, v1;
	v2 =	vld.idx.msk [tilespmem:v2+s12+$0x0], $0xffff  }
0x29: {  	v9 =	vld.idx.msk [tilespmem:v3+s11+$0x0], $0xffff  }
0x2a: {  	v10 =	vor.u32 $0x5, v1;
	v3 =	vld.idx.msk [tilespmem:v3+s12+$0x0], $0xffff  }
0x2b: {  	v11 =	vld.idx.msk [tilespmem:v6+s11+$0x0], $0xffff  }
0x2c: {  	v12 =	vor.u32 $0x6, v1;
	v6 =	vld.idx.msk [tilespmem:v6+s12+$0x0], $0xffff  }
0x2d: {  	v13 =	vld.idx.msk [tilespmem:v8+s11+$0x0], $0xffff;
	v4 =	vmul.f32 v4, v5;
	v2 =	vmul.f32 v2, v7  }
0x2e: {  	v32 =	vor.u32 $0x7, v1;
	v5 =	vld.idx.msk [tilespmem:v8+s12+$0x0], $0xffff  }
0x2f: {  	v33 =	vld.idx.msk [tilespmem:v10+s11+$0x0], $0xffff;
	v3 =	vmul.f32 v3, v9;
	v2 =	vsub.f32 v4, v2  }
0x30: {  	v34 =	vor.u32 $0x8, v1;
	v4 =	vld.idx.msk [tilespmem:v10+s12+$0x0], $0xffff  }
0x31: {  	v35 =	vld.idx.msk [tilespmem:v12+s11+$0x0], $0xffff;
	v2 =	vsub.f32 v2, v3;
	v3 =	vmul.f32 v6, v11  }
0x32: {  	v37 =	vor.u32 $0x9, v1;
	v36 =	vld.idx.msk [tilespmem:v12+s12+$0x0], $0xffff  }
0x33: {  	v38 =	vld.idx.msk [tilespmem:v32+s11+$0x0], $0xffff;
	v2 =	vsub.f32 v2, v3;
	v3 =	vmul.f32 v5, v13  }
0x34: {  	v39 =	vor.u32 $0xA, v1;
	v5 =	vld.idx.msk [tilespmem:v32+s12+$0x0], $0xffff  }
0x35: {  	v40 =	vld.idx.msk [tilespmem:v34+s11+$0x0], $0xffff;
	v2 =	vsub.f32 v2, v3;
	v3 =	vmul.f32 v4, v33  }
0x36: {  	v41 =	vor.u32 $0xB, v1;
	v4 =	vld.idx.msk [tilespmem:v34+s12+$0x0], $0xffff  }
0x37: {  	v42 =	vld.idx.msk [tilespmem:v37+s11+$0x0], $0xffff;
	v2 =	vsub.f32 v2, v3;
	v3 =	vmul.f32 v36, v35  }
0x38: {  	v44 =	vor.u32 $0xC, v1;
	v43 =	vld.idx.msk [tilespmem:v37+s12+$0x0], $0xffff  }
0x39: {  	v45 =	vld.idx.msk [tilespmem:v39+s11+$0x0], $0xffff;
	v2 =	vsub.f32 v2, v3;
	v3 =	vmul.f32 v5, v38  }
0x3a: {  	v46 =	vor.u32 $0xD, v1;
	v5 =	vld.idx.msk [tilespmem:v39+s12+$0x0], $0xffff  }
0x3b: {  	v47 =	vld.idx.msk [tilespmem:v41+s11+$0x0], $0xffff;
	v2 =	vsub.f32 v2, v3;
	v3 =	vmul.f32 v4, v40  }
0x3c: {  	v48 =	vor.u32 $0xE, v1;
	v4 =	vld.idx.msk [tilespmem:v41+s12+$0x0], $0xffff  }
0x3d: {  	v49 =	vld.idx.msk [tilespmem:v44+s11+$0x0], $0xffff;
	v2 =	vsub.f32 v2, v3;
	v3 =	vmul.f32 v43, v42  }
0x3e: {  	v51 =	vor.u32 $0xF, v1;
	v50 =	vld.idx.msk [tilespmem:v44+s12+$0x0], $0xffff  }
0x3f: {  	v52 =	vld.idx.msk [tilespmem:v46+s11+$0x0], $0xffff;
	v2 =	vsub.f32 v2, v3;
	v3 =	vmul.f32 v5, v45  }
0x40: {  	v53 =	vor.u32 $0x10, v1;
	v5 =	vld.idx.msk [tilespmem:v46+s12+$0x0], $0xffff  }
0x41: {  	v54 =	vld.idx.msk [tilespmem:v48+s11+$0x0], $0xffff;
	v2 =	vsub.f32 v2, v3;
	v3 =	vmul.f32 v4, v47  }
0x42: {  	v55 =	vor.u32 $0x11, v1;
	v4 =	vld.idx.msk [tilespmem:v48+s12+$0x0], $0xffff  }
0x43: {  	v56 =	vld.idx.msk [tilespmem:v51+s11+$0x0], $0xffff;
	v2 =	vsub.f32 v2, v3;
	v3 =	vmul.f32 v50, v49  }
0x44: {  	v58 =	vor.u32 $0x12, v1;
	v57 =	vld.idx.msk [tilespmem:v51+s12+$0x0], $0xffff  }
0x45: {  	v59 =	vld.idx.msk [tilespmem:v53+s11+$0x0], $0xffff;
	v2 =	vsub.f32 v2, v3;
	v3 =	vmul.f32 v5, v52  }
0x46: {  	v60 =	vor.u32 $0x13, v1;
	v5 =	vld.idx.msk [tilespmem:v53+s12+$0x0], $0xffff  }
0x47: {  	v61 =	vld.idx.msk [tilespmem:v55+s11+$0x0], $0xffff;
	v2 =	vsub.f32 v2, v3;
	v3 =	vmul.f32 v4, v54  }
0x48: {  	v62 =	vor.u32 $0x14, v1;
	v4 =	vld.idx.msk [tilespmem:v55+s12+$0x0], $0xffff  }
0x49: {  	v63 =	vld.idx.msk [tilespmem:v58+s11+$0x0], $0xffff;
	v2 =	vsub.f32 v2, v3;
	v3 =	vmul.f32 v57, v56  }
0x4a: {  	v17 =	vor.u32 $0x15, v1;
	v16 =	vld.idx.msk [tilespmem:v58+s12+$0x0], $0xffff  }
0x4b: {  	v18 =	vld.idx.msk [tilespmem:v60+s11+$0x0], $0xffff;
	v2 =	vsub.f32 v2, v3;
	v3 =	vmul.f32 v5, v59  }
0x4c: {  	v19 =	vor.u32 $0x16, v1;
	v5 =	vld.idx.msk [tilespmem:v60+s12+$0x0], $0xffff  }
0x4d: {  	v20 =	vld.idx.msk [tilespmem:v62+s11+$0x0], $0xffff;
	v2 =	vsub.f32 v2, v3;
	v3 =	vmul.f32 v4, v61  }
0x4e: {  	v21 =	vor.u32 $0x17, v1;
	v4 =	vld.idx.msk [tilespmem:v62+s12+$0x0], $0xffff  }
0x4f: {  	v22 =	vld.idx.msk [tilespmem:v17+s11+$0x0], $0xffff;
	v2 =	vsub.f32 v2, v3;
	v3 =	vmul.f32 v16, v63  }
0x50: {  	v24 =	vor.u32 $0x18, v1;
	v23 =	vld.idx.msk [tilespmem:v17+s12+$0x0], $0xffff  }
0x51: {  	v25 =	vld.idx.msk [tilespmem:v19+s11+$0x0], $0xffff;
	v2 =	vsub.f32 v2, v3;
	v3 =	vmul.f32 v5, v18  }
0x52: {  	v26 =	vor.u32 $0x19, v1;
	v5 =	vld.idx.msk [tilespmem:v19+s12+$0x0], $0xffff  }
0x53: {  	v27 =	vld.idx.msk [tilespmem:v21+s11+$0x0], $0xffff;
	v2 =	vsub.f32 v2, v3;
	v3 =	vmul.f32 v4, v20  }
0x54: {  	v28 =	vor.u32 $0x1A, v1;
	v4 =	vld.idx.msk [tilespmem:v21+s12+$0x0], $0xffff  }
0x55: {  	v29 =	vld.idx.msk [tilespmem:v24+s11+$0x0], $0xffff;
	v2 =	vsub.f32 v2, v3;
	v3 =	vmul.f32 v23, v22  }
0x56: {  	v31 =	vor.u32 $0x1B, v1;
	v30 =	vld.idx.msk [tilespmem:v24+s12+$0x0], $0xffff  }
0x57: {  	v32 =	vld.idx.msk [tilespmem:v26+s11+$0x0], $0xffff;
	v2 =	vsub.f32 v2, v3;
	v3 =	vmul.f32 v5, v25  }
0x58: {  	v33 =	vor.u32 $0x1C, v1;
	v5 =	vld.idx.msk [tilespmem:v26+s12+$0x0], $0xffff  }
0x59: {  	v34 =	vld.idx.msk [tilespmem:v28+s11+$0x0], $0xffff;
	v2 =	vsub.f32 v2, v3;
	v3 =	vmul.f32 v4, v27  }
0x5a: {  	v35 =	vor.u32 $0x1D, v1;
	v4 =	vld.idx.msk [tilespmem:v28+s12+$0x0], $0xffff  }
0x5b: {  	v37 =	vld.idx.msk [tilespmem:v31+s12+$0x0], $0xffff;
	v2 =	vsub.f32 v2, v3;
	v3 =	vmul.f32 v30, v29  }
0x5c: {  	v36 =	vld.idx.msk [tilespmem:v31+s11+$0x0], $0xffff;
	v38 =	vor.u32 $0x1E, v1  }
0x5d: {  	v39 =	vld.idx.msk [tilespmem:v33+s11+$0x0], $0xffff;
	v2 =	vsub.f32 v2, v3;
	v3 =	vmul.f32 v5, v32  }
0x5e: {  	v1 =	vor.u32 $0x1F, v1;
	v5 =	vld.idx.msk [tilespmem:v33+s12+$0x0], $0xffff  }
0x5f: {  	v40 =	vld.idx.msk [tilespmem:v35+s11+$0x0], $0xffff;
	v2 =	vsub.f32 v2, v3;
	v3 =	vmul.f32 v4, v34  }
0x60: {  	v4 =	vld.idx.msk [tilespmem:v35+s12+$0x0], $0xffff  }
0x61: {  	v41 =	vld.idx.msk [tilespmem:v38+s11+$0x0], $0xffff;
	v2 =	vsub.f32 v2, v3;
	v3 =	vmul.f32 v37, v36  }
0x62: {  	v42 =	vld.idx.msk [tilespmem:v38+s12+$0x0], $0xffff  }
0x63: {  	v43 =	vld.idx.msk [tilespmem:v1+s11+$0x0], $0xffff;
	v2 =	vsub.f32 v2, v3;
	v3 =	vmul.f32 v5, v39  }
0x64: {  	v5 =	vld.idx.msk [tilespmem:v1+s12+$0x0], $0xffff  }
0x65: {  	v1 =	vsub.f32 v2, v3;
	v2 =	vmul.f32 v4, v40  }
0x66: {  	s23 =	simm.s32 $0x10  }
0x67: {  	v3 =	vmov s23;
	v4 =	vmul.f32 v42, v41;
	v2 =	vsub.f32 v1, v2  }
0x68: {  	v1 =	vshll.u32 v3, $0x7  }
0x69: {  	v1 =	vor.u32 v0, v1;
	v3 =	vmul.f32 v5, v43;
	v2 =	vsub.f32 v2, v4;
	_ =	sdelay $0x1  }
0x6a: {  	v4 =	vor.u32 $0x1, v1;
	v2 =	vsub.f32 v2, v3;
	_ =	sdelay $0x1  }
0x6b: {  	v3 =	vor.u32 $0x2, v1;
	[tilespmem:s21+$0x0] =	vst v2  }
0x6c: {  	v2 =	vld.idx.msk [tilespmem:v1+s12+$0x0], $0xffff  }
0x6d: {  	v44 =	vor.u32 $0x3, v1;
	v5 =	vld.idx.msk [tilespmem:v1+s11+$0x0], $0xffff  }
0x6e: {  	v45 =	vld.idx.msk [tilespmem:v4+s11+$0x0], $0xffff  }
0x6f: {  	v46 =	vor.u32 $0x4, v1;
	v4 =	vld.idx.msk [tilespmem:v4+s12+$0x0], $0xffff  }
0x70: {  	v47 =	vld.idx.msk [tilespmem:v3+s11+$0x0], $0xffff  }
0x71: {  	v48 =	vor.u32 $0x5, v1;
	v3 =	vld.idx.msk [tilespmem:v3+s12+$0x0], $0xffff  }
0x72: {  	v49 =	vld.idx.msk [tilespmem:v44+s11+$0x0], $0xffff  }
0x73: {  	v50 =	vor.u32 $0x6, v1;
	v6 =	vld.idx.msk [tilespmem:v44+s12+$0x0], $0xffff  }
0x74: {  	v51 =	vld.idx.msk [tilespmem:v46+s11+$0x0], $0xffff;
	v2 =	vmul.f32 v2, v5;
	v4 =	vmul.f32 v4, v45  }
0x75: {  	v52 =	vor.u32 $0x7, v1;
	v5 =	vld.idx.msk [tilespmem:v46+s12+$0x0], $0xffff  }
0x76: {  	v53 =	vld.idx.msk [tilespmem:v48+s11+$0x0], $0xffff;
	v2 =	vsub.f32 v2, v4;
	v3 =	vmul.f32 v3, v47  }
0x77: {  	v54 =	vor.u32 $0x8, v1;
	v4 =	vld.idx.msk [tilespmem:v48+s12+$0x0], $0xffff  }
0x78: {  	v55 =	vld.idx.msk [tilespmem:v50+s11+$0x0], $0xffff;
	v2 =	vsub.f32 v2, v3;
	v3 =	vmul.f32 v6, v49  }
0x79: {  	v57 =	vor.u32 $0x9, v1;
	v56 =	vld.idx.msk [tilespmem:v50+s12+$0x0], $0xffff  }
0x7a: {  	v58 =	vld.idx.msk [tilespmem:v52+s11+$0x0], $0xffff;
	v2 =	vsub.f32 v2, v3;
	v3 =	vmul.f32 v5, v51  }
0x7b: {  	v59 =	vor.u32 $0xA, v1;
	v5 =	vld.idx.msk [tilespmem:v52+s12+$0x0], $0xffff  }
0x7c: {  	v60 =	vld.idx.msk [tilespmem:v54+s11+$0x0], $0xffff;
	v2 =	vsub.f32 v2, v3;
	v3 =	vmul.f32 v4, v53  }
0x7d: {  	v61 =	vor.u32 $0xB, v1;
	v4 =	vld.idx.msk [tilespmem:v54+s12+$0x0], $0xffff  }
0x7e: {  	v62 =	vld.idx.msk [tilespmem:v57+s11+$0x0], $0xffff;
	v2 =	vsub.f32 v2, v3;
	v3 =	vmul.f32 v56, v55  }
0x7f: {  	v16 =	vor.u32 $0xC, v1;
	v63 =	vld.idx.msk [tilespmem:v57+s12+$0x0], $0xffff  }
0x80: {  	v17 =	vld.idx.msk [tilespmem:v59+s11+$0x0], $0xffff;
	v2 =	vsub.f32 v2, v3;
	v3 =	vmul.f32 v5, v58  }
0x81: {  	v18 =	vor.u32 $0xD, v1;
	v5 =	vld.idx.msk [tilespmem:v59+s12+$0x0], $0xffff  }
0x82: {  	v19 =	vld.idx.msk [tilespmem:v61+s11+$0x0], $0xffff;
	v2 =	vsub.f32 v2, v3;
	v3 =	vmul.f32 v4, v60  }
0x83: {  	v20 =	vor.u32 $0xE, v1;
	v4 =	vld.idx.msk [tilespmem:v61+s12+$0x0], $0xffff  }
0x84: {  	v21 =	vld.idx.msk [tilespmem:v16+s11+$0x0], $0xffff;
	v2 =	vsub.f32 v2, v3;
	v3 =	vmul.f32 v63, v62  }
0x85: {  	v23 =	vor.u32 $0xF, v1;
	v22 =	vld.idx.msk [tilespmem:v16+s12+$0x0], $0xffff  }
0x86: {  	v24 =	vld.idx.msk [tilespmem:v18+s11+$0x0], $0xffff;
	v2 =	vsub.f32 v2, v3;
	v3 =	vmul.f32 v5, v17  }
0x87: {  	v25 =	vor.u32 $0x10, v1;
	v5 =	vld.idx.msk [tilespmem:v18+s12+$0x0], $0xffff  }
0x88: {  	v26 =	vld.idx.msk [tilespmem:v20+s11+$0x0], $0xffff;
	v2 =	vsub.f32 v2, v3;
	v3 =	vmul.f32 v4, v19  }
0x89: {  	v27 =	vor.u32 $0x11, v1;
	v4 =	vld.idx.msk [tilespmem:v20+s12+$0x0], $0xffff  }
0x8a: {  	v28 =	vld.idx.msk [tilespmem:v23+s11+$0x0], $0xffff;
	v2 =	vsub.f32 v2, v3;
	v3 =	vmul.f32 v22, v21  }
0x8b: {  	v30 =	vor.u32 $0x12, v1;
	v29 =	vld.idx.msk [tilespmem:v23+s12+$0x0], $0xffff  }
0x8c: {  	v31 =	vld.idx.msk [tilespmem:v25+s11+$0x0], $0xffff;
	v2 =	vsub.f32 v2, v3;
	v3 =	vmul.f32 v5, v24  }
0x8d: {  	v32 =	vor.u32 $0x13, v1;
	v5 =	vld.idx.msk [tilespmem:v25+s12+$0x0], $0xffff  }
0x8e: {  	v33 =	vld.idx.msk [tilespmem:v27+s11+$0x0], $0xffff;
	v2 =	vsub.f32 v2, v3;
	v3 =	vmul.f32 v4, v26  }
0x8f: {  	v34 =	vor.u32 $0x14, v1;
	v4 =	vld.idx.msk [tilespmem:v27+s12+$0x0], $0xffff  }
0x90: {  	v35 =	vld.idx.msk [tilespmem:v30+s11+$0x0], $0xffff;
	v2 =	vsub.f32 v2, v3;
	v3 =	vmul.f32 v29, v28  }
0x91: {  	v37 =	vor.u32 $0x15, v1;
	v36 =	vld.idx.msk [tilespmem:v30+s12+$0x0], $0xffff  }
0x92: {  	v38 =	vld.idx.msk [tilespmem:v32+s11+$0x0], $0xffff;
	v2 =	vsub.f32 v2, v3;
	v3 =	vmul.f32 v5, v31  }
0x93: {  	v39 =	vor.u32 $0x16, v1;
	v5 =	vld.idx.msk [tilespmem:v32+s12+$0x0], $0xffff  }
0x94: {  	v40 =	vld.idx.msk [tilespmem:v34+s11+$0x0], $0xffff;
	v2 =	vsub.f32 v2, v3;
	v3 =	vmul.f32 v4, v33  }
0x95: {  	v41 =	vor.u32 $0x17, v1;
	v4 =	vld.idx.msk [tilespmem:v34+s12+$0x0], $0xffff  }
0x96: {  	v42 =	vld.idx.msk [tilespmem:v37+s11+$0x0], $0xffff;
	v2 =	vsub.f32 v2, v3;
	v3 =	vmul.f32 v36, v35  }
0x97: {  	v43 =	vld.idx.msk [tilespmem:v37+s12+$0x0], $0xffff;
	v44 =	vor.u32 $0x18, v1  }
0x98: {  	v45 =	vld.idx.msk [tilespmem:v39+s11+$0x0], $0xffff;
	v2 =	vsub.f32 v2, v3;
	v3 =	vmul.f32 v5, v38  }
0x99: {  	v46 =	vor.u32 $0x19, v1;
	v5 =	vld.idx.msk [tilespmem:v39+s12+$0x0], $0xffff  }
0x9a: {  	v47 =	vld.idx.msk [tilespmem:v41+s11+$0x0], $0xffff;
	v2 =	vsub.f32 v2, v3;
	v3 =	vmul.f32 v4, v40  }
0x9b: {  	v48 =	vor.u32 $0x1A, v1;
	v4 =	vld.idx.msk [tilespmem:v41+s12+$0x0], $0xffff  }
0x9c: {  	v50 =	vld.idx.msk [tilespmem:v44+s12+$0x0], $0xffff;
	v2 =	vsub.f32 v2, v3;
	v3 =	vmul.f32 v43, v42  }
0x9d: {  	v49 =	vld.idx.msk [tilespmem:v44+s11+$0x0], $0xffff;
	v51 =	vor.u32 $0x1B, v1  }
0x9e: {  	v52 =	vld.idx.msk [tilespmem:v46+s11+$0x0], $0xffff;
	v2 =	vsub.f32 v2, v3;
	v3 =	vmul.f32 v5, v45  }
0x9f: {  	v53 =	vor.u32 $0x1C, v1;
	v5 =	vld.idx.msk [tilespmem:v46+s12+$0x0], $0xffff  }
0xa0: {  	v54 =	vld.idx.msk [tilespmem:v48+s11+$0x0], $0xffff;
	v2 =	vsub.f32 v2, v3;
	v3 =	vmul.f32 v4, v47  }
0xa1: {  	v55 =	vor.u32 $0x1D, v1;
	v4 =	vld.idx.msk [tilespmem:v48+s12+$0x0], $0xffff  }
0xa2: {  	v56 =	vld.idx.msk [tilespmem:v51+s11+$0x0], $0xffff;
	v2 =	vsub.f32 v2, v3;
	v3 =	vmul.f32 v50, v49  }
0xa3: {  	v57 =	vld.idx.msk [tilespmem:v51+s12+$0x0], $0xffff;
	v58 =	vor.u32 $0x1E, v1  }
0xa4: {  	v59 =	vld.idx.msk [tilespmem:v53+s11+$0x0], $0xffff;
	v2 =	vsub.f32 v2, v3;
	v3 =	vmul.f32 v5, v52  }
0xa5: {  	v1 =	vor.u32 $0x1F, v1;
	v5 =	vld.idx.msk [tilespmem:v53+s12+$0x0], $0xffff  }
0xa6: {  	v60 =	vld.idx.msk [tilespmem:v55+s11+$0x0], $0xffff;
	v2 =	vsub.f32 v2, v3;
	v3 =	vmul.f32 v4, v54  }
0xa7: {  	v4 =	vld.idx.msk [tilespmem:v55+s12+$0x0], $0xffff  }
0xa8: {  	v61 =	vld.idx.msk [tilespmem:v58+s11+$0x0], $0xffff;
	v2 =	vsub.f32 v2, v3;
	v3 =	vmul.f32 v57, v56  }
0xa9: {  	v62 =	vld.idx.msk [tilespmem:v58+s12+$0x0], $0xffff  }
0xaa: {  	v63 =	vld.idx.msk [tilespmem:v1+s11+$0x0], $0xffff;
	v2 =	vsub.f32 v2, v3;
	v3 =	vmul.f32 v5, v59  }
0xab: {  	v5 =	vld.idx.msk [tilespmem:v1+s12+$0x0], $0xffff  }
0xac: {  	v1 =	vsub.f32 v2, v3;
	v2 =	vmul.f32 v4, v60  }
0xad: {  	s31 =	simm.s32 $0x20  }
0xae: {  	v3 =	vmov s31;
	v4 =	vmul.f32 v62, v61;
	v2 =	vsub.f32 v1, v2  }
0xaf: {  	v1 =	vshll.u32 v3, $0x7  }
0xb0: {  	s24 =	simm.s32 $0x30;
	s23 =	simm.s32 $0x10400;
	v1 =	vor.u32 v0, v1;
	v3 =	vmul.f32 v5, v63;
	v2 =	vsub.f32 v2, v4  }
.LBB2_2:
0xb1: {  	p0 =	sne.s32 s24, $0x70  }
0xb2: {  	v4 =	vor.u32 $0x1, v1;
	v2 =	vsub.f32 v2, v3  }
0xb3: {  	s23 =	sadd.s32 $0x10, s23  }
0xb4: {  	v3 =	vor.u32 $0x2, v1;
	[tilespmem:s23+$0x0] =	vst v2  }
0xb5: {  	v2 =	vld.idx.msk [tilespmem:v1+s12+$0x0], $0xffff  }
0xb6: {  	v6 =	vor.u32 $0x3, v1;
	v5 =	vld.idx.msk [tilespmem:v1+s11+$0x0], $0xffff  }
0xb7: {  	v7 =	vld.idx.msk [tilespmem:v4+s11+$0x0], $0xffff  }
0xb8: {  	v8 =	vor.u32 $0x4, v1;
	v4 =	vld.idx.msk [tilespmem:v4+s12+$0x0], $0xffff  }
0xb9: {  	v9 =	vld.idx.msk [tilespmem:v3+s11+$0x0], $0xffff  }
0xba: {  	v10 =	vor.u32 $0x5, v1;
	v3 =	vld.idx.msk [tilespmem:v3+s12+$0x0], $0xffff  }
0xbb: {  	v11 =	vld.idx.msk [tilespmem:v6+s11+$0x0], $0xffff  }
0xbc: {  	v12 =	vor.u32 $0x6, v1;
	v6 =	vld.idx.msk [tilespmem:v6+s12+$0x0], $0xffff  }
0xbd: {  	v13 =	vld.idx.msk [tilespmem:v8+s11+$0x0], $0xffff  }
0xbe: {  	v2 =	vmul.f32 v2, v5;
	v4 =	vmul.f32 v4, v7;
	v7 =	vor.u32 $0x7, v1;
	v5 =	vld.idx.msk [tilespmem:v8+s12+$0x0], $0xffff  }
0xbf: {  	v8 =	vld.idx.msk [tilespmem:v10+s11+$0x0], $0xffff  }
0xc0: {  	v2 =	vsub.f32 v2, v4;
	v3 =	vmul.f32 v3, v9;
	v9 =	vor.u32 $0x8, v1;
	v4 =	vld.idx.msk [tilespmem:v10+s12+$0x0], $0xffff  }
0xc1: {  	v10 =	vld.idx.msk [tilespmem:v12+s11+$0x0], $0xffff  }
0xc2: {  	v2 =	vsub.f32 v2, v3;
	v3 =	vmul.f32 v6, v11;
	v11 =	vor.u32 $0x9, v1;
	v6 =	vld.idx.msk [tilespmem:v12+s12+$0x0], $0xffff  }
0xc3: {  	v12 =	vld.idx.msk [tilespmem:v7+s11+$0x0], $0xffff  }
0xc4: {  	v2 =	vsub.f32 v2, v3;
	v3 =	vmul.f32 v5, v13;
	v5 =	vld.idx.msk [tilespmem:v7+s12+$0x0], $0xffff;
	v7 =	vor.u32 $0xA, v1  }
0xc5: {  	v13 =	vld.idx.msk [tilespmem:v9+s11+$0x0], $0xffff  }
0xc6: {  	v2 =	vsub.f32 v2, v3;
	v3 =	vmul.f32 v4, v8;
	v8 =	vor.u32 $0xB, v1;
	v4 =	vld.idx.msk [tilespmem:v9+s12+$0x0], $0xffff  }
0xc7: {  	v9 =	vld.idx.msk [tilespmem:v11+s11+$0x0], $0xffff  }
0xc8: {  	v2 =	vsub.f32 v2, v3;
	v3 =	vmul.f32 v6, v10;
	v10 =	vor.u32 $0xC, v1;
	v6 =	vld.idx.msk [tilespmem:v11+s12+$0x0], $0xffff  }
0xc9: {  	v11 =	vld.idx.msk [tilespmem:v7+s11+$0x0], $0xffff  }
0xca: {  	v2 =	vsub.f32 v2, v3;
	v3 =	vmul.f32 v5, v12;
	v5 =	vld.idx.msk [tilespmem:v7+s12+$0x0], $0xffff;
	v7 =	vor.u32 $0xD, v1  }
0xcb: {  	v12 =	vld.idx.msk [tilespmem:v8+s11+$0x0], $0xffff  }
0xcc: {  	v2 =	vsub.f32 v2, v3;
	v3 =	vmul.f32 v4, v13;
	v4 =	vld.idx.msk [tilespmem:v8+s12+$0x0], $0xffff;
	v8 =	vor.u32 $0xE, v1  }
0xcd: {  	v13 =	vld.idx.msk [tilespmem:v10+s11+$0x0], $0xffff  }
0xce: {  	v2 =	vsub.f32 v2, v3;
	v3 =	vmul.f32 v6, v9;
	v9 =	vor.u32 $0xF, v1;
	v6 =	vld.idx.msk [tilespmem:v10+s12+$0x0], $0xffff  }
0xcf: {  	v10 =	vld.idx.msk [tilespmem:v7+s11+$0x0], $0xffff  }
0xd0: {  	v2 =	vsub.f32 v2, v3;
	v3 =	vmul.f32 v5, v11;
	v5 =	vld.idx.msk [tilespmem:v7+s12+$0x0], $0xffff;
	v7 =	vor.u32 $0x10, v1  }
0xd1: {  	v11 =	vld.idx.msk [tilespmem:v8+s11+$0x0], $0xffff  }
0xd2: {  	v2 =	vsub.f32 v2, v3;
	v3 =	vmul.f32 v4, v12;
	v4 =	vld.idx.msk [tilespmem:v8+s12+$0x0], $0xffff;
	v8 =	vor.u32 $0x11, v1  }
0xd3: {  	v12 =	vld.idx.msk [tilespmem:v9+s11+$0x0], $0xffff  }
0xd4: {  	v2 =	vsub.f32 v2, v3;
	v3 =	vmul.f32 v6, v13;
	v6 =	vld.idx.msk [tilespmem:v9+s12+$0x0], $0xffff;
	v9 =	vor.u32 $0x12, v1  }
0xd5: {  	v13 =	vld.idx.msk [tilespmem:v7+s11+$0x0], $0xffff  }
0xd6: {  	v2 =	vsub.f32 v2, v3;
	v3 =	vmul.f32 v5, v10;
	v5 =	vld.idx.msk [tilespmem:v7+s12+$0x0], $0xffff;
	v7 =	vor.u32 $0x13, v1  }
0xd7: {  	v10 =	vld.idx.msk [tilespmem:v8+s11+$0x0], $0xffff  }
0xd8: {  	v2 =	vsub.f32 v2, v3;
	v3 =	vmul.f32 v4, v11;
	v4 =	vld.idx.msk [tilespmem:v8+s12+$0x0], $0xffff;
	v8 =	vor.u32 $0x14, v1  }
0xd9: {  	v11 =	vld.idx.msk [tilespmem:v9+s11+$0x0], $0xffff  }
0xda: {  	v2 =	vsub.f32 v2, v3;
	v3 =	vmul.f32 v6, v12;
	v6 =	vld.idx.msk [tilespmem:v9+s12+$0x0], $0xffff;
	v9 =	vor.u32 $0x15, v1  }
0xdb: {  	v12 =	vld.idx.msk [tilespmem:v7+s11+$0x0], $0xffff  }
0xdc: {  	v2 =	vsub.f32 v2, v3;
	v3 =	vmul.f32 v5, v13;
	v5 =	vld.idx.msk [tilespmem:v7+s12+$0x0], $0xffff;
	v7 =	vor.u32 $0x16, v1  }
0xdd: {  	v13 =	vld.idx.msk [tilespmem:v8+s11+$0x0], $0xffff  }
0xde: {  	v2 =	vsub.f32 v2, v3;
	v3 =	vmul.f32 v4, v10;
	v4 =	vld.idx.msk [tilespmem:v8+s12+$0x0], $0xffff;
	v8 =	vor.u32 $0x17, v1  }
0xdf: {  	v10 =	vld.idx.msk [tilespmem:v9+s11+$0x0], $0xffff  }
0xe0: {  	v2 =	vsub.f32 v2, v3;
	v3 =	vmul.f32 v6, v11;
	v6 =	vld.idx.msk [tilespmem:v9+s12+$0x0], $0xffff;
	v9 =	vor.u32 $0x18, v1  }
0xe1: {  	v11 =	vld.idx.msk [tilespmem:v7+s11+$0x0], $0xffff  }
0xe2: {  	v2 =	vsub.f32 v2, v3;
	v3 =	vmul.f32 v5, v12;
	v5 =	vld.idx.msk [tilespmem:v7+s12+$0x0], $0xffff;
	v7 =	vor.u32 $0x19, v1  }
0xe3: {  	v12 =	vld.idx.msk [tilespmem:v8+s11+$0x0], $0xffff  }
0xe4: {  	v2 =	vsub.f32 v2, v3;
	v3 =	vmul.f32 v4, v13;
	v4 =	vld.idx.msk [tilespmem:v8+s12+$0x0], $0xffff;
	v8 =	vor.u32 $0x1A, v1  }
0xe5: {  	v13 =	vld.idx.msk [tilespmem:v9+s11+$0x0], $0xffff  }
0xe6: {  	v2 =	vsub.f32 v2, v3;
	v3 =	vmul.f32 v6, v10;
	v6 =	vld.idx.msk [tilespmem:v9+s12+$0x0], $0xffff;
	v9 =	vor.u32 $0x1B, v1  }
0xe7: {  	v10 =	vld.idx.msk [tilespmem:v7+s11+$0x0], $0xffff  }
0xe8: {  	v2 =	vsub.f32 v2, v3;
	v3 =	vmul.f32 v5, v11;
	v5 =	vld.idx.msk [tilespmem:v7+s12+$0x0], $0xffff;
	v7 =	vor.u32 $0x1C, v1  }
0xe9: {  	v11 =	vld.idx.msk [tilespmem:v8+s11+$0x0], $0xffff  }
0xea: {  	v2 =	vsub.f32 v2, v3;
	v3 =	vmul.f32 v4, v12;
	v4 =	vld.idx.msk [tilespmem:v8+s12+$0x0], $0xffff;
	v8 =	vor.u32 $0x1D, v1  }
0xeb: {  	v12 =	vld.idx.msk [tilespmem:v9+s11+$0x0], $0xffff  }
0xec: {  	v2 =	vsub.f32 v2, v3;
	v3 =	vmul.f32 v6, v13;
	v6 =	vld.idx.msk [tilespmem:v9+s12+$0x0], $0xffff;
	v9 =	vor.u32 $0x1E, v1  }
0xed: {  	v13 =	vld.idx.msk [tilespmem:v7+s11+$0x0], $0xffff  }
0xee: {  	v1 =	vor.u32 $0x1F, v1;
	v2 =	vsub.f32 v2, v3;
	v3 =	vmul.f32 v5, v10;
	v5 =	vld.idx.msk [tilespmem:v7+s12+$0x0], $0xffff  }
0xef: {  	v7 =	vld.idx.msk [tilespmem:v8+s11+$0x0], $0xffff  }
0xf0: {  	v2 =	vsub.f32 v2, v3;
	v3 =	vmul.f32 v4, v11;
	v4 =	vld.idx.msk [tilespmem:v8+s12+$0x0], $0xffff  }
0xf1: {  	v8 =	vld.idx.msk [tilespmem:v9+s11+$0x0], $0xffff  }
0xf2: {  	v2 =	vsub.f32 v2, v3;
	v3 =	vmul.f32 v6, v12;
	v6 =	vld.idx.msk [tilespmem:v9+s12+$0x0], $0xffff  }
0xf3: {  	v9 =	vld.idx.msk [tilespmem:v1+s11+$0x0], $0xffff  }
0xf4: {  	v2 =	vsub.f32 v2, v3;
	v3 =	vmul.f32 v5, v13;
	v5 =	vld.idx.msk [tilespmem:v1+s12+$0x0], $0xffff;
	_ =	sdelay $0x1  }
.Ltmp0:
0xf5: {  	v1 =	vsub.f32 v2, v3;
	v2 =	vmul.f32 v4, v7;
	(pc) =	sbr.rel @p0 .LBB2_2-.Ltmp0, $4  }
0xf6: {  	_ = 	snop  }
0xf7: {  	v3 =	vmov s24;
	v2 =	vsub.f32 v1, v2;
	v4 =	vmul.f32 v6, v8  }
0xf8: {  	v1 =	vshll.u32 v3, $0x7  }
0xf9: {  	s24 =	sadd.s32 $0x10, s24;
	v1 =	vor.u32 v0, v1;
	v2 =	vsub.f32 v2, v4;
	v3 =	vmul.f32 v5, v9  }
0xfa: {  	_ = 	snop  }
0xfb: {  	v4 =	vor.u32 $0x1, v1;
	v2 =	vsub.f32 v2, v3  }
0xfc: {  	s23 =	sadd.s32 $0x10, s23  }
0xfd: {  	v3 =	vor.u32 $0x2, v1;
	[tilespmem:s23+$0x0] =	vst v2  }
0xfe: {  	v2 =	vld.idx.msk [tilespmem:v1+s12+$0x0], $0xffff  }
0xff: {  	v6 =	vor.u32 $0x3, v1;
	v5 =	vld.idx.msk [tilespmem:v1+s11+$0x0], $0xffff  }
0x100: {  	v7 =	vld.idx.msk [tilespmem:v4+s11+$0x0], $0xffff  }
0x101: {  	v8 =	vor.u32 $0x4, v1;
	v4 =	vld.idx.msk [tilespmem:v4+s12+$0x0], $0xffff  }
0x102: {  	v9 =	vld.idx.msk [tilespmem:v3+s11+$0x0], $0xffff  }
0x103: {  	v10 =	vor.u32 $0x5, v1;
	v3 =	vld.idx.msk [tilespmem:v3+s12+$0x0], $0xffff  }
0x104: {  	v11 =	vld.idx.msk [tilespmem:v6+s11+$0x0], $0xffff  }
0x105: {  	v12 =	vor.u32 $0x6, v1;
	v6 =	vld.idx.msk [tilespmem:v6+s12+$0x0], $0xffff  }
0x106: {  	v13 =	vld.idx.msk [tilespmem:v8+s11+$0x0], $0xffff;
	v2 =	vmul.f32 v2, v5;
	v4 =	vmul.f32 v4, v7  }
0x107: {  	v5 =	vld.idx.msk [tilespmem:v8+s12+$0x0], $0xffff;
	v7 =	vor.u32 $0x7, v1  }
0x108: {  	v24 =	vld.idx.msk [tilespmem:v10+s11+$0x0], $0xffff;
	v3 =	vmul.f32 v3, v9;
	v2 =	vsub.f32 v2, v4  }
0x109: {  	v25 =	vor.u32 $0x8, v1;
	v4 =	vld.idx.msk [tilespmem:v10+s12+$0x0], $0xffff  }
0x10a: {  	v26 =	vld.idx.msk [tilespmem:v12+s11+$0x0], $0xffff;
	v2 =	vsub.f32 v2, v3;
	v3 =	vmul.f32 v6, v11  }
0x10b: {  	v27 =	vor.u32 $0x9, v1;
	v6 =	vld.idx.msk [tilespmem:v12+s12+$0x0], $0xffff  }
0x10c: {  	v28 =	vld.idx.msk [tilespmem:v7+s11+$0x0], $0xffff;
	v2 =	vsub.f32 v2, v3;
	v3 =	vmul.f32 v5, v13  }
0x10d: {  	v5 =	vld.idx.msk [tilespmem:v7+s12+$0x0], $0xffff;
	v7 =	vor.u32 $0xA, v1  }
0x10e: {  	v29 =	vld.idx.msk [tilespmem:v25+s11+$0x0], $0xffff;
	v2 =	vsub.f32 v2, v3;
	v3 =	vmul.f32 v4, v24  }
0x10f: {  	v30 =	vor.u32 $0xB, v1;
	v4 =	vld.idx.msk [tilespmem:v25+s12+$0x0], $0xffff  }
0x110: {  	v31 =	vld.idx.msk [tilespmem:v27+s11+$0x0], $0xffff;
	v2 =	vsub.f32 v2, v3;
	v3 =	vmul.f32 v6, v26  }
0x111: {  	v32 =	vor.u32 $0xC, v1;
	v6 =	vld.idx.msk [tilespmem:v27+s12+$0x0], $0xffff  }
0x112: {  	v33 =	vld.idx.msk [tilespmem:v7+s11+$0x0], $0xffff;
	v2 =	vsub.f32 v2, v3;
	v3 =	vmul.f32 v5, v28  }
0x113: {  	v5 =	vld.idx.msk [tilespmem:v7+s12+$0x0], $0xffff;
	v7 =	vor.u32 $0xD, v1  }
0x114: {  	v34 =	vld.idx.msk [tilespmem:v30+s11+$0x0], $0xffff;
	v2 =	vsub.f32 v2, v3;
	v3 =	vmul.f32 v4, v29  }
0x115: {  	v35 =	vor.u32 $0xE, v1;
	v4 =	vld.idx.msk [tilespmem:v30+s12+$0x0], $0xffff  }
0x116: {  	v36 =	vld.idx.msk [tilespmem:v32+s11+$0x0], $0xffff;
	v2 =	vsub.f32 v2, v3;
	v3 =	vmul.f32 v6, v31  }
0x117: {  	v37 =	vor.u32 $0xF, v1;
	v6 =	vld.idx.msk [tilespmem:v32+s12+$0x0], $0xffff  }
0x118: {  	v38 =	vld.idx.msk [tilespmem:v7+s11+$0x0], $0xffff;
	v2 =	vsub.f32 v2, v3;
	v3 =	vmul.f32 v5, v33  }
0x119: {  	v5 =	vld.idx.msk [tilespmem:v7+s12+$0x0], $0xffff;
	v7 =	vor.u32 $0x10, v1  }
0x11a: {  	v39 =	vld.idx.msk [tilespmem:v35+s11+$0x0], $0xffff;
	v2 =	vsub.f32 v2, v3;
	v3 =	vmul.f32 v4, v34  }
0x11b: {  	v40 =	vor.u32 $0x11, v1;
	v4 =	vld.idx.msk [tilespmem:v35+s12+$0x0], $0xffff  }
0x11c: {  	v41 =	vld.idx.msk [tilespmem:v37+s11+$0x0], $0xffff;
	v2 =	vsub.f32 v2, v3;
	v3 =	vmul.f32 v6, v36  }
0x11d: {  	v42 =	vor.u32 $0x12, v1;
	v6 =	vld.idx.msk [tilespmem:v37+s12+$0x0], $0xffff  }
0x11e: {  	v43 =	vld.idx.msk [tilespmem:v7+s11+$0x0], $0xffff;
	v2 =	vsub.f32 v2, v3;
	v3 =	vmul.f32 v5, v38  }
0x11f: {  	v5 =	vld.idx.msk [tilespmem:v7+s12+$0x0], $0xffff;
	v7 =	vor.u32 $0x13, v1  }
0x120: {  	v44 =	vld.idx.msk [tilespmem:v40+s11+$0x0], $0xffff;
	v2 =	vsub.f32 v2, v3;
	v3 =	vmul.f32 v4, v39  }
0x121: {  	v45 =	vor.u32 $0x14, v1;
	v4 =	vld.idx.msk [tilespmem:v40+s12+$0x0], $0xffff  }
0x122: {  	v46 =	vld.idx.msk [tilespmem:v42+s11+$0x0], $0xffff;
	v2 =	vsub.f32 v2, v3;
	v3 =	vmul.f32 v6, v41  }
0x123: {  	v47 =	vor.u32 $0x15, v1;
	v6 =	vld.idx.msk [tilespmem:v42+s12+$0x0], $0xffff  }
0x124: {  	v48 =	vld.idx.msk [tilespmem:v7+s11+$0x0], $0xffff;
	v2 =	vsub.f32 v2, v3;
	v3 =	vmul.f32 v5, v43  }
0x125: {  	v5 =	vld.idx.msk [tilespmem:v7+s12+$0x0], $0xffff;
	v7 =	vor.u32 $0x16, v1  }
0x126: {  	v49 =	vld.idx.msk [tilespmem:v45+s11+$0x0], $0xffff;
	v2 =	vsub.f32 v2, v3;
	v3 =	vmul.f32 v4, v44  }
0x127: {  	v50 =	vor.u32 $0x17, v1;
	v4 =	vld.idx.msk [tilespmem:v45+s12+$0x0], $0xffff  }
0x128: {  	v51 =	vld.idx.msk [tilespmem:v47+s11+$0x0], $0xffff;
	v2 =	vsub.f32 v2, v3;
	v3 =	vmul.f32 v6, v46  }
0x129: {  	v52 =	vor.u32 $0x18, v1;
	v6 =	vld.idx.msk [tilespmem:v47+s12+$0x0], $0xffff  }
0x12a: {  	v53 =	vld.idx.msk [tilespmem:v7+s11+$0x0], $0xffff;
	v2 =	vsub.f32 v2, v3;
	v3 =	vmul.f32 v5, v48  }
0x12b: {  	v5 =	vld.idx.msk [tilespmem:v7+s12+$0x0], $0xffff;
	v7 =	vor.u32 $0x19, v1  }
0x12c: {  	v54 =	vld.idx.msk [tilespmem:v50+s11+$0x0], $0xffff;
	v2 =	vsub.f32 v2, v3;
	v3 =	vmul.f32 v4, v49  }
0x12d: {  	v55 =	vor.u32 $0x1A, v1;
	v4 =	vld.idx.msk [tilespmem:v50+s12+$0x0], $0xffff  }
0x12e: {  	v56 =	vld.idx.msk [tilespmem:v52+s11+$0x0], $0xffff;
	v2 =	vsub.f32 v2, v3;
	v3 =	vmul.f32 v6, v51  }
0x12f: {  	v57 =	vor.u32 $0x1B, v1;
	v6 =	vld.idx.msk [tilespmem:v52+s12+$0x0], $0xffff  }
0x130: {  	v58 =	vld.idx.msk [tilespmem:v7+s11+$0x0], $0xffff;
	v2 =	vsub.f32 v2, v3;
	v3 =	vmul.f32 v5, v53  }
0x131: {  	v5 =	vld.idx.msk [tilespmem:v7+s12+$0x0], $0xffff;
	v7 =	vor.u32 $0x1C, v1  }
0x132: {  	v59 =	vld.idx.msk [tilespmem:v55+s11+$0x0], $0xffff;
	v2 =	vsub.f32 v2, v3;
	v3 =	vmul.f32 v4, v54  }
0x133: {  	v60 =	vor.u32 $0x1D, v1;
	v4 =	vld.idx.msk [tilespmem:v55+s12+$0x0], $0xffff  }
0x134: {  	v61 =	vld.idx.msk [tilespmem:v57+s11+$0x0], $0xffff;
	v2 =	vsub.f32 v2, v3;
	v3 =	vmul.f32 v6, v56  }
0x135: {  	v62 =	vor.u32 $0x1E, v1;
	v6 =	vld.idx.msk [tilespmem:v57+s12+$0x0], $0xffff  }
0x136: {  	v63 =	vld.idx.msk [tilespmem:v7+s11+$0x0], $0xffff;
	v2 =	vsub.f32 v2, v3;
	v3 =	vmul.f32 v5, v58  }
0x137: {  	v1 =	vor.u32 $0x1F, v1;
	v5 =	vld.idx.msk [tilespmem:v7+s12+$0x0], $0xffff  }
0x138: {  	v7 =	vld.idx.msk [tilespmem:v60+s11+$0x0], $0xffff;
	v2 =	vsub.f32 v2, v3;
	v3 =	vmul.f32 v4, v59  }
0x139: {  	v4 =	vld.idx.msk [tilespmem:v60+s12+$0x0], $0xffff  }
0x13a: {  	v16 =	vld.idx.msk [tilespmem:v62+s11+$0x0], $0xffff;
	v2 =	vsub.f32 v2, v3;
	v3 =	vmul.f32 v6, v61  }
0x13b: {  	v6 =	vld.idx.msk [tilespmem:v62+s12+$0x0], $0xffff  }
0x13c: {  	v17 =	vld.idx.msk [tilespmem:v1+s11+$0x0], $0xffff;
	v2 =	vsub.f32 v2, v3;
	v3 =	vmul.f32 v5, v63  }
0x13d: {  	v1 =	vld.idx.msk [tilespmem:v1+s12+$0x0], $0xffff  }
0x13e: {  	v2 =	vsub.f32 v2, v3;
	v3 =	vmul.f32 v4, v7;
	_ =	sdelay $0x1  }
0x13f: {  	v2 =	vsub.f32 v2, v3;
	v3 =	vmul.f32 v6, v16;
	_ =	sdelay $0x1  }
0x140: {  	v1 =	vmul.f32 v1, v17;
	v2 =	vsub.f32 v2, v3;
	_ =	sdelay $0x1  }
0x141: {  	v1 =	vsub.f32 v2, v1  }
0x142: {  	s23 =	sadd.s32 $0x10, s23  }
0x143: {  	s30 =	simm.s32 $0x0;
	[tilespmem:s23+$0x0] =	vst v1  }
0x144: {  	[tilespmem:s11], [sflag:$0x1] =	stream.indirect.gather [hbm4b:s3+s10], $0x80, s17, s10, $0xb8;
	[tilespmem:$0x10600] =	vst v63  }
0x145: {  	v1 =	vmov s30  }
0x146: {  	v1 =	vshll.u32 v1, $0x7;
	[tilespmem:s12], [sflag:$0x1] =	stream.indirect.gather [hbm4b:s3+s10], $0x80, s18, s10, $0xb8;
	[tilespmem:$0x10600] =	vst v63  }
0x147: {  	v1 =	vor.u32 v0, v1;
	_ =	swait.ge [sflag:s16], $0x4000  }
0x148: {  	v2 =	vor.u32 $0x4000, v1;
	[sflag:s16] =	ssyncset.done $0x0  }
0x149: {  	[sflag:s16] =	ssyncadd.s32 $0xFFFFC000  }
0x14a: {  	v3 =	vor.u32 $0x4001, v1;
	_ =	swait.ge [sflag:s16], $0x4000  }
0x14b: {  	[sflag:s16] =	ssyncset.done $0x0  }
0x14c: {  	v4 =	vor.u32 $0x4002, v1;
	[sflag:s16] =	ssyncadd.s32 $0xFFFFC000  }
0x14d: {  	v5 =	vld.idx.msk [tilespmem:v2+s12+$0x0], $0xffff  }
0x14e: {  	v6 =	vor.u32 $0x4003, v1;
	v2 =	vld.idx.msk [tilespmem:v2+s11+$0x0], $0xffff  }
0x14f: {  	v7 =	vld.idx.msk [tilespmem:v3+s11+$0x0], $0xffff  }
0x150: {  	v18 =	vor.u32 $0x4004, v1;
	v3 =	vld.idx.msk [tilespmem:v3+s12+$0x0], $0xffff  }
0x151: {  	v19 =	vld.idx.msk [tilespmem:v4+s11+$0x0], $0xffff  }
0x152: {  	v20 =	vor.u32 $0x4005, v1;
	v4 =	vld.idx.msk [tilespmem:v4+s12+$0x0], $0xffff  }
0x153: {  	v21 =	vld.idx.msk [tilespmem:v6+s11+$0x0], $0xffff  }
0x154: {  	v22 =	vor.u32 $0x4006, v1;
	v6 =	vld.idx.msk [tilespmem:v6+s12+$0x0], $0xffff  }
0x155: {  	v23 =	vld.idx.msk [tilespmem:v18+s11+$0x0], $0xffff;
	v2 =	vmul.f32 v5, v2;
	v3 =	vmul.f32 v3, v7  }
0x156: {  	v5 =	vld.idx.msk [tilespmem:v18+s12+$0x0], $0xffff;
	v7 =	vor.u32 $0x4007, v1  }
0x157: {  	v24 =	vld.idx.msk [tilespmem:v20+s11+$0x0], $0xffff;
	v2 =	vsub.f32 v2, v3;
	v3 =	vmul.f32 v4, v19  }
0x158: {  	v25 =	vor.u32 $0x4008, v1;
	v4 =	vld.idx.msk [tilespmem:v20+s12+$0x0], $0xffff  }
0x159: {  	v26 =	vld.idx.msk [tilespmem:v22+s11+$0x0], $0xffff;
	v2 =	vsub.f32 v2, v3;
	v3 =	vmul.f32 v6, v21  }
0x15a: {  	v27 =	vor.u32 $0x4009, v1;
	v6 =	vld.idx.msk [tilespmem:v22+s12+$0x0], $0xffff  }
0x15b: {  	v28 =	vld.idx.msk [tilespmem:v7+s11+$0x0], $0xffff;
	v2 =	vsub.f32 v2, v3;
	v3 =	vmul.f32 v5, v23  }
0x15c: {  	v5 =	vld.idx.msk [tilespmem:v7+s12+$0x0], $0xffff;
	v7 =	vor.u32 $0x400A, v1  }
0x15d: {  	v29 =	vld.idx.msk [tilespmem:v25+s11+$0x0], $0xffff;
	v2 =	vsub.f32 v2, v3;
	v3 =	vmul.f32 v4, v24  }
0x15e: {  	v30 =	vor.u32 $0x400B, v1;
	v4 =	vld.idx.msk [tilespmem:v25+s12+$0x0], $0xffff  }
0x15f: {  	v31 =	vld.idx.msk [tilespmem:v27+s11+$0x0], $0xffff;
	v2 =	vsub.f32 v2, v3;
	v3 =	vmul.f32 v6, v26  }
0x160: {  	v32 =	vor.u32 $0x400C, v1;
	v6 =	vld.idx.msk [tilespmem:v27+s12+$0x0], $0xffff  }
0x161: {  	v33 =	vld.idx.msk [tilespmem:v7+s11+$0x0], $0xffff;
	v2 =	vsub.f32 v2, v3;
	v3 =	vmul.f32 v5, v28  }
0x162: {  	v5 =	vld.idx.msk [tilespmem:v7+s12+$0x0], $0xffff;
	v7 =	vor.u32 $0x400D, v1  }
0x163: {  	v34 =	vld.idx.msk [tilespmem:v30+s11+$0x0], $0xffff;
	v2 =	vsub.f32 v2, v3;
	v3 =	vmul.f32 v4, v29  }
0x164: {  	v35 =	vor.u32 $0x400E, v1;
	v4 =	vld.idx.msk [tilespmem:v30+s12+$0x0], $0xffff  }
0x165: {  	v36 =	vld.idx.msk [tilespmem:v32+s11+$0x0], $0xffff;
	v2 =	vsub.f32 v2, v3;
	v3 =	vmul.f32 v6, v31  }
0x166: {  	v37 =	vor.u32 $0x400F, v1;
	v6 =	vld.idx.msk [tilespmem:v32+s12+$0x0], $0xffff  }
0x167: {  	v38 =	vld.idx.msk [tilespmem:v7+s11+$0x0], $0xffff;
	v2 =	vsub.f32 v2, v3;
	v3 =	vmul.f32 v5, v33  }
0x168: {  	v5 =	vld.idx.msk [tilespmem:v7+s12+$0x0], $0xffff;
	v7 =	vor.u32 $0x4010, v1  }
0x169: {  	v39 =	vld.idx.msk [tilespmem:v35+s11+$0x0], $0xffff;
	v2 =	vsub.f32 v2, v3;
	v3 =	vmul.f32 v4, v34  }
0x16a: {  	v40 =	vor.u32 $0x4011, v1;
	v4 =	vld.idx.msk [tilespmem:v35+s12+$0x0], $0xffff  }
0x16b: {  	v41 =	vld.idx.msk [tilespmem:v37+s11+$0x0], $0xffff;
	v2 =	vsub.f32 v2, v3;
	v3 =	vmul.f32 v6, v36  }
0x16c: {  	v42 =	vor.u32 $0x4012, v1;
	v6 =	vld.idx.msk [tilespmem:v37+s12+$0x0], $0xffff  }
0x16d: {  	v43 =	vld.idx.msk [tilespmem:v7+s11+$0x0], $0xffff;
	v2 =	vsub.f32 v2, v3;
	v3 =	vmul.f32 v5, v38  }
0x16e: {  	v5 =	vld.idx.msk [tilespmem:v7+s12+$0x0], $0xffff;
	v7 =	vor.u32 $0x4013, v1  }
0x16f: {  	v44 =	vld.idx.msk [tilespmem:v40+s11+$0x0], $0xffff;
	v2 =	vsub.f32 v2, v3;
	v3 =	vmul.f32 v4, v39  }
0x170: {  	v45 =	vor.u32 $0x4014, v1;
	v4 =	vld.idx.msk [tilespmem:v40+s12+$0x0], $0xffff  }
0x171: {  	v46 =	vld.idx.msk [tilespmem:v42+s11+$0x0], $0xffff;
	v2 =	vsub.f32 v2, v3;
	v3 =	vmul.f32 v6, v41  }
0x172: {  	v47 =	vor.u32 $0x4015, v1;
	v6 =	vld.idx.msk [tilespmem:v42+s12+$0x0], $0xffff  }
0x173: {  	v48 =	vld.idx.msk [tilespmem:v7+s11+$0x0], $0xffff;
	v2 =	vsub.f32 v2, v3;
	v3 =	vmul.f32 v5, v43  }
0x174: {  	v5 =	vld.idx.msk [tilespmem:v7+s12+$0x0], $0xffff;
	v7 =	vor.u32 $0x4016, v1  }
0x175: {  	v49 =	vld.idx.msk [tilespmem:v45+s11+$0x0], $0xffff;
	v2 =	vsub.f32 v2, v3;
	v3 =	vmul.f32 v4, v44  }
0x176: {  	v50 =	vor.u32 $0x4017, v1;
	v4 =	vld.idx.msk [tilespmem:v45+s12+$0x0], $0xffff  }
0x177: {  	v51 =	vld.idx.msk [tilespmem:v47+s11+$0x0], $0xffff;
	v2 =	vsub.f32 v2, v3;
	v3 =	vmul.f32 v6, v46  }
0x178: {  	v52 =	vor.u32 $0x4018, v1;
	v6 =	vld.idx.msk [tilespmem:v47+s12+$0x0], $0xffff  }
0x179: {  	v53 =	vld.idx.msk [tilespmem:v7+s11+$0x0], $0xffff;
	v2 =	vsub.f32 v2, v3;
	v3 =	vmul.f32 v5, v48  }
0x17a: {  	v5 =	vld.idx.msk [tilespmem:v7+s12+$0x0], $0xffff;
	v7 =	vor.u32 $0x4019, v1  }
0x17b: {  	v54 =	vld.idx.msk [tilespmem:v50+s11+$0x0], $0xffff;
	v2 =	vsub.f32 v2, v3;
	v3 =	vmul.f32 v4, v49  }
0x17c: {  	v55 =	vor.u32 $0x401A, v1;
	v4 =	vld.idx.msk [tilespmem:v50+s12+$0x0], $0xffff  }
0x17d: {  	v56 =	vld.idx.msk [tilespmem:v52+s11+$0x0], $0xffff;
	v2 =	vsub.f32 v2, v3;
	v3 =	vmul.f32 v6, v51  }
0x17e: {  	v57 =	vor.u32 $0x401B, v1;
	v6 =	vld.idx.msk [tilespmem:v52+s12+$0x0], $0xffff  }
0x17f: {  	v58 =	vld.idx.msk [tilespmem:v7+s11+$0x0], $0xffff;
	v2 =	vsub.f32 v2, v3;
	v3 =	vmul.f32 v5, v53  }
0x180: {  	v5 =	vld.idx.msk [tilespmem:v7+s12+$0x0], $0xffff;
	v7 =	vor.u32 $0x401C, v1  }
0x181: {  	v59 =	vld.idx.msk [tilespmem:v55+s11+$0x0], $0xffff;
	v2 =	vsub.f32 v2, v3;
	v3 =	vmul.f32 v4, v54  }
0x182: {  	v60 =	vor.u32 $0x401D, v1;
	v4 =	vld.idx.msk [tilespmem:v55+s12+$0x0], $0xffff  }
0x183: {  	v61 =	vld.idx.msk [tilespmem:v57+s11+$0x0], $0xffff;
	v2 =	vsub.f32 v2, v3;
	v3 =	vmul.f32 v6, v56  }
0x184: {  	v62 =	vor.u32 $0x401E, v1;
	v6 =	vld.idx.msk [tilespmem:v57+s12+$0x0], $0xffff  }
0x185: {  	v63 =	vld.idx.msk [tilespmem:v7+s11+$0x0], $0xffff;
	v2 =	vsub.f32 v2, v3;
	v3 =	vmul.f32 v5, v58  }
0x186: {  	v1 =	vor.u32 $0x401F, v1;
	v5 =	vld.idx.msk [tilespmem:v7+s12+$0x0], $0xffff  }
0x187: {  	v7 =	vld.idx.msk [tilespmem:v60+s11+$0x0], $0xffff;
	v2 =	vsub.f32 v2, v3;
	v3 =	vmul.f32 v4, v59  }
0x188: {  	v4 =	vld.idx.msk [tilespmem:v60+s12+$0x0], $0xffff  }
0x189: {  	v14 =	vld.idx.msk [tilespmem:v62+s11+$0x0], $0xffff;
	v2 =	vsub.f32 v2, v3;
	v3 =	vmul.f32 v6, v61  }
0x18a: {  	v6 =	vld.idx.msk [tilespmem:v62+s12+$0x0], $0xffff  }
0x18b: {  	v15 =	vld.idx.msk [tilespmem:v1+s11+$0x0], $0xffff;
	v2 =	vsub.f32 v2, v3;
	v3 =	vmul.f32 v5, v63  }
0x18c: {  	v5 =	vld.idx.msk [tilespmem:v1+s12+$0x0], $0xffff  }
0x18d: {  	s31 =	simm.s32 $0x10;
	v1 =	vsub.f32 v2, v3;
	v2 =	vmul.f32 v4, v7  }
0x18e: {  	v3 =	vmov s31  }
0x18f: {  	v3 =	vshll.u32 v3, $0x7;
	v4 =	vmul.f32 v6, v14;
	v2 =	vsub.f32 v1, v2  }
0x190: {  	v1 =	vor.u32 v0, v3  }
0x191: {  	v3 =	vor.u32 $0x4000, v1;
	v2 =	vsub.f32 v2, v4;
	v4 =	vmul.f32 v5, v15;
	_ =	sdelay $0x1  }
0x192: {  	v5 =	vor.u32 $0x4001, v1;
	v2 =	vsub.f32 v2, v4  }
0x193: {  	s23 =	simm.s32 $0x10480  }
0x194: {  	v4 =	vor.u32 $0x4002, v1;
	[tilespmem:s23+$0x0] =	vst v2  }
0x195: {  	v2 =	vld.idx.msk [tilespmem:v3+s12+$0x0], $0xffff  }
0x196: {  	v6 =	vor.u32 $0x4003, v1;
	v3 =	vld.idx.msk [tilespmem:v3+s11+$0x0], $0xffff  }
0x197: {  	v7 =	vld.idx.msk [tilespmem:v5+s11+$0x0], $0xffff  }
0x198: {  	v16 =	vor.u32 $0x4004, v1;
	v5 =	vld.idx.msk [tilespmem:v5+s12+$0x0], $0xffff  }
0x199: {  	v17 =	vld.idx.msk [tilespmem:v4+s11+$0x0], $0xffff  }
0x19a: {  	v18 =	vor.u32 $0x4005, v1;
	v4 =	vld.idx.msk [tilespmem:v4+s12+$0x0], $0xffff  }
0x19b: {  	v19 =	vld.idx.msk [tilespmem:v6+s11+$0x0], $0xffff  }
0x19c: {  	v20 =	vor.u32 $0x4006, v1;
	v6 =	vld.idx.msk [tilespmem:v6+s12+$0x0], $0xffff  }
0x19d: {  	v21 =	vld.idx.msk [tilespmem:v16+s11+$0x0], $0xffff;
	v2 =	vmul.f32 v2, v3;
	v3 =	vmul.f32 v5, v7  }
0x19e: {  	v5 =	vld.idx.msk [tilespmem:v16+s12+$0x0], $0xffff;
	v7 =	vor.u32 $0x4007, v1  }
0x19f: {  	v22 =	vld.idx.msk [tilespmem:v18+s11+$0x0], $0xffff;
	v2 =	vsub.f32 v2, v3;
	v3 =	vmul.f32 v4, v17  }
0x1a0: {  	v23 =	vor.u32 $0x4008, v1;
	v4 =	vld.idx.msk [tilespmem:v18+s12+$0x0], $0xffff  }
0x1a1: {  	v24 =	vld.idx.msk [tilespmem:v20+s11+$0x0], $0xffff;
	v2 =	vsub.f32 v2, v3;
	v3 =	vmul.f32 v6, v19  }
0x1a2: {  	v25 =	vor.u32 $0x4009, v1;
	v6 =	vld.idx.msk [tilespmem:v20+s12+$0x0], $0xffff  }
0x1a3: {  	v26 =	vld.idx.msk [tilespmem:v7+s11+$0x0], $0xffff;
	v2 =	vsub.f32 v2, v3;
	v3 =	vmul.f32 v5, v21  }
0x1a4: {  	v5 =	vld.idx.msk [tilespmem:v7+s12+$0x0], $0xffff;
	v7 =	vor.u32 $0x400A, v1  }
0x1a5: {  	v27 =	vld.idx.msk [tilespmem:v23+s11+$0x0], $0xffff;
	v2 =	vsub.f32 v2, v3;
	v3 =	vmul.f32 v4, v22  }
0x1a6: {  	v28 =	vor.u32 $0x400B, v1;
	v4 =	vld.idx.msk [tilespmem:v23+s12+$0x0], $0xffff  }
0x1a7: {  	v29 =	vld.idx.msk [tilespmem:v25+s11+$0x0], $0xffff;
	v2 =	vsub.f32 v2, v3;
	v3 =	vmul.f32 v6, v24  }
0x1a8: {  	v30 =	vor.u32 $0x400C, v1;
	v6 =	vld.idx.msk [tilespmem:v25+s12+$0x0], $0xffff  }
0x1a9: {  	v31 =	vld.idx.msk [tilespmem:v7+s11+$0x0], $0xffff;
	v2 =	vsub.f32 v2, v3;
	v3 =	vmul.f32 v5, v26  }
0x1aa: {  	v5 =	vld.idx.msk [tilespmem:v7+s12+$0x0], $0xffff;
	v7 =	vor.u32 $0x400D, v1  }
0x1ab: {  	v32 =	vld.idx.msk [tilespmem:v28+s11+$0x0], $0xffff;
	v2 =	vsub.f32 v2, v3;
	v3 =	vmul.f32 v4, v27  }
0x1ac: {  	v33 =	vor.u32 $0x400E, v1;
	v4 =	vld.idx.msk [tilespmem:v28+s12+$0x0], $0xffff  }
0x1ad: {  	v34 =	vld.idx.msk [tilespmem:v30+s11+$0x0], $0xffff;
	v2 =	vsub.f32 v2, v3;
	v3 =	vmul.f32 v6, v29  }
0x1ae: {  	v35 =	vor.u32 $0x400F, v1;
	v6 =	vld.idx.msk [tilespmem:v30+s12+$0x0], $0xffff  }
0x1af: {  	v36 =	vld.idx.msk [tilespmem:v7+s11+$0x0], $0xffff;
	v2 =	vsub.f32 v2, v3;
	v3 =	vmul.f32 v5, v31  }
0x1b0: {  	v5 =	vld.idx.msk [tilespmem:v7+s12+$0x0], $0xffff;
	v7 =	vor.u32 $0x4010, v1  }
0x1b1: {  	v37 =	vld.idx.msk [tilespmem:v33+s11+$0x0], $0xffff;
	v2 =	vsub.f32 v2, v3;
	v3 =	vmul.f32 v4, v32  }
0x1b2: {  	v38 =	vor.u32 $0x4011, v1;
	v4 =	vld.idx.msk [tilespmem:v33+s12+$0x0], $0xffff  }
0x1b3: {  	v39 =	vld.idx.msk [tilespmem:v35+s11+$0x0], $0xffff;
	v2 =	vsub.f32 v2, v3;
	v3 =	vmul.f32 v6, v34  }
0x1b4: {  	v40 =	vor.u32 $0x4012, v1;
	v6 =	vld.idx.msk [tilespmem:v35+s12+$0x0], $0xffff  }
0x1b5: {  	v41 =	vld.idx.msk [tilespmem:v7+s11+$0x0], $0xffff;
	v2 =	vsub.f32 v2, v3;
	v3 =	vmul.f32 v5, v36  }
0x1b6: {  	v5 =	vld.idx.msk [tilespmem:v7+s12+$0x0], $0xffff;
	v7 =	vor.u32 $0x4013, v1  }
0x1b7: {  	v42 =	vld.idx.msk [tilespmem:v38+s11+$0x0], $0xffff;
	v2 =	vsub.f32 v2, v3;
	v3 =	vmul.f32 v4, v37  }
0x1b8: {  	v43 =	vor.u32 $0x4014, v1;
	v4 =	vld.idx.msk [tilespmem:v38+s12+$0x0], $0xffff  }
0x1b9: {  	v44 =	vld.idx.msk [tilespmem:v40+s11+$0x0], $0xffff;
	v2 =	vsub.f32 v2, v3;
	v3 =	vmul.f32 v6, v39  }
0x1ba: {  	v45 =	vor.u32 $0x4015, v1;
	v6 =	vld.idx.msk [tilespmem:v40+s12+$0x0], $0xffff  }
0x1bb: {  	v46 =	vld.idx.msk [tilespmem:v7+s11+$0x0], $0xffff;
	v2 =	vsub.f32 v2, v3;
	v3 =	vmul.f32 v5, v41  }
0x1bc: {  	v5 =	vld.idx.msk [tilespmem:v7+s12+$0x0], $0xffff;
	v7 =	vor.u32 $0x4016, v1  }
0x1bd: {  	v47 =	vld.idx.msk [tilespmem:v43+s11+$0x0], $0xffff;
	v2 =	vsub.f32 v2, v3;
	v3 =	vmul.f32 v4, v42  }
0x1be: {  	v48 =	vor.u32 $0x4017, v1;
	v4 =	vld.idx.msk [tilespmem:v43+s12+$0x0], $0xffff  }
0x1bf: {  	v49 =	vld.idx.msk [tilespmem:v45+s11+$0x0], $0xffff;
	v2 =	vsub.f32 v2, v3;
	v3 =	vmul.f32 v6, v44  }
0x1c0: {  	v50 =	vor.u32 $0x4018, v1;
	v6 =	vld.idx.msk [tilespmem:v45+s12+$0x0], $0xffff  }
0x1c1: {  	v51 =	vld.idx.msk [tilespmem:v7+s11+$0x0], $0xffff;
	v2 =	vsub.f32 v2, v3;
	v3 =	vmul.f32 v5, v46  }
0x1c2: {  	v5 =	vld.idx.msk [tilespmem:v7+s12+$0x0], $0xffff;
	v7 =	vor.u32 $0x4019, v1  }
0x1c3: {  	v52 =	vld.idx.msk [tilespmem:v48+s11+$0x0], $0xffff;
	v2 =	vsub.f32 v2, v3;
	v3 =	vmul.f32 v4, v47  }
0x1c4: {  	v53 =	vor.u32 $0x401A, v1;
	v4 =	vld.idx.msk [tilespmem:v48+s12+$0x0], $0xffff  }
0x1c5: {  	v54 =	vld.idx.msk [tilespmem:v50+s11+$0x0], $0xffff;
	v2 =	vsub.f32 v2, v3;
	v3 =	vmul.f32 v6, v49  }
0x1c6: {  	v55 =	vor.u32 $0x401B, v1;
	v6 =	vld.idx.msk [tilespmem:v50+s12+$0x0], $0xffff  }
0x1c7: {  	v56 =	vld.idx.msk [tilespmem:v7+s11+$0x0], $0xffff;
	v2 =	vsub.f32 v2, v3;
	v3 =	vmul.f32 v5, v51  }
0x1c8: {  	v5 =	vld.idx.msk [tilespmem:v7+s12+$0x0], $0xffff;
	v7 =	vor.u32 $0x401C, v1  }
0x1c9: {  	v57 =	vld.idx.msk [tilespmem:v53+s11+$0x0], $0xffff;
	v2 =	vsub.f32 v2, v3;
	v3 =	vmul.f32 v4, v52  }
0x1ca: {  	v58 =	vor.u32 $0x401D, v1;
	v4 =	vld.idx.msk [tilespmem:v53+s12+$0x0], $0xffff  }
0x1cb: {  	v59 =	vld.idx.msk [tilespmem:v55+s11+$0x0], $0xffff;
	v2 =	vsub.f32 v2, v3;
	v3 =	vmul.f32 v6, v54  }
0x1cc: {  	v60 =	vor.u32 $0x401E, v1;
	v6 =	vld.idx.msk [tilespmem:v55+s12+$0x0], $0xffff  }
0x1cd: {  	v61 =	vld.idx.msk [tilespmem:v7+s11+$0x0], $0xffff;
	v2 =	vsub.f32 v2, v3;
	v3 =	vmul.f32 v5, v56  }
0x1ce: {  	v1 =	vor.u32 $0x401F, v1;
	v5 =	vld.idx.msk [tilespmem:v7+s12+$0x0], $0xffff  }
0x1cf: {  	v7 =	vld.idx.msk [tilespmem:v58+s11+$0x0], $0xffff;
	v2 =	vsub.f32 v2, v3;
	v3 =	vmul.f32 v4, v57  }
0x1d0: {  	v4 =	vld.idx.msk [tilespmem:v58+s12+$0x0], $0xffff  }
0x1d1: {  	v62 =	vld.idx.msk [tilespmem:v60+s11+$0x0], $0xffff;
	v2 =	vsub.f32 v2, v3;
	v3 =	vmul.f32 v6, v59  }
0x1d2: {  	v6 =	vld.idx.msk [tilespmem:v60+s12+$0x0], $0xffff  }
0x1d3: {  	v63 =	vld.idx.msk [tilespmem:v1+s11+$0x0], $0xffff;
	v2 =	vsub.f32 v2, v3;
	v3 =	vmul.f32 v5, v61  }
0x1d4: {  	v5 =	vld.idx.msk [tilespmem:v1+s12+$0x0], $0xffff  }
0x1d5: {  	s24 =	simm.s32 $0x20;
	v1 =	vsub.f32 v2, v3;
	v2 =	vmul.f32 v4, v7  }
0x1d6: {  	v3 =	vmov s24  }
0x1d7: {  	v3 =	vshll.u32 v3, $0x7;
	v6 =	vmul.f32 v6, v62;
	v4 =	vsub.f32 v1, v2  }
0x1d8: {  	v1 =	vor.u32 v0, v3  }
0x1d9: {  	s24 =	simm.s32 $0x30;
	v2 =	vor.u32 $0x4000, v1;
	v3 =	vsub.f32 v4, v6;
	v4 =	vmul.f32 v5, v63  }
.LBB2_4:
0x1da: {  	p0 =	sne.s32 s24, $0x70  }
0x1db: {  	v5 =	vor.u32 $0x4001, v1;
	v3 =	vsub.f32 v3, v4  }
0x1dc: {  	s23 =	sadd.s32 $0x10, s23  }
0x1dd: {  	v4 =	vor.u32 $0x4002, v1;
	[tilespmem:s23+$0x0] =	vst v3  }
0x1de: {  	v3 =	vld.idx.msk [tilespmem:v2+s12+$0x0], $0xffff  }
0x1df: {  	v6 =	vor.u32 $0x4003, v1;
	v2 =	vld.idx.msk [tilespmem:v2+s11+$0x0], $0xffff  }
0x1e0: {  	v7 =	vld.idx.msk [tilespmem:v5+s11+$0x0], $0xffff  }
0x1e1: {  	v8 =	vor.u32 $0x4004, v1;
	v5 =	vld.idx.msk [tilespmem:v5+s12+$0x0], $0xffff  }
0x1e2: {  	v9 =	vld.idx.msk [tilespmem:v4+s11+$0x0], $0xffff  }
0x1e3: {  	v10 =	vor.u32 $0x4005, v1;
	v4 =	vld.idx.msk [tilespmem:v4+s12+$0x0], $0xffff  }
0x1e4: {  	v11 =	vld.idx.msk [tilespmem:v6+s11+$0x0], $0xffff  }
0x1e5: {  	v12 =	vor.u32 $0x4006, v1;
	v6 =	vld.idx.msk [tilespmem:v6+s12+$0x0], $0xffff  }
0x1e6: {  	v13 =	vld.idx.msk [tilespmem:v8+s11+$0x0], $0xffff  }
0x1e7: {  	v2 =	vmul.f32 v3, v2;
	v3 =	vmul.f32 v5, v7;
	v7 =	vor.u32 $0x4007, v1;
	v5 =	vld.idx.msk [tilespmem:v8+s12+$0x0], $0xffff  }
0x1e8: {  	v8 =	vld.idx.msk [tilespmem:v10+s11+$0x0], $0xffff  }
0x1e9: {  	v2 =	vsub.f32 v2, v3;
	v3 =	vmul.f32 v4, v9;
	v9 =	vor.u32 $0x4008, v1;
	v4 =	vld.idx.msk [tilespmem:v10+s12+$0x0], $0xffff  }
0x1ea: {  	v10 =	vld.idx.msk [tilespmem:v12+s11+$0x0], $0xffff  }
0x1eb: {  	v2 =	vsub.f32 v2, v3;
	v3 =	vmul.f32 v6, v11;
	v11 =	vor.u32 $0x4009, v1;
	v6 =	vld.idx.msk [tilespmem:v12+s12+$0x0], $0xffff  }
0x1ec: {  	v12 =	vld.idx.msk [tilespmem:v7+s11+$0x0], $0xffff  }
0x1ed: {  	v2 =	vsub.f32 v2, v3;
	v3 =	vmul.f32 v5, v13;
	v5 =	vld.idx.msk [tilespmem:v7+s12+$0x0], $0xffff;
	v7 =	vor.u32 $0x400A, v1  }
0x1ee: {  	v13 =	vld.idx.msk [tilespmem:v9+s11+$0x0], $0xffff  }
0x1ef: {  	v2 =	vsub.f32 v2, v3;
	v3 =	vmul.f32 v4, v8;
	v8 =	vor.u32 $0x400B, v1;
	v4 =	vld.idx.msk [tilespmem:v9+s12+$0x0], $0xffff  }
0x1f0: {  	v9 =	vld.idx.msk [tilespmem:v11+s11+$0x0], $0xffff  }
0x1f1: {  	v2 =	vsub.f32 v2, v3;
	v3 =	vmul.f32 v6, v10;
	v10 =	vor.u32 $0x400C, v1;
	v6 =	vld.idx.msk [tilespmem:v11+s12+$0x0], $0xffff  }
0x1f2: {  	v11 =	vld.idx.msk [tilespmem:v7+s11+$0x0], $0xffff  }
0x1f3: {  	v2 =	vsub.f32 v2, v3;
	v3 =	vmul.f32 v5, v12;
	v5 =	vld.idx.msk [tilespmem:v7+s12+$0x0], $0xffff;
	v7 =	vor.u32 $0x400D, v1  }
0x1f4: {  	v12 =	vld.idx.msk [tilespmem:v8+s11+$0x0], $0xffff  }
0x1f5: {  	v2 =	vsub.f32 v2, v3;
	v3 =	vmul.f32 v4, v13;
	v4 =	vld.idx.msk [tilespmem:v8+s12+$0x0], $0xffff;
	v8 =	vor.u32 $0x400E, v1  }
0x1f6: {  	v13 =	vld.idx.msk [tilespmem:v10+s11+$0x0], $0xffff  }
0x1f7: {  	v2 =	vsub.f32 v2, v3;
	v3 =	vmul.f32 v6, v9;
	v9 =	vor.u32 $0x400F, v1;
	v6 =	vld.idx.msk [tilespmem:v10+s12+$0x0], $0xffff  }
0x1f8: {  	v10 =	vld.idx.msk [tilespmem:v7+s11+$0x0], $0xffff  }
0x1f9: {  	v2 =	vsub.f32 v2, v3;
	v3 =	vmul.f32 v5, v11;
	v5 =	vld.idx.msk [tilespmem:v7+s12+$0x0], $0xffff;
	v7 =	vor.u32 $0x4010, v1  }
0x1fa: {  	v11 =	vld.idx.msk [tilespmem:v8+s11+$0x0], $0xffff  }
0x1fb: {  	v2 =	vsub.f32 v2, v3;
	v3 =	vmul.f32 v4, v12;
	v4 =	vld.idx.msk [tilespmem:v8+s12+$0x0], $0xffff;
	v8 =	vor.u32 $0x4011, v1  }
0x1fc: {  	v12 =	vld.idx.msk [tilespmem:v9+s11+$0x0], $0xffff  }
0x1fd: {  	v2 =	vsub.f32 v2, v3;
	v3 =	vmul.f32 v6, v13;
	v6 =	vld.idx.msk [tilespmem:v9+s12+$0x0], $0xffff;
	v9 =	vor.u32 $0x4012, v1  }
0x1fe: {  	v13 =	vld.idx.msk [tilespmem:v7+s11+$0x0], $0xffff  }
0x1ff: {  	v2 =	vsub.f32 v2, v3;
	v3 =	vmul.f32 v5, v10;
	v5 =	vld.idx.msk [tilespmem:v7+s12+$0x0], $0xffff;
	v7 =	vor.u32 $0x4013, v1  }
0x200: {  	v10 =	vld.idx.msk [tilespmem:v8+s11+$0x0], $0xffff  }
0x201: {  	v2 =	vsub.f32 v2, v3;
	v3 =	vmul.f32 v4, v11;
	v4 =	vld.idx.msk [tilespmem:v8+s12+$0x0], $0xffff;
	v8 =	vor.u32 $0x4014, v1  }
0x202: {  	v11 =	vld.idx.msk [tilespmem:v9+s11+$0x0], $0xffff  }
0x203: {  	v2 =	vsub.f32 v2, v3;
	v3 =	vmul.f32 v6, v12;
	v6 =	vld.idx.msk [tilespmem:v9+s12+$0x0], $0xffff;
	v9 =	vor.u32 $0x4015, v1  }
0x204: {  	v12 =	vld.idx.msk [tilespmem:v7+s11+$0x0], $0xffff  }
0x205: {  	v2 =	vsub.f32 v2, v3;
	v3 =	vmul.f32 v5, v13;
	v5 =	vld.idx.msk [tilespmem:v7+s12+$0x0], $0xffff;
	v7 =	vor.u32 $0x4016, v1  }
0x206: {  	v13 =	vld.idx.msk [tilespmem:v8+s11+$0x0], $0xffff  }
0x207: {  	v2 =	vsub.f32 v2, v3;
	v3 =	vmul.f32 v4, v10;
	v4 =	vld.idx.msk [tilespmem:v8+s12+$0x0], $0xffff;
	v8 =	vor.u32 $0x4017, v1  }
0x208: {  	v10 =	vld.idx.msk [tilespmem:v9+s11+$0x0], $0xffff  }
0x209: {  	v2 =	vsub.f32 v2, v3;
	v3 =	vmul.f32 v6, v11;
	v6 =	vld.idx.msk [tilespmem:v9+s12+$0x0], $0xffff;
	v9 =	vor.u32 $0x4018, v1  }
0x20a: {  	v11 =	vld.idx.msk [tilespmem:v7+s11+$0x0], $0xffff  }
0x20b: {  	v2 =	vsub.f32 v2, v3;
	v3 =	vmul.f32 v5, v12;
	v5 =	vld.idx.msk [tilespmem:v7+s12+$0x0], $0xffff;
	v7 =	vor.u32 $0x4019, v1  }
0x20c: {  	v12 =	vld.idx.msk [tilespmem:v8+s11+$0x0], $0xffff  }
0x20d: {  	v2 =	vsub.f32 v2, v3;
	v3 =	vmul.f32 v4, v13;
	v4 =	vld.idx.msk [tilespmem:v8+s12+$0x0], $0xffff;
	v8 =	vor.u32 $0x401A, v1  }
0x20e: {  	v13 =	vld.idx.msk [tilespmem:v9+s11+$0x0], $0xffff  }
0x20f: {  	v2 =	vsub.f32 v2, v3;
	v3 =	vmul.f32 v6, v10;
	v6 =	vld.idx.msk [tilespmem:v9+s12+$0x0], $0xffff;
	v9 =	vor.u32 $0x401B, v1  }
0x210: {  	v10 =	vld.idx.msk [tilespmem:v7+s11+$0x0], $0xffff  }
0x211: {  	v2 =	vsub.f32 v2, v3;
	v3 =	vmul.f32 v5, v11;
	v5 =	vld.idx.msk [tilespmem:v7+s12+$0x0], $0xffff;
	v7 =	vor.u32 $0x401C, v1  }
0x212: {  	v11 =	vld.idx.msk [tilespmem:v8+s11+$0x0], $0xffff  }
0x213: {  	v2 =	vsub.f32 v2, v3;
	v3 =	vmul.f32 v4, v12;
	v4 =	vld.idx.msk [tilespmem:v8+s12+$0x0], $0xffff;
	v8 =	vor.u32 $0x401D, v1  }
0x214: {  	v12 =	vld.idx.msk [tilespmem:v9+s11+$0x0], $0xffff  }
0x215: {  	v2 =	vsub.f32 v2, v3;
	v3 =	vmul.f32 v6, v13;
	v6 =	vld.idx.msk [tilespmem:v9+s12+$0x0], $0xffff;
	v9 =	vor.u32 $0x401E, v1  }
0x216: {  	v13 =	vld.idx.msk [tilespmem:v7+s11+$0x0], $0xffff  }
0x217: {  	v1 =	vor.u32 $0x401F, v1;
	v2 =	vsub.f32 v2, v3;
	v3 =	vmul.f32 v5, v10;
	v5 =	vld.idx.msk [tilespmem:v7+s12+$0x0], $0xffff  }
0x218: {  	v7 =	vld.idx.msk [tilespmem:v8+s11+$0x0], $0xffff  }
0x219: {  	v2 =	vsub.f32 v2, v3;
	v3 =	vmul.f32 v4, v11;
	v4 =	vld.idx.msk [tilespmem:v8+s12+$0x0], $0xffff  }
0x21a: {  	v8 =	vld.idx.msk [tilespmem:v9+s11+$0x0], $0xffff  }
0x21b: {  	v2 =	vsub.f32 v2, v3;
	v3 =	vmul.f32 v6, v12;
	v6 =	vld.idx.msk [tilespmem:v9+s12+$0x0], $0xffff  }
0x21c: {  	v9 =	vld.idx.msk [tilespmem:v1+s11+$0x0], $0xffff  }
0x21d: {  	v2 =	vsub.f32 v2, v3;
	v3 =	vmul.f32 v5, v13;
	v5 =	vld.idx.msk [tilespmem:v1+s12+$0x0], $0xffff;
	_ =	sdelay $0x1  }
.Ltmp1:
0x21e: {  	v1 =	vsub.f32 v2, v3;
	v2 =	vmul.f32 v4, v7;
	(pc) =	sbr.rel @p0 .LBB2_4-.Ltmp1, $4  }
0x21f: {  	v3 =	vmov s24  }
0x220: {  	v3 =	vshll.u32 v3, $0x7;
	v4 =	vsub.f32 v1, v2;
	v6 =	vmul.f32 v6, v8  }
0x221: {  	v1 =	vor.u32 v0, v3  }
0x222: {  	s24 =	sadd.s32 $0x10, s24;
	v2 =	vor.u32 $0x4000, v1;
	v3 =	vsub.f32 v4, v6;
	v4 =	vmul.f32 v5, v9  }
0x223: {  	_ = 	snop  }
0x224: {  	v5 =	vor.u32 $0x4001, v1;
	v3 =	vsub.f32 v3, v4  }
0x225: {  	s23 =	sadd.s32 $0x10, s23  }
0x226: {  	v4 =	vor.u32 $0x4002, v1;
	[tilespmem:s23+$0x0] =	vst v3  }
0x227: {  	v3 =	vld.idx.msk [tilespmem:v2+s12+$0x0], $0xffff  }
0x228: {  	v6 =	vor.u32 $0x4003, v1;
	v2 =	vld.idx.msk [tilespmem:v2+s11+$0x0], $0xffff  }
0x229: {  	v7 =	vld.idx.msk [tilespmem:v5+s11+$0x0], $0xffff  }
0x22a: {  	v8 =	vor.u32 $0x4004, v1;
	v5 =	vld.idx.msk [tilespmem:v5+s12+$0x0], $0xffff  }
0x22b: {  	v9 =	vld.idx.msk [tilespmem:v4+s11+$0x0], $0xffff  }
0x22c: {  	v10 =	vor.u32 $0x4005, v1;
	v4 =	vld.idx.msk [tilespmem:v4+s12+$0x0], $0xffff  }
0x22d: {  	v11 =	vld.idx.msk [tilespmem:v6+s11+$0x0], $0xffff  }
0x22e: {  	v12 =	vor.u32 $0x4006, v1;
	v6 =	vld.idx.msk [tilespmem:v6+s12+$0x0], $0xffff  }
0x22f: {  	v13 =	vld.idx.msk [tilespmem:v8+s11+$0x0], $0xffff;
	v2 =	vmul.f32 v3, v2;
	v3 =	vmul.f32 v5, v7  }
0x230: {  	v60 =	vor.u32 $0x4007, v1;
	v5 =	vld.idx.msk [tilespmem:v8+s12+$0x0], $0xffff  }
0x231: {  	v61 =	vld.idx.msk [tilespmem:v10+s11+$0x0], $0xffff;
	v2 =	vsub.f32 v2, v3;
	v3 =	vmul.f32 v4, v9  }
0x232: {  	v62 =	vor.u32 $0x4008, v1;
	v4 =	vld.idx.msk [tilespmem:v10+s12+$0x0], $0xffff  }
0x233: {  	v63 =	vld.idx.msk [tilespmem:v12+s11+$0x0], $0xffff;
	v2 =	vsub.f32 v2, v3;
	v3 =	vmul.f32 v6, v11  }
0x234: {  	v17 =	vor.u32 $0x4009, v1;
	v16 =	vld.idx.msk [tilespmem:v12+s12+$0x0], $0xffff  }
0x235: {  	v18 =	vld.idx.msk [tilespmem:v60+s11+$0x0], $0xffff;
	v2 =	vsub.f32 v2, v3;
	v3 =	vmul.f32 v5, v13  }
0x236: {  	v19 =	vor.u32 $0x400A, v1;
	v5 =	vld.idx.msk [tilespmem:v60+s12+$0x0], $0xffff  }
0x237: {  	v20 =	vld.idx.msk [tilespmem:v62+s11+$0x0], $0xffff;
	v2 =	vsub.f32 v2, v3;
	v3 =	vmul.f32 v4, v61  }
0x238: {  	v21 =	vor.u32 $0x400B, v1;
	v4 =	vld.idx.msk [tilespmem:v62+s12+$0x0], $0xffff  }
0x239: {  	v22 =	vld.idx.msk [tilespmem:v17+s11+$0x0], $0xffff;
	v2 =	vsub.f32 v2, v3;
	v3 =	vmul.f32 v16, v63  }
0x23a: {  	v24 =	vor.u32 $0x400C, v1;
	v23 =	vld.idx.msk [tilespmem:v17+s12+$0x0], $0xffff  }
0x23b: {  	v25 =	vld.idx.msk [tilespmem:v19+s11+$0x0], $0xffff;
	v2 =	vsub.f32 v2, v3;
	v3 =	vmul.f32 v5, v18  }
0x23c: {  	v26 =	vor.u32 $0x400D, v1;
	v5 =	vld.idx.msk [tilespmem:v19+s12+$0x0], $0xffff  }
0x23d: {  	v27 =	vld.idx.msk [tilespmem:v21+s11+$0x0], $0xffff;
	v2 =	vsub.f32 v2, v3;
	v3 =	vmul.f32 v4, v20  }
0x23e: {  	v28 =	vor.u32 $0x400E, v1;
	v4 =	vld.idx.msk [tilespmem:v21+s12+$0x0], $0xffff  }
0x23f: {  	v29 =	vld.idx.msk [tilespmem:v24+s11+$0x0], $0xffff;
	v2 =	vsub.f32 v2, v3;
	v3 =	vmul.f32 v23, v22  }
0x240: {  	v31 =	vor.u32 $0x400F, v1;
	v30 =	vld.idx.msk [tilespmem:v24+s12+$0x0], $0xffff  }
0x241: {  	v32 =	vld.idx.msk [tilespmem:v26+s11+$0x0], $0xffff;
	v2 =	vsub.f32 v2, v3;
	v3 =	vmul.f32 v5, v25  }
0x242: {  	v33 =	vor.u32 $0x4010, v1;
	v5 =	vld.idx.msk [tilespmem:v26+s12+$0x0], $0xffff  }
0x243: {  	v34 =	vld.idx.msk [tilespmem:v28+s11+$0x0], $0xffff;
	v2 =	vsub.f32 v2, v3;
	v3 =	vmul.f32 v4, v27  }
0x244: {  	v35 =	vor.u32 $0x4011, v1;
	v4 =	vld.idx.msk [tilespmem:v28+s12+$0x0], $0xffff  }
0x245: {  	v36 =	vld.idx.msk [tilespmem:v31+s11+$0x0], $0xffff;
	v2 =	vsub.f32 v2, v3;
	v3 =	vmul.f32 v30, v29  }
0x246: {  	v38 =	vor.u32 $0x4012, v1;
	v37 =	vld.idx.msk [tilespmem:v31+s12+$0x0], $0xffff  }
0x247: {  	v39 =	vld.idx.msk [tilespmem:v33+s11+$0x0], $0xffff;
	v2 =	vsub.f32 v2, v3;
	v3 =	vmul.f32 v5, v32  }
0x248: {  	v40 =	vor.u32 $0x4013, v1;
	v5 =	vld.idx.msk [tilespmem:v33+s12+$0x0], $0xffff  }
0x249: {  	v41 =	vld.idx.msk [tilespmem:v35+s11+$0x0], $0xffff;
	v2 =	vsub.f32 v2, v3;
	v3 =	vmul.f32 v4, v34  }
0x24a: {  	v42 =	vor.u32 $0x4014, v1;
	v4 =	vld.idx.msk [tilespmem:v35+s12+$0x0], $0xffff  }
0x24b: {  	v43 =	vld.idx.msk [tilespmem:v38+s11+$0x0], $0xffff;
	v2 =	vsub.f32 v2, v3;
	v3 =	vmul.f32 v37, v36  }
0x24c: {  	v45 =	vor.u32 $0x4015, v1;
	v44 =	vld.idx.msk [tilespmem:v38+s12+$0x0], $0xffff  }
0x24d: {  	v46 =	vld.idx.msk [tilespmem:v40+s11+$0x0], $0xffff;
	v2 =	vsub.f32 v2, v3;
	v3 =	vmul.f32 v5, v39  }
0x24e: {  	v47 =	vor.u32 $0x4016, v1;
	v5 =	vld.idx.msk [tilespmem:v40+s12+$0x0], $0xffff  }
0x24f: {  	v48 =	vld.idx.msk [tilespmem:v42+s11+$0x0], $0xffff;
	v2 =	vsub.f32 v2, v3;
	v3 =	vmul.f32 v4, v41  }
0x250: {  	v49 =	vor.u32 $0x4017, v1;
	v4 =	vld.idx.msk [tilespmem:v42+s12+$0x0], $0xffff  }
0x251: {  	v50 =	vld.idx.msk [tilespmem:v45+s11+$0x0], $0xffff;
	v2 =	vsub.f32 v2, v3;
	v3 =	vmul.f32 v44, v43  }
0x252: {  	v52 =	vor.u32 $0x4018, v1;
	v51 =	vld.idx.msk [tilespmem:v45+s12+$0x0], $0xffff  }
0x253: {  	v53 =	vld.idx.msk [tilespmem:v47+s11+$0x0], $0xffff;
	v2 =	vsub.f32 v2, v3;
	v3 =	vmul.f32 v5, v46  }
0x254: {  	v54 =	vor.u32 $0x4019, v1;
	v5 =	vld.idx.msk [tilespmem:v47+s12+$0x0], $0xffff  }
0x255: {  	v55 =	vld.idx.msk [tilespmem:v49+s11+$0x0], $0xffff;
	v2 =	vsub.f32 v2, v3;
	v3 =	vmul.f32 v4, v48  }
0x256: {  	v56 =	vor.u32 $0x401A, v1;
	v4 =	vld.idx.msk [tilespmem:v49+s12+$0x0], $0xffff  }
0x257: {  	v57 =	vld.idx.msk [tilespmem:v52+s11+$0x0], $0xffff;
	v2 =	vsub.f32 v2, v3;
	v3 =	vmul.f32 v51, v50  }
0x258: {  	v59 =	vor.u32 $0x401B, v1;
	v58 =	vld.idx.msk [tilespmem:v52+s12+$0x0], $0xffff  }
0x259: {  	v60 =	vld.idx.msk [tilespmem:v54+s11+$0x0], $0xffff;
	v2 =	vsub.f32 v2, v3;
	v3 =	vmul.f32 v5, v53  }
0x25a: {  	v61 =	vor.u32 $0x401C, v1;
	v5 =	vld.idx.msk [tilespmem:v54+s12+$0x0], $0xffff  }
0x25b: {  	v62 =	vld.idx.msk [tilespmem:v56+s11+$0x0], $0xffff;
	v2 =	vsub.f32 v2, v3;
	v3 =	vmul.f32 v4, v55  }
0x25c: {  	v63 =	vor.u32 $0x401D, v1;
	v4 =	vld.idx.msk [tilespmem:v56+s12+$0x0], $0xffff  }
0x25d: {  	v17 =	vld.idx.msk [tilespmem:v59+s12+$0x0], $0xffff;
	v2 =	vsub.f32 v2, v3;
	v3 =	vmul.f32 v58, v57  }
0x25e: {  	v16 =	vld.idx.msk [tilespmem:v59+s11+$0x0], $0xffff;
	v18 =	vor.u32 $0x401E, v1  }
0x25f: {  	v19 =	vld.idx.msk [tilespmem:v61+s11+$0x0], $0xffff;
	v2 =	vsub.f32 v2, v3;
	v3 =	vmul.f32 v5, v60  }
0x260: {  	v1 =	vor.u32 $0x401F, v1;
	v5 =	vld.idx.msk [tilespmem:v61+s12+$0x0], $0xffff  }
0x261: {  	v20 =	vld.idx.msk [tilespmem:v63+s11+$0x0], $0xffff;
	v2 =	vsub.f32 v2, v3;
	v3 =	vmul.f32 v4, v62  }
0x262: {  	v4 =	vld.idx.msk [tilespmem:v63+s12+$0x0], $0xffff  }
0x263: {  	v21 =	vld.idx.msk [tilespmem:v18+s11+$0x0], $0xffff;
	v2 =	vsub.f32 v2, v3;
	v3 =	vmul.f32 v17, v16  }
0x264: {  	v22 =	vld.idx.msk [tilespmem:v18+s12+$0x0], $0xffff  }
0x265: {  	v23 =	vld.idx.msk [tilespmem:v1+s11+$0x0], $0xffff;
	v2 =	vsub.f32 v2, v3;
	v3 =	vmul.f32 v5, v19  }
0x266: {  	v1 =	vld.idx.msk [tilespmem:v1+s12+$0x0], $0xffff  }
0x267: {  	v2 =	vsub.f32 v2, v3;
	v3 =	vmul.f32 v4, v20;
	_ =	sdelay $0x1  }
0x268: {  	v2 =	vsub.f32 v2, v3;
	v3 =	vmul.f32 v22, v21;
	_ =	sdelay $0x1  }
0x269: {  	v1 =	vmul.f32 v1, v23;
	v2 =	vsub.f32 v2, v3;
	_ =	sdelay $0x1  }
0x26a: {  	v1 =	vsub.f32 v2, v1  }
0x26b: {  	s23 =	sadd.s32 $0x10, s23  }
0x26c: {  	[tilespmem:s23+$0x0] =	vst v1  }
0x26d: {  	[tilespmem:s13], [sflag:$0x1] =	stream.indirect.gather [hbm4b:s3+s10], $0x80, s19, s10, $0xb8;
	[tilespmem:$0x10600] =	vst v63  }
0x26e: {  	s30 =	simm.s32 $0x0  }
0x26f: {  	v1 =	vmov s30;
	[tilespmem:s15], [sflag:$0x1] =	stream.indirect.gather [hbm4b:s3+s10], $0x80, s20, s10, $0xb8;
	[tilespmem:$0x10600] =	vst v63  }
0x270: {  	v1 =	vshll.u32 v1, $0x7;
	_ =	swait.ge [sflag:s16], $0x4000  }
0x271: {  	v1 =	vor.u32 v0, v1;
	[sflag:s16] =	ssyncset.done $0x0  }
0x272: {  	[sflag:s16] =	ssyncadd.s32 $0xFFFFC000  }
0x273: {  	v2 =	vor.u32 $0x1, v1;
	_ =	swait.ge [sflag:s16], $0x4000  }
0x274: {  	[sflag:s16] =	ssyncset.done $0x0  }
0x275: {  	v3 =	vor.u32 $0x2, v1;
	[sflag:s16] =	ssyncadd.s32 $0xFFFFC000  }
0x276: {  	v4 =	vld.idx.msk [tilespmem:v1+s12+$0x0], $0xffff  }
0x277: {  	v24 =	vor.u32 $0x3, v1;
	v5 =	vld.idx.msk [tilespmem:v1+s11+$0x0], $0xffff  }
0x278: {  	v25 =	vld.idx.msk [tilespmem:v2+s11+$0x0], $0xffff  }
0x279: {  	v26 =	vor.u32 $0x4, v1;
	v2 =	vld.idx.msk [tilespmem:v2+s12+$0x0], $0xffff  }
0x27a: {  	v27 =	vld.idx.msk [tilespmem:v3+s11+$0x0], $0xffff  }
0x27b: {  	v28 =	vor.u32 $0x5, v1;
	v3 =	vld.idx.msk [tilespmem:v3+s12+$0x0], $0xffff  }
0x27c: {  	v29 =	vld.idx.msk [tilespmem:v24+s11+$0x0], $0xffff  }
0x27d: {  	v30 =	vor.u32 $0x6, v1;
	v6 =	vld.idx.msk [tilespmem:v24+s12+$0x0], $0xffff  }
0x27e: {  	v31 =	vld.idx.msk [tilespmem:v26+s11+$0x0], $0xffff;
	v4 =	vmul.f32 v4, v5;
	v2 =	vmul.f32 v2, v25  }
0x27f: {  	v32 =	vor.u32 $0x7, v1;
	v5 =	vld.idx.msk [tilespmem:v26+s12+$0x0], $0xffff  }
0x280: {  	v33 =	vld.idx.msk [tilespmem:v28+s11+$0x0], $0xffff;
	v3 =	vmul.f32 v3, v27;
	v2 =	vsub.f32 v4, v2  }
0x281: {  	v34 =	vor.u32 $0x8, v1;
	v4 =	vld.idx.msk [tilespmem:v28+s12+$0x0], $0xffff  }
0x282: {  	v35 =	vld.idx.msk [tilespmem:v30+s11+$0x0], $0xffff;
	v2 =	vsub.f32 v2, v3;
	v3 =	vmul.f32 v6, v29  }
0x283: {  	v37 =	vor.u32 $0x9, v1;
	v36 =	vld.idx.msk [tilespmem:v30+s12+$0x0], $0xffff  }
0x284: {  	v38 =	vld.idx.msk [tilespmem:v32+s11+$0x0], $0xffff;
	v2 =	vsub.f32 v2, v3;
	v3 =	vmul.f32 v5, v31  }
0x285: {  	v39 =	vor.u32 $0xA, v1;
	v5 =	vld.idx.msk [tilespmem:v32+s12+$0x0], $0xffff  }
0x286: {  	v40 =	vld.idx.msk [tilespmem:v34+s11+$0x0], $0xffff;
	v2 =	vsub.f32 v2, v3;
	v3 =	vmul.f32 v4, v33  }
0x287: {  	v41 =	vor.u32 $0xB, v1;
	v4 =	vld.idx.msk [tilespmem:v34+s12+$0x0], $0xffff  }
0x288: {  	v42 =	vld.idx.msk [tilespmem:v37+s11+$0x0], $0xffff;
	v2 =	vsub.f32 v2, v3;
	v3 =	vmul.f32 v36, v35  }
0x289: {  	v44 =	vor.u32 $0xC, v1;
	v43 =	vld.idx.msk [tilespmem:v37+s12+$0x0], $0xffff  }
0x28a: {  	v45 =	vld.idx.msk [tilespmem:v39+s11+$0x0], $0xffff;
	v2 =	vsub.f32 v2, v3;
	v3 =	vmul.f32 v5, v38  }
0x28b: {  	v46 =	vor.u32 $0xD, v1;
	v5 =	vld.idx.msk [tilespmem:v39+s12+$0x0], $0xffff  }
0x28c: {  	v47 =	vld.idx.msk [tilespmem:v41+s11+$0x0], $0xffff;
	v2 =	vsub.f32 v2, v3;
	v3 =	vmul.f32 v4, v40  }
0x28d: {  	v48 =	vor.u32 $0xE, v1;
	v4 =	vld.idx.msk [tilespmem:v41+s12+$0x0], $0xffff  }
0x28e: {  	v49 =	vld.idx.msk [tilespmem:v44+s11+$0x0], $0xffff;
	v2 =	vsub.f32 v2, v3;
	v3 =	vmul.f32 v43, v42  }
0x28f: {  	v51 =	vor.u32 $0xF, v1;
	v50 =	vld.idx.msk [tilespmem:v44+s12+$0x0], $0xffff  }
0x290: {  	v52 =	vld.idx.msk [tilespmem:v46+s11+$0x0], $0xffff;
	v2 =	vsub.f32 v2, v3;
	v3 =	vmul.f32 v5, v45  }
0x291: {  	v53 =	vor.u32 $0x10, v1;
	v5 =	vld.idx.msk [tilespmem:v46+s12+$0x0], $0xffff  }
0x292: {  	v54 =	vld.idx.msk [tilespmem:v48+s11+$0x0], $0xffff;
	v2 =	vsub.f32 v2, v3;
	v3 =	vmul.f32 v4, v47  }
0x293: {  	v55 =	vor.u32 $0x11, v1;
	v4 =	vld.idx.msk [tilespmem:v48+s12+$0x0], $0xffff  }
0x294: {  	v56 =	vld.idx.msk [tilespmem:v51+s11+$0x0], $0xffff;
	v2 =	vsub.f32 v2, v3;
	v3 =	vmul.f32 v50, v49  }
0x295: {  	v58 =	vor.u32 $0x12, v1;
	v57 =	vld.idx.msk [tilespmem:v51+s12+$0x0], $0xffff  }
0x296: {  	v59 =	vld.idx.msk [tilespmem:v53+s11+$0x0], $0xffff;
	v2 =	vsub.f32 v2, v3;
	v3 =	vmul.f32 v5, v52  }
0x297: {  	v60 =	vor.u32 $0x13, v1;
	v5 =	vld.idx.msk [tilespmem:v53+s12+$0x0], $0xffff  }
0x298: {  	v61 =	vld.idx.msk [tilespmem:v55+s11+$0x0], $0xffff;
	v2 =	vsub.f32 v2, v3;
	v3 =	vmul.f32 v4, v54  }
0x299: {  	v62 =	vor.u32 $0x14, v1;
	v4 =	vld.idx.msk [tilespmem:v55+s12+$0x0], $0xffff  }
0x29a: {  	v63 =	vld.idx.msk [tilespmem:v58+s11+$0x0], $0xffff;
	v2 =	vsub.f32 v2, v3;
	v3 =	vmul.f32 v57, v56  }
0x29b: {  	v17 =	vor.u32 $0x15, v1;
	v16 =	vld.idx.msk [tilespmem:v58+s12+$0x0], $0xffff  }
0x29c: {  	v18 =	vld.idx.msk [tilespmem:v60+s11+$0x0], $0xffff;
	v2 =	vsub.f32 v2, v3;
	v3 =	vmul.f32 v5, v59  }
0x29d: {  	v19 =	vor.u32 $0x16, v1;
	v5 =	vld.idx.msk [tilespmem:v60+s12+$0x0], $0xffff  }
0x29e: {  	v20 =	vld.idx.msk [tilespmem:v62+s11+$0x0], $0xffff;
	v2 =	vsub.f32 v2, v3;
	v3 =	vmul.f32 v4, v61  }
0x29f: {  	v21 =	vor.u32 $0x17, v1;
	v4 =	vld.idx.msk [tilespmem:v62+s12+$0x0], $0xffff  }
0x2a0: {  	v22 =	vld.idx.msk [tilespmem:v17+s11+$0x0], $0xffff;
	v2 =	vsub.f32 v2, v3;
	v3 =	vmul.f32 v16, v63  }
0x2a1: {  	v23 =	vld.idx.msk [tilespmem:v17+s12+$0x0], $0xffff;
	v24 =	vor.u32 $0x18, v1  }
0x2a2: {  	v25 =	vld.idx.msk [tilespmem:v19+s11+$0x0], $0xffff;
	v2 =	vsub.f32 v2, v3;
	v3 =	vmul.f32 v5, v18  }
0x2a3: {  	v26 =	vor.u32 $0x19, v1;
	v5 =	vld.idx.msk [tilespmem:v19+s12+$0x0], $0xffff  }
0x2a4: {  	v27 =	vld.idx.msk [tilespmem:v21+s11+$0x0], $0xffff;
	v2 =	vsub.f32 v2, v3;
	v3 =	vmul.f32 v4, v20  }
0x2a5: {  	v28 =	vor.u32 $0x1A, v1;
	v4 =	vld.idx.msk [tilespmem:v21+s12+$0x0], $0xffff  }
0x2a6: {  	v30 =	vld.idx.msk [tilespmem:v24+s12+$0x0], $0xffff;
	v2 =	vsub.f32 v2, v3;
	v3 =	vmul.f32 v23, v22  }
0x2a7: {  	v29 =	vld.idx.msk [tilespmem:v24+s11+$0x0], $0xffff;
	v31 =	vor.u32 $0x1B, v1  }
0x2a8: {  	v32 =	vld.idx.msk [tilespmem:v26+s11+$0x0], $0xffff;
	v2 =	vsub.f32 v2, v3;
	v3 =	vmul.f32 v5, v25  }
0x2a9: {  	v33 =	vor.u32 $0x1C, v1;
	v5 =	vld.idx.msk [tilespmem:v26+s12+$0x0], $0xffff  }
0x2aa: {  	v34 =	vld.idx.msk [tilespmem:v28+s11+$0x0], $0xffff;
	v2 =	vsub.f32 v2, v3;
	v3 =	vmul.f32 v4, v27  }
0x2ab: {  	v35 =	vor.u32 $0x1D, v1;
	v4 =	vld.idx.msk [tilespmem:v28+s12+$0x0], $0xffff  }
0x2ac: {  	v36 =	vld.idx.msk [tilespmem:v31+s11+$0x0], $0xffff;
	v2 =	vsub.f32 v2, v3;
	v3 =	vmul.f32 v30, v29  }
0x2ad: {  	v37 =	vld.idx.msk [tilespmem:v31+s12+$0x0], $0xffff;
	v38 =	vor.u32 $0x1E, v1  }
0x2ae: {  	v39 =	vld.idx.msk [tilespmem:v33+s11+$0x0], $0xffff;
	v2 =	vsub.f32 v2, v3;
	v3 =	vmul.f32 v5, v32  }
0x2af: {  	v1 =	vor.u32 $0x1F, v1;
	v5 =	vld.idx.msk [tilespmem:v33+s12+$0x0], $0xffff  }
0x2b0: {  	v40 =	vld.idx.msk [tilespmem:v35+s11+$0x0], $0xffff;
	v2 =	vsub.f32 v2, v3;
	v3 =	vmul.f32 v4, v34  }
0x2b1: {  	v4 =	vld.idx.msk [tilespmem:v35+s12+$0x0], $0xffff  }
0x2b2: {  	v41 =	vld.idx.msk [tilespmem:v38+s11+$0x0], $0xffff;
	v2 =	vsub.f32 v2, v3;
	v3 =	vmul.f32 v37, v36  }
0x2b3: {  	v42 =	vld.idx.msk [tilespmem:v38+s12+$0x0], $0xffff  }
0x2b4: {  	v43 =	vld.idx.msk [tilespmem:v1+s11+$0x0], $0xffff;
	v2 =	vsub.f32 v2, v3;
	v3 =	vmul.f32 v5, v39  }
0x2b5: {  	v5 =	vld.idx.msk [tilespmem:v1+s12+$0x0], $0xffff  }
0x2b6: {  	v1 =	vsub.f32 v2, v3;
	v2 =	vmul.f32 v4, v40  }
0x2b7: {  	s31 =	simm.s32 $0x10  }
0x2b8: {  	v3 =	vmov s31;
	v4 =	vmul.f32 v42, v41;
	v2 =	vsub.f32 v1, v2  }
0x2b9: {  	v1 =	vshll.u32 v3, $0x7  }
0x2ba: {  	v1 =	vor.u32 v0, v1;
	v3 =	vmul.f32 v5, v43;
	v2 =	vsub.f32 v2, v4;
	_ =	sdelay $0x1  }
0x2bb: {  	v4 =	vor.u32 $0x1, v1;
	v2 =	vsub.f32 v2, v3  }
0x2bc: {  	s23 =	simm.s32 $0x10500  }
0x2bd: {  	v3 =	vor.u32 $0x2, v1;
	[tilespmem:s23+$0x0] =	vst v2  }
0x2be: {  	v2 =	vld.idx.msk [tilespmem:v1+s12+$0x0], $0xffff  }
0x2bf: {  	v44 =	vor.u32 $0x3, v1;
	v5 =	vld.idx.msk [tilespmem:v1+s11+$0x0], $0xffff  }
0x2c0: {  	v45 =	vld.idx.msk [tilespmem:v4+s11+$0x0], $0xffff  }
0x2c1: {  	v46 =	vor.u32 $0x4, v1;
	v4 =	vld.idx.msk [tilespmem:v4+s12+$0x0], $0xffff  }
0x2c2: {  	v47 =	vld.idx.msk [tilespmem:v3+s11+$0x0], $0xffff  }
0x2c3: {  	v48 =	vor.u32 $0x5, v1;
	v3 =	vld.idx.msk [tilespmem:v3+s12+$0x0], $0xffff  }
0x2c4: {  	v49 =	vld.idx.msk [tilespmem:v44+s11+$0x0], $0xffff  }
0x2c5: {  	v50 =	vor.u32 $0x6, v1;
	v6 =	vld.idx.msk [tilespmem:v44+s12+$0x0], $0xffff  }
0x2c6: {  	v51 =	vld.idx.msk [tilespmem:v46+s11+$0x0], $0xffff;
	v2 =	vmul.f32 v2, v5;
	v4 =	vmul.f32 v4, v45  }
0x2c7: {  	v52 =	vor.u32 $0x7, v1;
	v5 =	vld.idx.msk [tilespmem:v46+s12+$0x0], $0xffff  }
0x2c8: {  	v53 =	vld.idx.msk [tilespmem:v48+s11+$0x0], $0xffff;
	v2 =	vsub.f32 v2, v4;
	v3 =	vmul.f32 v3, v47  }
0x2c9: {  	v54 =	vor.u32 $0x8, v1;
	v4 =	vld.idx.msk [tilespmem:v48+s12+$0x0], $0xffff  }
0x2ca: {  	v55 =	vld.idx.msk [tilespmem:v50+s11+$0x0], $0xffff;
	v2 =	vsub.f32 v2, v3;
	v3 =	vmul.f32 v6, v49  }
0x2cb: {  	v57 =	vor.u32 $0x9, v1;
	v56 =	vld.idx.msk [tilespmem:v50+s12+$0x0], $0xffff  }
0x2cc: {  	v58 =	vld.idx.msk [tilespmem:v52+s11+$0x0], $0xffff;
	v2 =	vsub.f32 v2, v3;
	v3 =	vmul.f32 v5, v51  }
0x2cd: {  	v59 =	vor.u32 $0xA, v1;
	v5 =	vld.idx.msk [tilespmem:v52+s12+$0x0], $0xffff  }
0x2ce: {  	v60 =	vld.idx.msk [tilespmem:v54+s11+$0x0], $0xffff;
	v2 =	vsub.f32 v2, v3;
	v3 =	vmul.f32 v4, v53  }
0x2cf: {  	v61 =	vor.u32 $0xB, v1;
	v4 =	vld.idx.msk [tilespmem:v54+s12+$0x0], $0xffff  }
0x2d0: {  	v62 =	vld.idx.msk [tilespmem:v57+s11+$0x0], $0xffff;
	v2 =	vsub.f32 v2, v3;
	v3 =	vmul.f32 v56, v55  }
0x2d1: {  	v16 =	vor.u32 $0xC, v1;
	v63 =	vld.idx.msk [tilespmem:v57+s12+$0x0], $0xffff  }
0x2d2: {  	v17 =	vld.idx.msk [tilespmem:v59+s11+$0x0], $0xffff;
	v2 =	vsub.f32 v2, v3;
	v3 =	vmul.f32 v5, v58  }
0x2d3: {  	v18 =	vor.u32 $0xD, v1;
	v5 =	vld.idx.msk [tilespmem:v59+s12+$0x0], $0xffff  }
0x2d4: {  	v19 =	vld.idx.msk [tilespmem:v61+s11+$0x0], $0xffff;
	v2 =	vsub.f32 v2, v3;
	v3 =	vmul.f32 v4, v60  }
0x2d5: {  	v20 =	vor.u32 $0xE, v1;
	v4 =	vld.idx.msk [tilespmem:v61+s12+$0x0], $0xffff  }
0x2d6: {  	v21 =	vld.idx.msk [tilespmem:v16+s11+$0x0], $0xffff;
	v2 =	vsub.f32 v2, v3;
	v3 =	vmul.f32 v63, v62  }
0x2d7: {  	v23 =	vor.u32 $0xF, v1;
	v22 =	vld.idx.msk [tilespmem:v16+s12+$0x0], $0xffff  }
0x2d8: {  	v24 =	vld.idx.msk [tilespmem:v18+s11+$0x0], $0xffff;
	v2 =	vsub.f32 v2, v3;
	v3 =	vmul.f32 v5, v17  }
0x2d9: {  	v25 =	vor.u32 $0x10, v1;
	v5 =	vld.idx.msk [tilespmem:v18+s12+$0x0], $0xffff  }
0x2da: {  	v26 =	vld.idx.msk [tilespmem:v20+s11+$0x0], $0xffff;
	v2 =	vsub.f32 v2, v3;
	v3 =	vmul.f32 v4, v19  }
0x2db: {  	v27 =	vor.u32 $0x11, v1;
	v4 =	vld.idx.msk [tilespmem:v20+s12+$0x0], $0xffff  }
0x2dc: {  	v28 =	vld.idx.msk [tilespmem:v23+s11+$0x0], $0xffff;
	v2 =	vsub.f32 v2, v3;
	v3 =	vmul.f32 v22, v21  }
0x2dd: {  	v30 =	vor.u32 $0x12, v1;
	v29 =	vld.idx.msk [tilespmem:v23+s12+$0x0], $0xffff  }
0x2de: {  	v31 =	vld.idx.msk [tilespmem:v25+s11+$0x0], $0xffff;
	v2 =	vsub.f32 v2, v3;
	v3 =	vmul.f32 v5, v24  }
0x2df: {  	v32 =	vor.u32 $0x13, v1;
	v5 =	vld.idx.msk [tilespmem:v25+s12+$0x0], $0xffff  }
0x2e0: {  	v33 =	vld.idx.msk [tilespmem:v27+s11+$0x0], $0xffff;
	v2 =	vsub.f32 v2, v3;
	v3 =	vmul.f32 v4, v26  }
0x2e1: {  	v34 =	vor.u32 $0x14, v1;
	v4 =	vld.idx.msk [tilespmem:v27+s12+$0x0], $0xffff  }
0x2e2: {  	v35 =	vld.idx.msk [tilespmem:v30+s11+$0x0], $0xffff;
	v2 =	vsub.f32 v2, v3;
	v3 =	vmul.f32 v29, v28  }
0x2e3: {  	v37 =	vor.u32 $0x15, v1;
	v36 =	vld.idx.msk [tilespmem:v30+s12+$0x0], $0xffff  }
0x2e4: {  	v38 =	vld.idx.msk [tilespmem:v32+s11+$0x0], $0xffff;
	v2 =	vsub.f32 v2, v3;
	v3 =	vmul.f32 v5, v31  }
0x2e5: {  	v39 =	vor.u32 $0x16, v1;
	v5 =	vld.idx.msk [tilespmem:v32+s12+$0x0], $0xffff  }
0x2e6: {  	v40 =	vld.idx.msk [tilespmem:v34+s11+$0x0], $0xffff;
	v2 =	vsub.f32 v2, v3;
	v3 =	vmul.f32 v4, v33  }
0x2e7: {  	v41 =	vor.u32 $0x17, v1;
	v4 =	vld.idx.msk [tilespmem:v34+s12+$0x0], $0xffff  }
0x2e8: {  	v42 =	vld.idx.msk [tilespmem:v37+s11+$0x0], $0xffff;
	v2 =	vsub.f32 v2, v3;
	v3 =	vmul.f32 v36, v35  }
0x2e9: {  	v43 =	vld.idx.msk [tilespmem:v37+s12+$0x0], $0xffff;
	v44 =	vor.u32 $0x18, v1  }
0x2ea: {  	v45 =	vld.idx.msk [tilespmem:v39+s11+$0x0], $0xffff;
	v2 =	vsub.f32 v2, v3;
	v3 =	vmul.f32 v5, v38  }
0x2eb: {  	v46 =	vor.u32 $0x19, v1;
	v5 =	vld.idx.msk [tilespmem:v39+s12+$0x0], $0xffff  }
0x2ec: {  	v47 =	vld.idx.msk [tilespmem:v41+s11+$0x0], $0xffff;
	v2 =	vsub.f32 v2, v3;
	v3 =	vmul.f32 v4, v40  }
0x2ed: {  	v48 =	vor.u32 $0x1A, v1;
	v4 =	vld.idx.msk [tilespmem:v41+s12+$0x0], $0xffff  }
0x2ee: {  	v50 =	vld.idx.msk [tilespmem:v44+s12+$0x0], $0xffff;
	v2 =	vsub.f32 v2, v3;
	v3 =	vmul.f32 v43, v42  }
0x2ef: {  	v49 =	vld.idx.msk [tilespmem:v44+s11+$0x0], $0xffff;
	v51 =	vor.u32 $0x1B, v1  }
0x2f0: {  	v52 =	vld.idx.msk [tilespmem:v46+s11+$0x0], $0xffff;
	v2 =	vsub.f32 v2, v3;
	v3 =	vmul.f32 v5, v45  }
0x2f1: {  	v53 =	vor.u32 $0x1C, v1;
	v5 =	vld.idx.msk [tilespmem:v46+s12+$0x0], $0xffff  }
0x2f2: {  	v54 =	vld.idx.msk [tilespmem:v48+s11+$0x0], $0xffff;
	v2 =	vsub.f32 v2, v3;
	v3 =	vmul.f32 v4, v47  }
0x2f3: {  	v55 =	vor.u32 $0x1D, v1;
	v4 =	vld.idx.msk [tilespmem:v48+s12+$0x0], $0xffff  }
0x2f4: {  	v56 =	vld.idx.msk [tilespmem:v51+s11+$0x0], $0xffff;
	v2 =	vsub.f32 v2, v3;
	v3 =	vmul.f32 v50, v49  }
0x2f5: {  	v57 =	vld.idx.msk [tilespmem:v51+s12+$0x0], $0xffff;
	v58 =	vor.u32 $0x1E, v1  }
0x2f6: {  	v59 =	vld.idx.msk [tilespmem:v53+s11+$0x0], $0xffff;
	v2 =	vsub.f32 v2, v3;
	v3 =	vmul.f32 v5, v52  }
0x2f7: {  	v1 =	vor.u32 $0x1F, v1;
	v5 =	vld.idx.msk [tilespmem:v53+s12+$0x0], $0xffff  }
0x2f8: {  	v60 =	vld.idx.msk [tilespmem:v55+s11+$0x0], $0xffff;
	v2 =	vsub.f32 v2, v3;
	v3 =	vmul.f32 v4, v54  }
0x2f9: {  	v4 =	vld.idx.msk [tilespmem:v55+s12+$0x0], $0xffff  }
0x2fa: {  	v61 =	vld.idx.msk [tilespmem:v58+s11+$0x0], $0xffff;
	v2 =	vsub.f32 v2, v3;
	v3 =	vmul.f32 v57, v56  }
0x2fb: {  	v62 =	vld.idx.msk [tilespmem:v58+s12+$0x0], $0xffff  }
0x2fc: {  	v63 =	vld.idx.msk [tilespmem:v1+s11+$0x0], $0xffff;
	v2 =	vsub.f32 v2, v3;
	v3 =	vmul.f32 v5, v59  }
0x2fd: {  	v5 =	vld.idx.msk [tilespmem:v1+s12+$0x0], $0xffff  }
0x2fe: {  	v1 =	vsub.f32 v2, v3;
	v2 =	vmul.f32 v4, v60  }
0x2ff: {  	s24 =	simm.s32 $0x20  }
0x300: {  	v3 =	vmov s24;
	v4 =	vmul.f32 v62, v61;
	v2 =	vsub.f32 v1, v2  }
0x301: {  	v1 =	vshll.u32 v3, $0x7  }
0x302: {  	s24 =	simm.s32 $0x30;
	v1 =	vor.u32 v0, v1;
	v3 =	vmul.f32 v5, v63;
	v2 =	vsub.f32 v2, v4  }
.LBB2_6:
0x303: {  	p0 =	sne.s32 s24, $0x70  }
0x304: {  	v4 =	vor.u32 $0x1, v1;
	v2 =	vsub.f32 v2, v3  }
0x305: {  	s23 =	sadd.s32 $0x10, s23  }
0x306: {  	v3 =	vor.u32 $0x2, v1;
	[tilespmem:s23+$0x0] =	vst v2  }
0x307: {  	v2 =	vld.idx.msk [tilespmem:v1+s12+$0x0], $0xffff  }
0x308: {  	v6 =	vor.u32 $0x3, v1;
	v5 =	vld.idx.msk [tilespmem:v1+s11+$0x0], $0xffff  }
0x309: {  	v7 =	vld.idx.msk [tilespmem:v4+s11+$0x0], $0xffff  }
0x30a: {  	v8 =	vor.u32 $0x4, v1;
	v4 =	vld.idx.msk [tilespmem:v4+s12+$0x0], $0xffff  }
0x30b: {  	v9 =	vld.idx.msk [tilespmem:v3+s11+$0x0], $0xffff  }
0x30c: {  	v10 =	vor.u32 $0x5, v1;
	v3 =	vld.idx.msk [tilespmem:v3+s12+$0x0], $0xffff  }
0x30d: {  	v11 =	vld.idx.msk [tilespmem:v6+s11+$0x0], $0xffff  }
0x30e: {  	v12 =	vor.u32 $0x6, v1;
	v6 =	vld.idx.msk [tilespmem:v6+s12+$0x0], $0xffff  }
0x30f: {  	v13 =	vld.idx.msk [tilespmem:v8+s11+$0x0], $0xffff  }
0x310: {  	v2 =	vmul.f32 v2, v5;
	v4 =	vmul.f32 v4, v7;
	v7 =	vor.u32 $0x7, v1;
	v5 =	vld.idx.msk [tilespmem:v8+s12+$0x0], $0xffff  }
0x311: {  	v8 =	vld.idx.msk [tilespmem:v10+s11+$0x0], $0xffff  }
0x312: {  	v2 =	vsub.f32 v2, v4;
	v3 =	vmul.f32 v3, v9;
	v9 =	vor.u32 $0x8, v1;
	v4 =	vld.idx.msk [tilespmem:v10+s12+$0x0], $0xffff  }
0x313: {  	v10 =	vld.idx.msk [tilespmem:v12+s11+$0x0], $0xffff  }
0x314: {  	v2 =	vsub.f32 v2, v3;
	v3 =	vmul.f32 v6, v11;
	v11 =	vor.u32 $0x9, v1;
	v6 =	vld.idx.msk [tilespmem:v12+s12+$0x0], $0xffff  }
0x315: {  	v12 =	vld.idx.msk [tilespmem:v7+s11+$0x0], $0xffff  }
0x316: {  	v2 =	vsub.f32 v2, v3;
	v3 =	vmul.f32 v5, v13;
	v5 =	vld.idx.msk [tilespmem:v7+s12+$0x0], $0xffff;
	v7 =	vor.u32 $0xA, v1  }
0x317: {  	v13 =	vld.idx.msk [tilespmem:v9+s11+$0x0], $0xffff  }
0x318: {  	v2 =	vsub.f32 v2, v3;
	v3 =	vmul.f32 v4, v8;
	v8 =	vor.u32 $0xB, v1;
	v4 =	vld.idx.msk [tilespmem:v9+s12+$0x0], $0xffff  }
0x319: {  	v9 =	vld.idx.msk [tilespmem:v11+s11+$0x0], $0xffff  }
0x31a: {  	v2 =	vsub.f32 v2, v3;
	v3 =	vmul.f32 v6, v10;
	v10 =	vor.u32 $0xC, v1;
	v6 =	vld.idx.msk [tilespmem:v11+s12+$0x0], $0xffff  }
0x31b: {  	v11 =	vld.idx.msk [tilespmem:v7+s11+$0x0], $0xffff  }
0x31c: {  	v2 =	vsub.f32 v2, v3;
	v3 =	vmul.f32 v5, v12;
	v5 =	vld.idx.msk [tilespmem:v7+s12+$0x0], $0xffff;
	v7 =	vor.u32 $0xD, v1  }
0x31d: {  	v12 =	vld.idx.msk [tilespmem:v8+s11+$0x0], $0xffff  }
0x31e: {  	v2 =	vsub.f32 v2, v3;
	v3 =	vmul.f32 v4, v13;
	v4 =	vld.idx.msk [tilespmem:v8+s12+$0x0], $0xffff;
	v8 =	vor.u32 $0xE, v1  }
0x31f: {  	v13 =	vld.idx.msk [tilespmem:v10+s11+$0x0], $0xffff  }
0x320: {  	v2 =	vsub.f32 v2, v3;
	v3 =	vmul.f32 v6, v9;
	v9 =	vor.u32 $0xF, v1;
	v6 =	vld.idx.msk [tilespmem:v10+s12+$0x0], $0xffff  }
0x321: {  	v10 =	vld.idx.msk [tilespmem:v7+s11+$0x0], $0xffff  }
0x322: {  	v2 =	vsub.f32 v2, v3;
	v3 =	vmul.f32 v5, v11;
	v5 =	vld.idx.msk [tilespmem:v7+s12+$0x0], $0xffff;
	v7 =	vor.u32 $0x10, v1  }
0x323: {  	v11 =	vld.idx.msk [tilespmem:v8+s11+$0x0], $0xffff  }
0x324: {  	v2 =	vsub.f32 v2, v3;
	v3 =	vmul.f32 v4, v12;
	v4 =	vld.idx.msk [tilespmem:v8+s12+$0x0], $0xffff;
	v8 =	vor.u32 $0x11, v1  }
0x325: {  	v12 =	vld.idx.msk [tilespmem:v9+s11+$0x0], $0xffff  }
0x326: {  	v2 =	vsub.f32 v2, v3;
	v3 =	vmul.f32 v6, v13;
	v6 =	vld.idx.msk [tilespmem:v9+s12+$0x0], $0xffff;
	v9 =	vor.u32 $0x12, v1  }
0x327: {  	v13 =	vld.idx.msk [tilespmem:v7+s11+$0x0], $0xffff  }
0x328: {  	v2 =	vsub.f32 v2, v3;
	v3 =	vmul.f32 v5, v10;
	v5 =	vld.idx.msk [tilespmem:v7+s12+$0x0], $0xffff;
	v7 =	vor.u32 $0x13, v1  }
0x329: {  	v10 =	vld.idx.msk [tilespmem:v8+s11+$0x0], $0xffff  }
0x32a: {  	v2 =	vsub.f32 v2, v3;
	v3 =	vmul.f32 v4, v11;
	v4 =	vld.idx.msk [tilespmem:v8+s12+$0x0], $0xffff;
	v8 =	vor.u32 $0x14, v1  }
0x32b: {  	v11 =	vld.idx.msk [tilespmem:v9+s11+$0x0], $0xffff  }
0x32c: {  	v2 =	vsub.f32 v2, v3;
	v3 =	vmul.f32 v6, v12;
	v6 =	vld.idx.msk [tilespmem:v9+s12+$0x0], $0xffff;
	v9 =	vor.u32 $0x15, v1  }
0x32d: {  	v12 =	vld.idx.msk [tilespmem:v7+s11+$0x0], $0xffff  }
0x32e: {  	v2 =	vsub.f32 v2, v3;
	v3 =	vmul.f32 v5, v13;
	v5 =	vld.idx.msk [tilespmem:v7+s12+$0x0], $0xffff;
	v7 =	vor.u32 $0x16, v1  }
0x32f: {  	v13 =	vld.idx.msk [tilespmem:v8+s11+$0x0], $0xffff  }
0x330: {  	v2 =	vsub.f32 v2, v3;
	v3 =	vmul.f32 v4, v10;
	v4 =	vld.idx.msk [tilespmem:v8+s12+$0x0], $0xffff;
	v8 =	vor.u32 $0x17, v1  }
0x331: {  	v10 =	vld.idx.msk [tilespmem:v9+s11+$0x0], $0xffff  }
0x332: {  	v2 =	vsub.f32 v2, v3;
	v3 =	vmul.f32 v6, v11;
	v6 =	vld.idx.msk [tilespmem:v9+s12+$0x0], $0xffff;
	v9 =	vor.u32 $0x18, v1  }
0x333: {  	v11 =	vld.idx.msk [tilespmem:v7+s11+$0x0], $0xffff  }
0x334: {  	v2 =	vsub.f32 v2, v3;
	v3 =	vmul.f32 v5, v12;
	v5 =	vld.idx.msk [tilespmem:v7+s12+$0x0], $0xffff;
	v7 =	vor.u32 $0x19, v1  }
0x335: {  	v12 =	vld.idx.msk [tilespmem:v8+s11+$0x0], $0xffff  }
0x336: {  	v2 =	vsub.f32 v2, v3;
	v3 =	vmul.f32 v4, v13;
	v4 =	vld.idx.msk [tilespmem:v8+s12+$0x0], $0xffff;
	v8 =	vor.u32 $0x1A, v1  }
0x337: {  	v13 =	vld.idx.msk [tilespmem:v9+s11+$0x0], $0xffff  }
0x338: {  	v2 =	vsub.f32 v2, v3;
	v3 =	vmul.f32 v6, v10;
	v6 =	vld.idx.msk [tilespmem:v9+s12+$0x0], $0xffff;
	v9 =	vor.u32 $0x1B, v1  }
0x339: {  	v10 =	vld.idx.msk [tilespmem:v7+s11+$0x0], $0xffff  }
0x33a: {  	v2 =	vsub.f32 v2, v3;
	v3 =	vmul.f32 v5, v11;
	v5 =	vld.idx.msk [tilespmem:v7+s12+$0x0], $0xffff;
	v7 =	vor.u32 $0x1C, v1  }
0x33b: {  	v11 =	vld.idx.msk [tilespmem:v8+s11+$0x0], $0xffff  }
0x33c: {  	v2 =	vsub.f32 v2, v3;
	v3 =	vmul.f32 v4, v12;
	v4 =	vld.idx.msk [tilespmem:v8+s12+$0x0], $0xffff;
	v8 =	vor.u32 $0x1D, v1  }
0x33d: {  	v12 =	vld.idx.msk [tilespmem:v9+s11+$0x0], $0xffff  }
0x33e: {  	v2 =	vsub.f32 v2, v3;
	v3 =	vmul.f32 v6, v13;
	v6 =	vld.idx.msk [tilespmem:v9+s12+$0x0], $0xffff;
	v9 =	vor.u32 $0x1E, v1  }
0x33f: {  	v13 =	vld.idx.msk [tilespmem:v7+s11+$0x0], $0xffff  }
0x340: {  	v1 =	vor.u32 $0x1F, v1;
	v2 =	vsub.f32 v2, v3;
	v3 =	vmul.f32 v5, v10;
	v5 =	vld.idx.msk [tilespmem:v7+s12+$0x0], $0xffff  }
0x341: {  	v7 =	vld.idx.msk [tilespmem:v8+s11+$0x0], $0xffff  }
0x342: {  	v2 =	vsub.f32 v2, v3;
	v3 =	vmul.f32 v4, v11;
	v4 =	vld.idx.msk [tilespmem:v8+s12+$0x0], $0xffff  }
0x343: {  	v8 =	vld.idx.msk [tilespmem:v9+s11+$0x0], $0xffff  }
0x344: {  	v2 =	vsub.f32 v2, v3;
	v3 =	vmul.f32 v6, v12;
	v6 =	vld.idx.msk [tilespmem:v9+s12+$0x0], $0xffff  }
0x345: {  	v9 =	vld.idx.msk [tilespmem:v1+s11+$0x0], $0xffff  }
0x346: {  	v2 =	vsub.f32 v2, v3;
	v3 =	vmul.f32 v5, v13;
	v5 =	vld.idx.msk [tilespmem:v1+s12+$0x0], $0xffff;
	_ =	sdelay $0x1  }
.Ltmp2:
0x347: {  	v1 =	vsub.f32 v2, v3;
	v2 =	vmul.f32 v4, v7;
	(pc) =	sbr.rel @p0 .LBB2_6-.Ltmp2, $4  }
0x348: {  	_ = 	snop  }
0x349: {  	v3 =	vmov s24;
	v2 =	vsub.f32 v1, v2;
	v4 =	vmul.f32 v6, v8  }
0x34a: {  	v1 =	vshll.u32 v3, $0x7  }
0x34b: {  	s24 =	sadd.s32 $0x10, s24;
	v1 =	vor.u32 v0, v1;
	v2 =	vsub.f32 v2, v4;
	v3 =	vmul.f32 v5, v9  }
0x34c: {  	_ = 	snop  }
0x34d: {  	v4 =	vor.u32 $0x1, v1;
	v2 =	vsub.f32 v2, v3  }
0x34e: {  	s23 =	sadd.s32 $0x10, s23  }
0x34f: {  	v3 =	vor.u32 $0x2, v1;
	[tilespmem:s23+$0x0] =	vst v2  }
0x350: {  	v2 =	vld.idx.msk [tilespmem:v1+s12+$0x0], $0xffff  }
0x351: {  	v6 =	vor.u32 $0x3, v1;
	v5 =	vld.idx.msk [tilespmem:v1+s11+$0x0], $0xffff  }
0x352: {  	v7 =	vld.idx.msk [tilespmem:v4+s11+$0x0], $0xffff  }
0x353: {  	v8 =	vor.u32 $0x4, v1;
	v4 =	vld.idx.msk [tilespmem:v4+s12+$0x0], $0xffff  }
0x354: {  	v9 =	vld.idx.msk [tilespmem:v3+s11+$0x0], $0xffff  }
0x355: {  	v10 =	vor.u32 $0x5, v1;
	v3 =	vld.idx.msk [tilespmem:v3+s12+$0x0], $0xffff  }
0x356: {  	v11 =	vld.idx.msk [tilespmem:v6+s11+$0x0], $0xffff  }
0x357: {  	v12 =	vor.u32 $0x6, v1;
	v6 =	vld.idx.msk [tilespmem:v6+s12+$0x0], $0xffff  }
0x358: {  	v13 =	vld.idx.msk [tilespmem:v8+s11+$0x0], $0xffff;
	v2 =	vmul.f32 v2, v5;
	v4 =	vmul.f32 v4, v7  }
0x359: {  	v5 =	vld.idx.msk [tilespmem:v8+s12+$0x0], $0xffff;
	v7 =	vor.u32 $0x7, v1  }
0x35a: {  	v24 =	vld.idx.msk [tilespmem:v10+s11+$0x0], $0xffff;
	v3 =	vmul.f32 v3, v9;
	v2 =	vsub.f32 v2, v4  }
0x35b: {  	v25 =	vor.u32 $0x8, v1;
	v4 =	vld.idx.msk [tilespmem:v10+s12+$0x0], $0xffff  }
0x35c: {  	v26 =	vld.idx.msk [tilespmem:v12+s11+$0x0], $0xffff;
	v2 =	vsub.f32 v2, v3;
	v3 =	vmul.f32 v6, v11  }
0x35d: {  	v27 =	vor.u32 $0x9, v1;
	v6 =	vld.idx.msk [tilespmem:v12+s12+$0x0], $0xffff  }
0x35e: {  	v28 =	vld.idx.msk [tilespmem:v7+s11+$0x0], $0xffff;
	v2 =	vsub.f32 v2, v3;
	v3 =	vmul.f32 v5, v13  }
0x35f: {  	v5 =	vld.idx.msk [tilespmem:v7+s12+$0x0], $0xffff;
	v7 =	vor.u32 $0xA, v1  }
0x360: {  	v29 =	vld.idx.msk [tilespmem:v25+s11+$0x0], $0xffff;
	v2 =	vsub.f32 v2, v3;
	v3 =	vmul.f32 v4, v24  }
0x361: {  	v30 =	vor.u32 $0xB, v1;
	v4 =	vld.idx.msk [tilespmem:v25+s12+$0x0], $0xffff  }
0x362: {  	v31 =	vld.idx.msk [tilespmem:v27+s11+$0x0], $0xffff;
	v2 =	vsub.f32 v2, v3;
	v3 =	vmul.f32 v6, v26  }
0x363: {  	v32 =	vor.u32 $0xC, v1;
	v6 =	vld.idx.msk [tilespmem:v27+s12+$0x0], $0xffff  }
0x364: {  	v33 =	vld.idx.msk [tilespmem:v7+s11+$0x0], $0xffff;
	v2 =	vsub.f32 v2, v3;
	v3 =	vmul.f32 v5, v28  }
0x365: {  	v5 =	vld.idx.msk [tilespmem:v7+s12+$0x0], $0xffff;
	v7 =	vor.u32 $0xD, v1  }
0x366: {  	v34 =	vld.idx.msk [tilespmem:v30+s11+$0x0], $0xffff;
	v2 =	vsub.f32 v2, v3;
	v3 =	vmul.f32 v4, v29  }
0x367: {  	v35 =	vor.u32 $0xE, v1;
	v4 =	vld.idx.msk [tilespmem:v30+s12+$0x0], $0xffff  }
0x368: {  	v36 =	vld.idx.msk [tilespmem:v32+s11+$0x0], $0xffff;
	v2 =	vsub.f32 v2, v3;
	v3 =	vmul.f32 v6, v31  }
0x369: {  	v37 =	vor.u32 $0xF, v1;
	v6 =	vld.idx.msk [tilespmem:v32+s12+$0x0], $0xffff  }
0x36a: {  	v38 =	vld.idx.msk [tilespmem:v7+s11+$0x0], $0xffff;
	v2 =	vsub.f32 v2, v3;
	v3 =	vmul.f32 v5, v33  }
0x36b: {  	v5 =	vld.idx.msk [tilespmem:v7+s12+$0x0], $0xffff;
	v7 =	vor.u32 $0x10, v1  }
0x36c: {  	v39 =	vld.idx.msk [tilespmem:v35+s11+$0x0], $0xffff;
	v2 =	vsub.f32 v2, v3;
	v3 =	vmul.f32 v4, v34  }
0x36d: {  	v40 =	vor.u32 $0x11, v1;
	v4 =	vld.idx.msk [tilespmem:v35+s12+$0x0], $0xffff  }
0x36e: {  	v41 =	vld.idx.msk [tilespmem:v37+s11+$0x0], $0xffff;
	v2 =	vsub.f32 v2, v3;
	v3 =	vmul.f32 v6, v36  }
0x36f: {  	v42 =	vor.u32 $0x12, v1;
	v6 =	vld.idx.msk [tilespmem:v37+s12+$0x0], $0xffff  }
0x370: {  	v43 =	vld.idx.msk [tilespmem:v7+s11+$0x0], $0xffff;
	v2 =	vsub.f32 v2, v3;
	v3 =	vmul.f32 v5, v38  }
0x371: {  	v5 =	vld.idx.msk [tilespmem:v7+s12+$0x0], $0xffff;
	v7 =	vor.u32 $0x13, v1  }
0x372: {  	v44 =	vld.idx.msk [tilespmem:v40+s11+$0x0], $0xffff;
	v2 =	vsub.f32 v2, v3;
	v3 =	vmul.f32 v4, v39  }
0x373: {  	v45 =	vor.u32 $0x14, v1;
	v4 =	vld.idx.msk [tilespmem:v40+s12+$0x0], $0xffff  }
0x374: {  	v46 =	vld.idx.msk [tilespmem:v42+s11+$0x0], $0xffff;
	v2 =	vsub.f32 v2, v3;
	v3 =	vmul.f32 v6, v41  }
0x375: {  	v47 =	vor.u32 $0x15, v1;
	v6 =	vld.idx.msk [tilespmem:v42+s12+$0x0], $0xffff  }
0x376: {  	v48 =	vld.idx.msk [tilespmem:v7+s11+$0x0], $0xffff;
	v2 =	vsub.f32 v2, v3;
	v3 =	vmul.f32 v5, v43  }
0x377: {  	v5 =	vld.idx.msk [tilespmem:v7+s12+$0x0], $0xffff;
	v7 =	vor.u32 $0x16, v1  }
0x378: {  	v49 =	vld.idx.msk [tilespmem:v45+s11+$0x0], $0xffff;
	v2 =	vsub.f32 v2, v3;
	v3 =	vmul.f32 v4, v44  }
0x379: {  	v50 =	vor.u32 $0x17, v1;
	v4 =	vld.idx.msk [tilespmem:v45+s12+$0x0], $0xffff  }
0x37a: {  	v51 =	vld.idx.msk [tilespmem:v47+s11+$0x0], $0xffff;
	v2 =	vsub.f32 v2, v3;
	v3 =	vmul.f32 v6, v46  }
0x37b: {  	v52 =	vor.u32 $0x18, v1;
	v6 =	vld.idx.msk [tilespmem:v47+s12+$0x0], $0xffff  }
0x37c: {  	v53 =	vld.idx.msk [tilespmem:v7+s11+$0x0], $0xffff;
	v2 =	vsub.f32 v2, v3;
	v3 =	vmul.f32 v5, v48  }
0x37d: {  	v5 =	vld.idx.msk [tilespmem:v7+s12+$0x0], $0xffff;
	v7 =	vor.u32 $0x19, v1  }
0x37e: {  	v54 =	vld.idx.msk [tilespmem:v50+s11+$0x0], $0xffff;
	v2 =	vsub.f32 v2, v3;
	v3 =	vmul.f32 v4, v49  }
0x37f: {  	v55 =	vor.u32 $0x1A, v1;
	v4 =	vld.idx.msk [tilespmem:v50+s12+$0x0], $0xffff  }
0x380: {  	v56 =	vld.idx.msk [tilespmem:v52+s11+$0x0], $0xffff;
	v2 =	vsub.f32 v2, v3;
	v3 =	vmul.f32 v6, v51  }
0x381: {  	v57 =	vor.u32 $0x1B, v1;
	v6 =	vld.idx.msk [tilespmem:v52+s12+$0x0], $0xffff  }
0x382: {  	v58 =	vld.idx.msk [tilespmem:v7+s11+$0x0], $0xffff;
	v2 =	vsub.f32 v2, v3;
	v3 =	vmul.f32 v5, v53  }
0x383: {  	v5 =	vld.idx.msk [tilespmem:v7+s12+$0x0], $0xffff;
	v7 =	vor.u32 $0x1C, v1  }
0x384: {  	v59 =	vld.idx.msk [tilespmem:v55+s11+$0x0], $0xffff;
	v2 =	vsub.f32 v2, v3;
	v3 =	vmul.f32 v4, v54  }
0x385: {  	v60 =	vor.u32 $0x1D, v1;
	v4 =	vld.idx.msk [tilespmem:v55+s12+$0x0], $0xffff  }
0x386: {  	v61 =	vld.idx.msk [tilespmem:v57+s11+$0x0], $0xffff;
	v2 =	vsub.f32 v2, v3;
	v3 =	vmul.f32 v6, v56  }
0x387: {  	v62 =	vor.u32 $0x1E, v1;
	v6 =	vld.idx.msk [tilespmem:v57+s12+$0x0], $0xffff  }
0x388: {  	v63 =	vld.idx.msk [tilespmem:v7+s11+$0x0], $0xffff;
	v2 =	vsub.f32 v2, v3;
	v3 =	vmul.f32 v5, v58  }
0x389: {  	v1 =	vor.u32 $0x1F, v1;
	v5 =	vld.idx.msk [tilespmem:v7+s12+$0x0], $0xffff  }
0x38a: {  	v7 =	vld.idx.msk [tilespmem:v60+s11+$0x0], $0xffff;
	v2 =	vsub.f32 v2, v3;
	v3 =	vmul.f32 v4, v59  }
0x38b: {  	v4 =	vld.idx.msk [tilespmem:v60+s12+$0x0], $0xffff  }
0x38c: {  	v16 =	vld.idx.msk [tilespmem:v62+s11+$0x0], $0xffff;
	v2 =	vsub.f32 v2, v3;
	v3 =	vmul.f32 v6, v61  }
0x38d: {  	v6 =	vld.idx.msk [tilespmem:v62+s12+$0x0], $0xffff  }
0x38e: {  	v17 =	vld.idx.msk [tilespmem:v1+s11+$0x0], $0xffff;
	v2 =	vsub.f32 v2, v3;
	v3 =	vmul.f32 v5, v63  }
0x38f: {  	v1 =	vld.idx.msk [tilespmem:v1+s12+$0x0], $0xffff  }
0x390: {  	v2 =	vsub.f32 v2, v3;
	v3 =	vmul.f32 v4, v7;
	_ =	sdelay $0x1  }
0x391: {  	v2 =	vsub.f32 v2, v3;
	v3 =	vmul.f32 v6, v16;
	_ =	sdelay $0x1  }
0x392: {  	v1 =	vmul.f32 v1, v17;
	v2 =	vsub.f32 v2, v3;
	_ =	sdelay $0x1  }
0x393: {  	s24 =	simm.s32 $0x0;
	v1 =	vsub.f32 v2, v1  }
0x394: {  	s23 =	sadd.s32 $0x10, s23;
	v2 =	vmov s24  }
0x395: {  	[tilespmem:s23+$0x0] =	vst v1;
	v1 =	vshll.u32 v2, $0x7  }
0x396: {  	_ =	swait.ge [sflag:s16], $0x4000;
	v1 =	vor.u32 v0, v1  }
0x397: {  	[sflag:s16] =	ssyncset.done $0x0;
	v2 =	vor.u32 $0x4000, v1  }
0x398: {  	[sflag:s16] =	ssyncadd.s32 $0xFFFFC000  }
0x399: {  	v3 =	vor.u32 $0x4001, v1;
	_ =	swait.ge [sflag:s16], $0x4000  }
0x39a: {  	[sflag:s16] =	ssyncset.done $0x0  }
0x39b: {  	v4 =	vor.u32 $0x4002, v1;
	[sflag:s16] =	ssyncadd.s32 $0xFFFFC000  }
0x39c: {  	v5 =	vld.idx.msk [tilespmem:v2+s12+$0x0], $0xffff  }
0x39d: {  	v6 =	vor.u32 $0x4003, v1;
	v2 =	vld.idx.msk [tilespmem:v2+s11+$0x0], $0xffff  }
0x39e: {  	v7 =	vld.idx.msk [tilespmem:v3+s11+$0x0], $0xffff  }
0x39f: {  	v18 =	vor.u32 $0x4004, v1;
	v3 =	vld.idx.msk [tilespmem:v3+s12+$0x0], $0xffff  }
0x3a0: {  	v19 =	vld.idx.msk [tilespmem:v4+s11+$0x0], $0xffff  }
0x3a1: {  	v20 =	vor.u32 $0x4005, v1;
	v4 =	vld.idx.msk [tilespmem:v4+s12+$0x0], $0xffff  }
0x3a2: {  	v21 =	vld.idx.msk [tilespmem:v6+s11+$0x0], $0xffff  }
0x3a3: {  	v22 =	vor.u32 $0x4006, v1;
	v6 =	vld.idx.msk [tilespmem:v6+s12+$0x0], $0xffff  }
0x3a4: {  	v23 =	vld.idx.msk [tilespmem:v18+s11+$0x0], $0xffff;
	v2 =	vmul.f32 v5, v2;
	v3 =	vmul.f32 v3, v7  }
0x3a5: {  	v5 =	vld.idx.msk [tilespmem:v18+s12+$0x0], $0xffff;
	v7 =	vor.u32 $0x4007, v1  }
0x3a6: {  	v24 =	vld.idx.msk [tilespmem:v20+s11+$0x0], $0xffff;
	v2 =	vsub.f32 v2, v3;
	v3 =	vmul.f32 v4, v19  }
0x3a7: {  	v25 =	vor.u32 $0x4008, v1;
	v4 =	vld.idx.msk [tilespmem:v20+s12+$0x0], $0xffff  }
0x3a8: {  	v26 =	vld.idx.msk [tilespmem:v22+s11+$0x0], $0xffff;
	v2 =	vsub.f32 v2, v3;
	v3 =	vmul.f32 v6, v21  }
0x3a9: {  	v27 =	vor.u32 $0x4009, v1;
	v6 =	vld.idx.msk [tilespmem:v22+s12+$0x0], $0xffff  }
0x3aa: {  	v28 =	vld.idx.msk [tilespmem:v7+s11+$0x0], $0xffff;
	v2 =	vsub.f32 v2, v3;
	v3 =	vmul.f32 v5, v23  }
0x3ab: {  	v5 =	vld.idx.msk [tilespmem:v7+s12+$0x0], $0xffff;
	v7 =	vor.u32 $0x400A, v1  }
0x3ac: {  	v29 =	vld.idx.msk [tilespmem:v25+s11+$0x0], $0xffff;
	v2 =	vsub.f32 v2, v3;
	v3 =	vmul.f32 v4, v24  }
0x3ad: {  	v30 =	vor.u32 $0x400B, v1;
	v4 =	vld.idx.msk [tilespmem:v25+s12+$0x0], $0xffff  }
0x3ae: {  	v31 =	vld.idx.msk [tilespmem:v27+s11+$0x0], $0xffff;
	v2 =	vsub.f32 v2, v3;
	v3 =	vmul.f32 v6, v26  }
0x3af: {  	v32 =	vor.u32 $0x400C, v1;
	v6 =	vld.idx.msk [tilespmem:v27+s12+$0x0], $0xffff  }
0x3b0: {  	v33 =	vld.idx.msk [tilespmem:v7+s11+$0x0], $0xffff;
	v2 =	vsub.f32 v2, v3;
	v3 =	vmul.f32 v5, v28  }
0x3b1: {  	v5 =	vld.idx.msk [tilespmem:v7+s12+$0x0], $0xffff;
	v7 =	vor.u32 $0x400D, v1  }
0x3b2: {  	v34 =	vld.idx.msk [tilespmem:v30+s11+$0x0], $0xffff;
	v2 =	vsub.f32 v2, v3;
	v3 =	vmul.f32 v4, v29  }
0x3b3: {  	v35 =	vor.u32 $0x400E, v1;
	v4 =	vld.idx.msk [tilespmem:v30+s12+$0x0], $0xffff  }
0x3b4: {  	v36 =	vld.idx.msk [tilespmem:v32+s11+$0x0], $0xffff;
	v2 =	vsub.f32 v2, v3;
	v3 =	vmul.f32 v6, v31  }
0x3b5: {  	v37 =	vor.u32 $0x400F, v1;
	v6 =	vld.idx.msk [tilespmem:v32+s12+$0x0], $0xffff  }
0x3b6: {  	v38 =	vld.idx.msk [tilespmem:v7+s11+$0x0], $0xffff;
	v2 =	vsub.f32 v2, v3;
	v3 =	vmul.f32 v5, v33  }
0x3b7: {  	v5 =	vld.idx.msk [tilespmem:v7+s12+$0x0], $0xffff;
	v7 =	vor.u32 $0x4010, v1  }
0x3b8: {  	v39 =	vld.idx.msk [tilespmem:v35+s11+$0x0], $0xffff;
	v2 =	vsub.f32 v2, v3;
	v3 =	vmul.f32 v4, v34  }
0x3b9: {  	v40 =	vor.u32 $0x4011, v1;
	v4 =	vld.idx.msk [tilespmem:v35+s12+$0x0], $0xffff  }
0x3ba: {  	v41 =	vld.idx.msk [tilespmem:v37+s11+$0x0], $0xffff;
	v2 =	vsub.f32 v2, v3;
	v3 =	vmul.f32 v6, v36  }
0x3bb: {  	v42 =	vor.u32 $0x4012, v1;
	v6 =	vld.idx.msk [tilespmem:v37+s12+$0x0], $0xffff  }
0x3bc: {  	v43 =	vld.idx.msk [tilespmem:v7+s11+$0x0], $0xffff;
	v2 =	vsub.f32 v2, v3;
	v3 =	vmul.f32 v5, v38  }
0x3bd: {  	v5 =	vld.idx.msk [tilespmem:v7+s12+$0x0], $0xffff;
	v7 =	vor.u32 $0x4013, v1  }
0x3be: {  	v44 =	vld.idx.msk [tilespmem:v40+s11+$0x0], $0xffff;
	v2 =	vsub.f32 v2, v3;
	v3 =	vmul.f32 v4, v39  }
0x3bf: {  	v45 =	vor.u32 $0x4014, v1;
	v4 =	vld.idx.msk [tilespmem:v40+s12+$0x0], $0xffff  }
0x3c0: {  	v46 =	vld.idx.msk [tilespmem:v42+s11+$0x0], $0xffff;
	v2 =	vsub.f32 v2, v3;
	v3 =	vmul.f32 v6, v41  }
0x3c1: {  	v47 =	vor.u32 $0x4015, v1;
	v6 =	vld.idx.msk [tilespmem:v42+s12+$0x0], $0xffff  }
0x3c2: {  	v48 =	vld.idx.msk [tilespmem:v7+s11+$0x0], $0xffff;
	v2 =	vsub.f32 v2, v3;
	v3 =	vmul.f32 v5, v43  }
0x3c3: {  	v5 =	vld.idx.msk [tilespmem:v7+s12+$0x0], $0xffff;
	v7 =	vor.u32 $0x4016, v1  }
0x3c4: {  	v49 =	vld.idx.msk [tilespmem:v45+s11+$0x0], $0xffff;
	v2 =	vsub.f32 v2, v3;
	v3 =	vmul.f32 v4, v44  }
0x3c5: {  	v50 =	vor.u32 $0x4017, v1;
	v4 =	vld.idx.msk [tilespmem:v45+s12+$0x0], $0xffff  }
0x3c6: {  	v51 =	vld.idx.msk [tilespmem:v47+s11+$0x0], $0xffff;
	v2 =	vsub.f32 v2, v3;
	v3 =	vmul.f32 v6, v46  }
0x3c7: {  	v52 =	vor.u32 $0x4018, v1;
	v6 =	vld.idx.msk [tilespmem:v47+s12+$0x0], $0xffff  }
0x3c8: {  	v53 =	vld.idx.msk [tilespmem:v7+s11+$0x0], $0xffff;
	v2 =	vsub.f32 v2, v3;
	v3 =	vmul.f32 v5, v48  }
0x3c9: {  	v5 =	vld.idx.msk [tilespmem:v7+s12+$0x0], $0xffff;
	v7 =	vor.u32 $0x4019, v1  }
0x3ca: {  	v54 =	vld.idx.msk [tilespmem:v50+s11+$0x0], $0xffff;
	v2 =	vsub.f32 v2, v3;
	v3 =	vmul.f32 v4, v49  }
0x3cb: {  	v55 =	vor.u32 $0x401A, v1;
	v4 =	vld.idx.msk [tilespmem:v50+s12+$0x0], $0xffff  }
0x3cc: {  	v56 =	vld.idx.msk [tilespmem:v52+s11+$0x0], $0xffff;
	v2 =	vsub.f32 v2, v3;
	v3 =	vmul.f32 v6, v51  }
0x3cd: {  	v57 =	vor.u32 $0x401B, v1;
	v6 =	vld.idx.msk [tilespmem:v52+s12+$0x0], $0xffff  }
0x3ce: {  	v58 =	vld.idx.msk [tilespmem:v7+s11+$0x0], $0xffff;
	v2 =	vsub.f32 v2, v3;
	v3 =	vmul.f32 v5, v53  }
0x3cf: {  	v5 =	vld.idx.msk [tilespmem:v7+s12+$0x0], $0xffff;
	v7 =	vor.u32 $0x401C, v1  }
0x3d0: {  	v59 =	vld.idx.msk [tilespmem:v55+s11+$0x0], $0xffff;
	v2 =	vsub.f32 v2, v3;
	v3 =	vmul.f32 v4, v54  }
0x3d1: {  	v60 =	vor.u32 $0x401D, v1;
	v4 =	vld.idx.msk [tilespmem:v55+s12+$0x0], $0xffff  }
0x3d2: {  	v61 =	vld.idx.msk [tilespmem:v57+s11+$0x0], $0xffff;
	v2 =	vsub.f32 v2, v3;
	v3 =	vmul.f32 v6, v56  }
0x3d3: {  	v62 =	vor.u32 $0x401E, v1;
	v6 =	vld.idx.msk [tilespmem:v57+s12+$0x0], $0xffff  }
0x3d4: {  	v63 =	vld.idx.msk [tilespmem:v7+s11+$0x0], $0xffff;
	v2 =	vsub.f32 v2, v3;
	v3 =	vmul.f32 v5, v58  }
0x3d5: {  	v1 =	vor.u32 $0x401F, v1;
	v5 =	vld.idx.msk [tilespmem:v7+s12+$0x0], $0xffff  }
0x3d6: {  	v7 =	vld.idx.msk [tilespmem:v60+s11+$0x0], $0xffff;
	v2 =	vsub.f32 v2, v3;
	v3 =	vmul.f32 v4, v59  }
0x3d7: {  	v4 =	vld.idx.msk [tilespmem:v60+s12+$0x0], $0xffff  }
0x3d8: {  	v14 =	vld.idx.msk [tilespmem:v62+s11+$0x0], $0xffff;
	v2 =	vsub.f32 v2, v3;
	v3 =	vmul.f32 v6, v61  }
0x3d9: {  	v6 =	vld.idx.msk [tilespmem:v62+s12+$0x0], $0xffff  }
0x3da: {  	v15 =	vld.idx.msk [tilespmem:v1+s11+$0x0], $0xffff;
	v2 =	vsub.f32 v2, v3;
	v3 =	vmul.f32 v5, v63  }
0x3db: {  	v5 =	vld.idx.msk [tilespmem:v1+s12+$0x0], $0xffff  }
0x3dc: {  	s30 =	simm.s32 $0x10;
	v1 =	vsub.f32 v2, v3;
	v2 =	vmul.f32 v4, v7  }
0x3dd: {  	v3 =	vmov s30  }
0x3de: {  	v3 =	vshll.u32 v3, $0x7;
	v4 =	vmul.f32 v6, v14;
	v2 =	vsub.f32 v1, v2  }
0x3df: {  	v1 =	vor.u32 v0, v3  }
0x3e0: {  	v3 =	vor.u32 $0x4000, v1;
	v2 =	vsub.f32 v2, v4;
	v4 =	vmul.f32 v5, v15;
	_ =	sdelay $0x1  }
0x3e1: {  	v5 =	vor.u32 $0x4001, v1;
	v2 =	vsub.f32 v2, v4  }
0x3e2: {  	s23 =	simm.s32 $0x10580  }
0x3e3: {  	v4 =	vor.u32 $0x4002, v1;
	[tilespmem:s23+$0x0] =	vst v2  }
0x3e4: {  	v2 =	vld.idx.msk [tilespmem:v3+s12+$0x0], $0xffff  }
0x3e5: {  	v6 =	vor.u32 $0x4003, v1;
	v3 =	vld.idx.msk [tilespmem:v3+s11+$0x0], $0xffff  }
0x3e6: {  	v7 =	vld.idx.msk [tilespmem:v5+s11+$0x0], $0xffff  }
0x3e7: {  	v16 =	vor.u32 $0x4004, v1;
	v5 =	vld.idx.msk [tilespmem:v5+s12+$0x0], $0xffff  }
0x3e8: {  	v17 =	vld.idx.msk [tilespmem:v4+s11+$0x0], $0xffff  }
0x3e9: {  	v18 =	vor.u32 $0x4005, v1;
	v4 =	vld.idx.msk [tilespmem:v4+s12+$0x0], $0xffff  }
0x3ea: {  	v19 =	vld.idx.msk [tilespmem:v6+s11+$0x0], $0xffff  }
0x3eb: {  	v20 =	vor.u32 $0x4006, v1;
	v6 =	vld.idx.msk [tilespmem:v6+s12+$0x0], $0xffff  }
0x3ec: {  	v21 =	vld.idx.msk [tilespmem:v16+s11+$0x0], $0xffff;
	v2 =	vmul.f32 v2, v3;
	v3 =	vmul.f32 v5, v7  }
0x3ed: {  	v5 =	vld.idx.msk [tilespmem:v16+s12+$0x0], $0xffff;
	v7 =	vor.u32 $0x4007, v1  }
0x3ee: {  	v22 =	vld.idx.msk [tilespmem:v18+s11+$0x0], $0xffff;
	v2 =	vsub.f32 v2, v3;
	v3 =	vmul.f32 v4, v17  }
0x3ef: {  	v23 =	vor.u32 $0x4008, v1;
	v4 =	vld.idx.msk [tilespmem:v18+s12+$0x0], $0xffff  }
0x3f0: {  	v24 =	vld.idx.msk [tilespmem:v20+s11+$0x0], $0xffff;
	v2 =	vsub.f32 v2, v3;
	v3 =	vmul.f32 v6, v19  }
0x3f1: {  	v25 =	vor.u32 $0x4009, v1;
	v6 =	vld.idx.msk [tilespmem:v20+s12+$0x0], $0xffff  }
0x3f2: {  	v26 =	vld.idx.msk [tilespmem:v7+s11+$0x0], $0xffff;
	v2 =	vsub.f32 v2, v3;
	v3 =	vmul.f32 v5, v21  }
0x3f3: {  	v5 =	vld.idx.msk [tilespmem:v7+s12+$0x0], $0xffff;
	v7 =	vor.u32 $0x400A, v1  }
0x3f4: {  	v27 =	vld.idx.msk [tilespmem:v23+s11+$0x0], $0xffff;
	v2 =	vsub.f32 v2, v3;
	v3 =	vmul.f32 v4, v22  }
0x3f5: {  	v28 =	vor.u32 $0x400B, v1;
	v4 =	vld.idx.msk [tilespmem:v23+s12+$0x0], $0xffff  }
0x3f6: {  	v29 =	vld.idx.msk [tilespmem:v25+s11+$0x0], $0xffff;
	v2 =	vsub.f32 v2, v3;
	v3 =	vmul.f32 v6, v24  }
0x3f7: {  	v30 =	vor.u32 $0x400C, v1;
	v6 =	vld.idx.msk [tilespmem:v25+s12+$0x0], $0xffff  }
0x3f8: {  	v31 =	vld.idx.msk [tilespmem:v7+s11+$0x0], $0xffff;
	v2 =	vsub.f32 v2, v3;
	v3 =	vmul.f32 v5, v26  }
0x3f9: {  	v5 =	vld.idx.msk [tilespmem:v7+s12+$0x0], $0xffff;
	v7 =	vor.u32 $0x400D, v1  }
0x3fa: {  	v32 =	vld.idx.msk [tilespmem:v28+s11+$0x0], $0xffff;
	v2 =	vsub.f32 v2, v3;
	v3 =	vmul.f32 v4, v27  }
0x3fb: {  	v33 =	vor.u32 $0x400E, v1;
	v4 =	vld.idx.msk [tilespmem:v28+s12+$0x0], $0xffff  }
0x3fc: {  	v34 =	vld.idx.msk [tilespmem:v30+s11+$0x0], $0xffff;
	v2 =	vsub.f32 v2, v3;
	v3 =	vmul.f32 v6, v29  }
0x3fd: {  	v35 =	vor.u32 $0x400F, v1;
	v6 =	vld.idx.msk [tilespmem:v30+s12+$0x0], $0xffff  }
0x3fe: {  	v36 =	vld.idx.msk [tilespmem:v7+s11+$0x0], $0xffff;
	v2 =	vsub.f32 v2, v3;
	v3 =	vmul.f32 v5, v31  }
0x3ff: {  	v5 =	vld.idx.msk [tilespmem:v7+s12+$0x0], $0xffff;
	v7 =	vor.u32 $0x4010, v1  }
0x400: {  	v37 =	vld.idx.msk [tilespmem:v33+s11+$0x0], $0xffff;
	v2 =	vsub.f32 v2, v3;
	v3 =	vmul.f32 v4, v32  }
0x401: {  	v38 =	vor.u32 $0x4011, v1;
	v4 =	vld.idx.msk [tilespmem:v33+s12+$0x0], $0xffff  }
0x402: {  	v39 =	vld.idx.msk [tilespmem:v35+s11+$0x0], $0xffff;
	v2 =	vsub.f32 v2, v3;
	v3 =	vmul.f32 v6, v34  }
0x403: {  	v40 =	vor.u32 $0x4012, v1;
	v6 =	vld.idx.msk [tilespmem:v35+s12+$0x0], $0xffff  }
0x404: {  	v41 =	vld.idx.msk [tilespmem:v7+s11+$0x0], $0xffff;
	v2 =	vsub.f32 v2, v3;
	v3 =	vmul.f32 v5, v36  }
0x405: {  	v5 =	vld.idx.msk [tilespmem:v7+s12+$0x0], $0xffff;
	v7 =	vor.u32 $0x4013, v1  }
0x406: {  	v42 =	vld.idx.msk [tilespmem:v38+s11+$0x0], $0xffff;
	v2 =	vsub.f32 v2, v3;
	v3 =	vmul.f32 v4, v37  }
0x407: {  	v43 =	vor.u32 $0x4014, v1;
	v4 =	vld.idx.msk [tilespmem:v38+s12+$0x0], $0xffff  }
0x408: {  	v44 =	vld.idx.msk [tilespmem:v40+s11+$0x0], $0xffff;
	v2 =	vsub.f32 v2, v3;
	v3 =	vmul.f32 v6, v39  }
0x409: {  	v45 =	vor.u32 $0x4015, v1;
	v6 =	vld.idx.msk [tilespmem:v40+s12+$0x0], $0xffff  }
0x40a: {  	v46 =	vld.idx.msk [tilespmem:v7+s11+$0x0], $0xffff;
	v2 =	vsub.f32 v2, v3;
	v3 =	vmul.f32 v5, v41  }
0x40b: {  	v5 =	vld.idx.msk [tilespmem:v7+s12+$0x0], $0xffff;
	v7 =	vor.u32 $0x4016, v1  }
0x40c: {  	v47 =	vld.idx.msk [tilespmem:v43+s11+$0x0], $0xffff;
	v2 =	vsub.f32 v2, v3;
	v3 =	vmul.f32 v4, v42  }
0x40d: {  	v48 =	vor.u32 $0x4017, v1;
	v4 =	vld.idx.msk [tilespmem:v43+s12+$0x0], $0xffff  }
0x40e: {  	v49 =	vld.idx.msk [tilespmem:v45+s11+$0x0], $0xffff;
	v2 =	vsub.f32 v2, v3;
	v3 =	vmul.f32 v6, v44  }
0x40f: {  	v50 =	vor.u32 $0x4018, v1;
	v6 =	vld.idx.msk [tilespmem:v45+s12+$0x0], $0xffff  }
0x410: {  	v51 =	vld.idx.msk [tilespmem:v7+s11+$0x0], $0xffff;
	v2 =	vsub.f32 v2, v3;
	v3 =	vmul.f32 v5, v46  }
0x411: {  	v5 =	vld.idx.msk [tilespmem:v7+s12+$0x0], $0xffff;
	v7 =	vor.u32 $0x4019, v1  }
0x412: {  	v52 =	vld.idx.msk [tilespmem:v48+s11+$0x0], $0xffff;
	v2 =	vsub.f32 v2, v3;
	v3 =	vmul.f32 v4, v47  }
0x413: {  	v53 =	vor.u32 $0x401A, v1;
	v4 =	vld.idx.msk [tilespmem:v48+s12+$0x0], $0xffff  }
0x414: {  	v54 =	vld.idx.msk [tilespmem:v50+s11+$0x0], $0xffff;
	v2 =	vsub.f32 v2, v3;
	v3 =	vmul.f32 v6, v49  }
0x415: {  	v55 =	vor.u32 $0x401B, v1;
	v6 =	vld.idx.msk [tilespmem:v50+s12+$0x0], $0xffff  }
0x416: {  	v56 =	vld.idx.msk [tilespmem:v7+s11+$0x0], $0xffff;
	v2 =	vsub.f32 v2, v3;
	v3 =	vmul.f32 v5, v51  }
0x417: {  	v5 =	vld.idx.msk [tilespmem:v7+s12+$0x0], $0xffff;
	v7 =	vor.u32 $0x401C, v1  }
0x418: {  	v57 =	vld.idx.msk [tilespmem:v53+s11+$0x0], $0xffff;
	v2 =	vsub.f32 v2, v3;
	v3 =	vmul.f32 v4, v52  }
0x419: {  	v58 =	vor.u32 $0x401D, v1;
	v4 =	vld.idx.msk [tilespmem:v53+s12+$0x0], $0xffff  }
0x41a: {  	v59 =	vld.idx.msk [tilespmem:v55+s11+$0x0], $0xffff;
	v2 =	vsub.f32 v2, v3;
	v3 =	vmul.f32 v6, v54  }
0x41b: {  	v60 =	vor.u32 $0x401E, v1;
	v6 =	vld.idx.msk [tilespmem:v55+s12+$0x0], $0xffff  }
0x41c: {  	v61 =	vld.idx.msk [tilespmem:v7+s11+$0x0], $0xffff;
	v2 =	vsub.f32 v2, v3;
	v3 =	vmul.f32 v5, v56  }
0x41d: {  	v1 =	vor.u32 $0x401F, v1;
	v5 =	vld.idx.msk [tilespmem:v7+s12+$0x0], $0xffff  }
0x41e: {  	v7 =	vld.idx.msk [tilespmem:v58+s11+$0x0], $0xffff;
	v2 =	vsub.f32 v2, v3;
	v3 =	vmul.f32 v4, v57  }
0x41f: {  	v4 =	vld.idx.msk [tilespmem:v58+s12+$0x0], $0xffff  }
0x420: {  	v62 =	vld.idx.msk [tilespmem:v60+s11+$0x0], $0xffff;
	v2 =	vsub.f32 v2, v3;
	v3 =	vmul.f32 v6, v59  }
0x421: {  	v6 =	vld.idx.msk [tilespmem:v60+s12+$0x0], $0xffff  }
0x422: {  	v63 =	vld.idx.msk [tilespmem:v1+s11+$0x0], $0xffff;
	v2 =	vsub.f32 v2, v3;
	v3 =	vmul.f32 v5, v61  }
0x423: {  	v5 =	vld.idx.msk [tilespmem:v1+s12+$0x0], $0xffff  }
0x424: {  	s31 =	simm.s32 $0x20;
	v1 =	vsub.f32 v2, v3;
	v2 =	vmul.f32 v4, v7  }
0x425: {  	v3 =	vmov s31  }
0x426: {  	v3 =	vshll.u32 v3, $0x7;
	v6 =	vmul.f32 v6, v62;
	v4 =	vsub.f32 v1, v2  }
0x427: {  	v1 =	vor.u32 v0, v3  }
0x428: {  	s24 =	simm.s32 $0x30;
	v2 =	vor.u32 $0x4000, v1;
	v3 =	vsub.f32 v4, v6;
	v4 =	vmul.f32 v5, v63  }
.LBB2_8:
0x429: {  	p0 =	sne.s32 s24, $0x70  }
0x42a: {  	v5 =	vor.u32 $0x4001, v1;
	v3 =	vsub.f32 v3, v4  }
0x42b: {  	s23 =	sadd.s32 $0x10, s23  }
0x42c: {  	v4 =	vor.u32 $0x4002, v1;
	[tilespmem:s23+$0x0] =	vst v3  }
0x42d: {  	v3 =	vld.idx.msk [tilespmem:v2+s12+$0x0], $0xffff  }
0x42e: {  	v6 =	vor.u32 $0x4003, v1;
	v2 =	vld.idx.msk [tilespmem:v2+s11+$0x0], $0xffff  }
0x42f: {  	v7 =	vld.idx.msk [tilespmem:v5+s11+$0x0], $0xffff  }
0x430: {  	v8 =	vor.u32 $0x4004, v1;
	v5 =	vld.idx.msk [tilespmem:v5+s12+$0x0], $0xffff  }
0x431: {  	v9 =	vld.idx.msk [tilespmem:v4+s11+$0x0], $0xffff  }
0x432: {  	v10 =	vor.u32 $0x4005, v1;
	v4 =	vld.idx.msk [tilespmem:v4+s12+$0x0], $0xffff  }
0x433: {  	v11 =	vld.idx.msk [tilespmem:v6+s11+$0x0], $0xffff  }
0x434: {  	v12 =	vor.u32 $0x4006, v1;
	v6 =	vld.idx.msk [tilespmem:v6+s12+$0x0], $0xffff  }
0x435: {  	v13 =	vld.idx.msk [tilespmem:v8+s11+$0x0], $0xffff  }
0x436: {  	v2 =	vmul.f32 v3, v2;
	v3 =	vmul.f32 v5, v7;
	v7 =	vor.u32 $0x4007, v1;
	v5 =	vld.idx.msk [tilespmem:v8+s12+$0x0], $0xffff  }
0x437: {  	v8 =	vld.idx.msk [tilespmem:v10+s11+$0x0], $0xffff  }
0x438: {  	v2 =	vsub.f32 v2, v3;
	v3 =	vmul.f32 v4, v9;
	v9 =	vor.u32 $0x4008, v1;
	v4 =	vld.idx.msk [tilespmem:v10+s12+$0x0], $0xffff  }
0x439: {  	v10 =	vld.idx.msk [tilespmem:v12+s11+$0x0], $0xffff  }
0x43a: {  	v2 =	vsub.f32 v2, v3;
	v3 =	vmul.f32 v6, v11;
	v11 =	vor.u32 $0x4009, v1;
	v6 =	vld.idx.msk [tilespmem:v12+s12+$0x0], $0xffff  }
0x43b: {  	v12 =	vld.idx.msk [tilespmem:v7+s11+$0x0], $0xffff  }
0x43c: {  	v2 =	vsub.f32 v2, v3;
	v3 =	vmul.f32 v5, v13;
	v5 =	vld.idx.msk [tilespmem:v7+s12+$0x0], $0xffff;
	v7 =	vor.u32 $0x400A, v1  }
0x43d: {  	v13 =	vld.idx.msk [tilespmem:v9+s11+$0x0], $0xffff  }
0x43e: {  	v2 =	vsub.f32 v2, v3;
	v3 =	vmul.f32 v4, v8;
	v8 =	vor.u32 $0x400B, v1;
	v4 =	vld.idx.msk [tilespmem:v9+s12+$0x0], $0xffff  }
0x43f: {  	v9 =	vld.idx.msk [tilespmem:v11+s11+$0x0], $0xffff  }
0x440: {  	v2 =	vsub.f32 v2, v3;
	v3 =	vmul.f32 v6, v10;
	v10 =	vor.u32 $0x400C, v1;
	v6 =	vld.idx.msk [tilespmem:v11+s12+$0x0], $0xffff  }
0x441: {  	v11 =	vld.idx.msk [tilespmem:v7+s11+$0x0], $0xffff  }
0x442: {  	v2 =	vsub.f32 v2, v3;
	v3 =	vmul.f32 v5, v12;
	v5 =	vld.idx.msk [tilespmem:v7+s12+$0x0], $0xffff;
	v7 =	vor.u32 $0x400D, v1  }
0x443: {  	v12 =	vld.idx.msk [tilespmem:v8+s11+$0x0], $0xffff  }
0x444: {  	v2 =	vsub.f32 v2, v3;
	v3 =	vmul.f32 v4, v13;
	v4 =	vld.idx.msk [tilespmem:v8+s12+$0x0], $0xffff;
	v8 =	vor.u32 $0x400E, v1  }
0x445: {  	v13 =	vld.idx.msk [tilespmem:v10+s11+$0x0], $0xffff  }
0x446: {  	v2 =	vsub.f32 v2, v3;
	v3 =	vmul.f32 v6, v9;
	v9 =	vor.u32 $0x400F, v1;
	v6 =	vld.idx.msk [tilespmem:v10+s12+$0x0], $0xffff  }
0x447: {  	v10 =	vld.idx.msk [tilespmem:v7+s11+$0x0], $0xffff  }
0x448: {  	v2 =	vsub.f32 v2, v3;
	v3 =	vmul.f32 v5, v11;
	v5 =	vld.idx.msk [tilespmem:v7+s12+$0x0], $0xffff;
	v7 =	vor.u32 $0x4010, v1  }
0x449: {  	v11 =	vld.idx.msk [tilespmem:v8+s11+$0x0], $0xffff  }
0x44a: {  	v2 =	vsub.f32 v2, v3;
	v3 =	vmul.f32 v4, v12;
	v4 =	vld.idx.msk [tilespmem:v8+s12+$0x0], $0xffff;
	v8 =	vor.u32 $0x4011, v1  }
0x44b: {  	v12 =	vld.idx.msk [tilespmem:v9+s11+$0x0], $0xffff  }
0x44c: {  	v2 =	vsub.f32 v2, v3;
	v3 =	vmul.f32 v6, v13;
	v6 =	vld.idx.msk [tilespmem:v9+s12+$0x0], $0xffff;
	v9 =	vor.u32 $0x4012, v1  }
0x44d: {  	v13 =	vld.idx.msk [tilespmem:v7+s11+$0x0], $0xffff  }
0x44e: {  	v2 =	vsub.f32 v2, v3;
	v3 =	vmul.f32 v5, v10;
	v5 =	vld.idx.msk [tilespmem:v7+s12+$0x0], $0xffff;
	v7 =	vor.u32 $0x4013, v1  }
0x44f: {  	v10 =	vld.idx.msk [tilespmem:v8+s11+$0x0], $0xffff  }
0x450: {  	v2 =	vsub.f32 v2, v3;
	v3 =	vmul.f32 v4, v11;
	v4 =	vld.idx.msk [tilespmem:v8+s12+$0x0], $0xffff;
	v8 =	vor.u32 $0x4014, v1  }
0x451: {  	v11 =	vld.idx.msk [tilespmem:v9+s11+$0x0], $0xffff  }
0x452: {  	v2 =	vsub.f32 v2, v3;
	v3 =	vmul.f32 v6, v12;
	v6 =	vld.idx.msk [tilespmem:v9+s12+$0x0], $0xffff;
	v9 =	vor.u32 $0x4015, v1  }
0x453: {  	v12 =	vld.idx.msk [tilespmem:v7+s11+$0x0], $0xffff  }
0x454: {  	v2 =	vsub.f32 v2, v3;
	v3 =	vmul.f32 v5, v13;
	v5 =	vld.idx.msk [tilespmem:v7+s12+$0x0], $0xffff;
	v7 =	vor.u32 $0x4016, v1  }
0x455: {  	v13 =	vld.idx.msk [tilespmem:v8+s11+$0x0], $0xffff  }
0x456: {  	v2 =	vsub.f32 v2, v3;
	v3 =	vmul.f32 v4, v10;
	v4 =	vld.idx.msk [tilespmem:v8+s12+$0x0], $0xffff;
	v8 =	vor.u32 $0x4017, v1  }
0x457: {  	v10 =	vld.idx.msk [tilespmem:v9+s11+$0x0], $0xffff  }
0x458: {  	v2 =	vsub.f32 v2, v3;
	v3 =	vmul.f32 v6, v11;
	v6 =	vld.idx.msk [tilespmem:v9+s12+$0x0], $0xffff;
	v9 =	vor.u32 $0x4018, v1  }
0x459: {  	v11 =	vld.idx.msk [tilespmem:v7+s11+$0x0], $0xffff  }
0x45a: {  	v2 =	vsub.f32 v2, v3;
	v3 =	vmul.f32 v5, v12;
	v5 =	vld.idx.msk [tilespmem:v7+s12+$0x0], $0xffff;
	v7 =	vor.u32 $0x4019, v1  }
0x45b: {  	v12 =	vld.idx.msk [tilespmem:v8+s11+$0x0], $0xffff  }
0x45c: {  	v2 =	vsub.f32 v2, v3;
	v3 =	vmul.f32 v4, v13;
	v4 =	vld.idx.msk [tilespmem:v8+s12+$0x0], $0xffff;
	v8 =	vor.u32 $0x401A, v1  }
0x45d: {  	v13 =	vld.idx.msk [tilespmem:v9+s11+$0x0], $0xffff  }
0x45e: {  	v2 =	vsub.f32 v2, v3;
	v3 =	vmul.f32 v6, v10;
	v6 =	vld.idx.msk [tilespmem:v9+s12+$0x0], $0xffff;
	v9 =	vor.u32 $0x401B, v1  }
0x45f: {  	v10 =	vld.idx.msk [tilespmem:v7+s11+$0x0], $0xffff  }
0x460: {  	v2 =	vsub.f32 v2, v3;
	v3 =	vmul.f32 v5, v11;
	v5 =	vld.idx.msk [tilespmem:v7+s12+$0x0], $0xffff;
	v7 =	vor.u32 $0x401C, v1  }
0x461: {  	v11 =	vld.idx.msk [tilespmem:v8+s11+$0x0], $0xffff  }
0x462: {  	v2 =	vsub.f32 v2, v3;
	v3 =	vmul.f32 v4, v12;
	v4 =	vld.idx.msk [tilespmem:v8+s12+$0x0], $0xffff;
	v8 =	vor.u32 $0x401D, v1  }
0x463: {  	v12 =	vld.idx.msk [tilespmem:v9+s11+$0x0], $0xffff  }
0x464: {  	v2 =	vsub.f32 v2, v3;
	v3 =	vmul.f32 v6, v13;
	v6 =	vld.idx.msk [tilespmem:v9+s12+$0x0], $0xffff;
	v9 =	vor.u32 $0x401E, v1  }
0x465: {  	v13 =	vld.idx.msk [tilespmem:v7+s11+$0x0], $0xffff  }
0x466: {  	v1 =	vor.u32 $0x401F, v1;
	v2 =	vsub.f32 v2, v3;
	v3 =	vmul.f32 v5, v10;
	v5 =	vld.idx.msk [tilespmem:v7+s12+$0x0], $0xffff  }
0x467: {  	v7 =	vld.idx.msk [tilespmem:v8+s11+$0x0], $0xffff  }
0x468: {  	v2 =	vsub.f32 v2, v3;
	v3 =	vmul.f32 v4, v11;
	v4 =	vld.idx.msk [tilespmem:v8+s12+$0x0], $0xffff  }
0x469: {  	v8 =	vld.idx.msk [tilespmem:v9+s11+$0x0], $0xffff  }
0x46a: {  	v2 =	vsub.f32 v2, v3;
	v3 =	vmul.f32 v6, v12;
	v6 =	vld.idx.msk [tilespmem:v9+s12+$0x0], $0xffff  }
0x46b: {  	v9 =	vld.idx.msk [tilespmem:v1+s11+$0x0], $0xffff  }
0x46c: {  	v2 =	vsub.f32 v2, v3;
	v3 =	vmul.f32 v5, v13;
	v5 =	vld.idx.msk [tilespmem:v1+s12+$0x0], $0xffff;
	_ =	sdelay $0x1  }
.Ltmp3:
0x46d: {  	v1 =	vsub.f32 v2, v3;
	v2 =	vmul.f32 v4, v7;
	(pc) =	sbr.rel @p0 .LBB2_8-.Ltmp3, $4  }
0x46e: {  	v3 =	vmov s24  }
0x46f: {  	v3 =	vshll.u32 v3, $0x7;
	v4 =	vsub.f32 v1, v2;
	v6 =	vmul.f32 v6, v8  }
0x470: {  	v1 =	vor.u32 v0, v3  }
0x471: {  	s24 =	sadd.s32 $0x10, s24;
	v2 =	vor.u32 $0x4000, v1;
	v3 =	vsub.f32 v4, v6;
	v4 =	vmul.f32 v5, v9  }
0x472: {  	_ = 	snop  }
0x473: {  	v5 =	vor.u32 $0x4001, v1;
	v3 =	vsub.f32 v3, v4  }
0x474: {  	s23 =	sadd.s32 $0x10, s23  }
0x475: {  	v33 =	vor.u32 $0x4002, v1;
	[tilespmem:s23+$0x0] =	vst v3  }
0x476: {  	v3 =	vld.idx.msk [tilespmem:v2+s12+$0x0], $0xffff  }
0x477: {  	v6 =	vor.u32 $0x4003, v1;
	v2 =	vld.idx.msk [tilespmem:v2+s11+$0x0], $0xffff  }
0x478: {  	v7 =	vld.idx.msk [tilespmem:v5+s11+$0x0], $0xffff  }
0x479: {  	v8 =	vor.u32 $0x4004, v1;
	v5 =	vld.idx.msk [tilespmem:v5+s12+$0x0], $0xffff  }
0x47a: {  	v9 =	vld.idx.msk [tilespmem:v33+s11+$0x0], $0xffff  }
0x47b: {  	v10 =	vor.u32 $0x4005, v1;
	v4 =	vld.idx.msk [tilespmem:v33+s12+$0x0], $0xffff  }
0x47c: {  	v11 =	vld.idx.msk [tilespmem:v6+s11+$0x0], $0xffff  }
0x47d: {  	v12 =	vor.u32 $0x4006, v1;
	v6 =	vld.idx.msk [tilespmem:v6+s12+$0x0], $0xffff  }
0x47e: {  	v13 =	vld.idx.msk [tilespmem:v8+s11+$0x0], $0xffff;
	v2 =	vmul.f32 v3, v2;
	v3 =	vmul.f32 v5, v7  }
0x47f: {  	v35 =	vor.u32 $0x4007, v1;
	v34 =	vld.idx.msk [tilespmem:v8+s12+$0x0], $0xffff  }
0x480: {  	v36 =	vld.idx.msk [tilespmem:v10+s11+$0x0], $0xffff;
	v2 =	vsub.f32 v2, v3;
	v3 =	vmul.f32 v4, v9  }
0x481: {  	v38 =	vor.u32 $0x4008, v1;
	v37 =	vld.idx.msk [tilespmem:v10+s12+$0x0], $0xffff  }
0x482: {  	v39 =	vld.idx.msk [tilespmem:v12+s11+$0x0], $0xffff;
	v2 =	vsub.f32 v2, v3;
	v3 =	vmul.f32 v6, v11  }
0x483: {  	v41 =	vor.u32 $0x4009, v1;
	v40 =	vld.idx.msk [tilespmem:v12+s12+$0x0], $0xffff  }
0x484: {  	v42 =	vld.idx.msk [tilespmem:v35+s11+$0x0], $0xffff;
	v2 =	vsub.f32 v2, v3;
	v3 =	vmul.f32 v34, v13  }
0x485: {  	v44 =	vor.u32 $0x400A, v1;
	v43 =	vld.idx.msk [tilespmem:v35+s12+$0x0], $0xffff  }
0x486: {  	v45 =	vld.idx.msk [tilespmem:v38+s11+$0x0], $0xffff;
	v2 =	vsub.f32 v2, v3;
	v3 =	vmul.f32 v37, v36  }
0x487: {  	v47 =	vor.u32 $0x400B, v1;
	v46 =	vld.idx.msk [tilespmem:v38+s12+$0x0], $0xffff  }
0x488: {  	v48 =	vld.idx.msk [tilespmem:v41+s11+$0x0], $0xffff;
	v2 =	vsub.f32 v2, v3;
	v3 =	vmul.f32 v40, v39  }
0x489: {  	v50 =	vor.u32 $0x400C, v1;
	v49 =	vld.idx.msk [tilespmem:v41+s12+$0x0], $0xffff  }
0x48a: {  	v51 =	vld.idx.msk [tilespmem:v44+s11+$0x0], $0xffff;
	v2 =	vsub.f32 v2, v3;
	v3 =	vmul.f32 v43, v42  }
0x48b: {  	v53 =	vor.u32 $0x400D, v1;
	v52 =	vld.idx.msk [tilespmem:v44+s12+$0x0], $0xffff  }
0x48c: {  	v54 =	vld.idx.msk [tilespmem:v47+s11+$0x0], $0xffff;
	v2 =	vsub.f32 v2, v3;
	v3 =	vmul.f32 v46, v45  }
0x48d: {  	v56 =	vor.u32 $0x400E, v1;
	v55 =	vld.idx.msk [tilespmem:v47+s12+$0x0], $0xffff  }
0x48e: {  	v57 =	vld.idx.msk [tilespmem:v50+s11+$0x0], $0xffff;
	v2 =	vsub.f32 v2, v3;
	v3 =	vmul.f32 v49, v48  }
0x48f: {  	v59 =	vor.u32 $0x400F, v1;
	v58 =	vld.idx.msk [tilespmem:v50+s12+$0x0], $0xffff  }
0x490: {  	v60 =	vld.idx.msk [tilespmem:v53+s11+$0x0], $0xffff;
	v2 =	vsub.f32 v2, v3;
	v3 =	vmul.f32 v52, v51  }
0x491: {  	v62 =	vor.u32 $0x4010, v1;
	v61 =	vld.idx.msk [tilespmem:v53+s12+$0x0], $0xffff  }
0x492: {  	v63 =	vld.idx.msk [tilespmem:v56+s11+$0x0], $0xffff;
	v2 =	vsub.f32 v2, v3;
	v3 =	vmul.f32 v55, v54  }
0x493: {  	v17 =	vor.u32 $0x4011, v1;
	v16 =	vld.idx.msk [tilespmem:v56+s12+$0x0], $0xffff  }
0x494: {  	v18 =	vld.idx.msk [tilespmem:v59+s11+$0x0], $0xffff;
	v2 =	vsub.f32 v2, v3;
	v3 =	vmul.f32 v58, v57  }
0x495: {  	v20 =	vor.u32 $0x4012, v1;
	v19 =	vld.idx.msk [tilespmem:v59+s12+$0x0], $0xffff  }
0x496: {  	v21 =	vld.idx.msk [tilespmem:v62+s11+$0x0], $0xffff;
	v2 =	vsub.f32 v2, v3;
	v3 =	vmul.f32 v61, v60  }
0x497: {  	v23 =	vor.u32 $0x4013, v1;
	v22 =	vld.idx.msk [tilespmem:v62+s12+$0x0], $0xffff  }
0x498: {  	v24 =	vld.idx.msk [tilespmem:v17+s11+$0x0], $0xffff;
	v2 =	vsub.f32 v2, v3;
	v3 =	vmul.f32 v16, v63  }
0x499: {  	v26 =	vor.u32 $0x4014, v1;
	v25 =	vld.idx.msk [tilespmem:v17+s12+$0x0], $0xffff  }
0x49a: {  	v27 =	vld.idx.msk [tilespmem:v20+s11+$0x0], $0xffff;
	v2 =	vsub.f32 v2, v3;
	v3 =	vmul.f32 v19, v18  }
0x49b: {  	v29 =	vor.u32 $0x4015, v1;
	v28 =	vld.idx.msk [tilespmem:v20+s12+$0x0], $0xffff  }
0x49c: {  	v30 =	vld.idx.msk [tilespmem:v23+s11+$0x0], $0xffff;
	v2 =	vsub.f32 v2, v3;
	v3 =	vmul.f32 v22, v21  }
0x49d: {  	v32 =	vor.u32 $0x4016, v1;
	v31 =	vld.idx.msk [tilespmem:v23+s12+$0x0], $0xffff  }
0x49e: {  	v33 =	vld.idx.msk [tilespmem:v26+s11+$0x0], $0xffff;
	v2 =	vsub.f32 v2, v3;
	v3 =	vmul.f32 v25, v24  }
0x49f: {  	v35 =	vor.u32 $0x4017, v1;
	v34 =	vld.idx.msk [tilespmem:v26+s12+$0x0], $0xffff  }
0x4a0: {  	v36 =	vld.idx.msk [tilespmem:v29+s11+$0x0], $0xffff;
	v2 =	vsub.f32 v2, v3;
	v3 =	vmul.f32 v28, v27  }
0x4a1: {  	v38 =	vor.u32 $0x4018, v1;
	v37 =	vld.idx.msk [tilespmem:v29+s12+$0x0], $0xffff  }
0x4a2: {  	v39 =	vld.idx.msk [tilespmem:v32+s11+$0x0], $0xffff;
	v2 =	vsub.f32 v2, v3;
	v3 =	vmul.f32 v31, v30  }
0x4a3: {  	v41 =	vor.u32 $0x4019, v1;
	v40 =	vld.idx.msk [tilespmem:v32+s12+$0x0], $0xffff  }
0x4a4: {  	v42 =	vld.idx.msk [tilespmem:v35+s11+$0x0], $0xffff;
	v2 =	vsub.f32 v2, v3;
	v3 =	vmul.f32 v34, v33  }
0x4a5: {  	v44 =	vor.u32 $0x401A, v1;
	v43 =	vld.idx.msk [tilespmem:v35+s12+$0x0], $0xffff  }
0x4a6: {  	v45 =	vld.idx.msk [tilespmem:v38+s11+$0x0], $0xffff;
	v2 =	vsub.f32 v2, v3;
	v3 =	vmul.f32 v37, v36  }
0x4a7: {  	v47 =	vor.u32 $0x401B, v1;
	v46 =	vld.idx.msk [tilespmem:v38+s12+$0x0], $0xffff  }
0x4a8: {  	v48 =	vld.idx.msk [tilespmem:v41+s11+$0x0], $0xffff;
	v2 =	vsub.f32 v2, v3;
	v3 =	vmul.f32 v40, v39  }
0x4a9: {  	v50 =	vor.u32 $0x401C, v1;
	v49 =	vld.idx.msk [tilespmem:v41+s12+$0x0], $0xffff  }
0x4aa: {  	v51 =	vld.idx.msk [tilespmem:v44+s11+$0x0], $0xffff;
	v2 =	vsub.f32 v2, v3;
	v3 =	vmul.f32 v43, v42  }
0x4ab: {  	v53 =	vor.u32 $0x401D, v1;
	v52 =	vld.idx.msk [tilespmem:v44+s12+$0x0], $0xffff  }
0x4ac: {  	v54 =	vld.idx.msk [tilespmem:v47+s11+$0x0], $0xffff;
	v2 =	vsub.f32 v2, v3;
	v3 =	vmul.f32 v46, v45  }
0x4ad: {  	v56 =	vor.u32 $0x401E, v1;
	v55 =	vld.idx.msk [tilespmem:v47+s12+$0x0], $0xffff  }
0x4ae: {  	v57 =	vld.idx.msk [tilespmem:v50+s11+$0x0], $0xffff;
	v2 =	vsub.f32 v2, v3;
	v3 =	vmul.f32 v49, v48  }
0x4af: {  	v1 =	vor.u32 $0x401F, v1;
	v58 =	vld.idx.msk [tilespmem:v50+s12+$0x0], $0xffff  }
0x4b0: {  	v59 =	vld.idx.msk [tilespmem:v53+s11+$0x0], $0xffff;
	v2 =	vsub.f32 v2, v3;
	v3 =	vmul.f32 v52, v51  }
0x4b1: {  	v60 =	vld.idx.msk [tilespmem:v53+s12+$0x0], $0xffff  }
0x4b2: {  	v62 =	vld.idx.msk [tilespmem:v56+s12+$0x0], $0xffff;
	v2 =	vsub.f32 v2, v3;
	v3 =	vmul.f32 v55, v54  }
0x4b3: {  	v61 =	vld.idx.msk [tilespmem:v56+s11+$0x0], $0xffff  }
0x4b4: {  	v63 =	vld.idx.msk [tilespmem:v1+s11+$0x0], $0xffff;
	v2 =	vsub.f32 v2, v3;
	v3 =	vmul.f32 v58, v57  }
0x4b5: {  	v1 =	vld.idx.msk [tilespmem:v1+s12+$0x0], $0xffff  }
0x4b6: {  	v2 =	vsub.f32 v2, v3;
	v3 =	vmul.f32 v60, v59;
	_ =	sdelay $0x1  }
0x4b7: {  	v2 =	vsub.f32 v2, v3;
	v3 =	vmul.f32 v62, v61;
	_ =	sdelay $0x1  }
0x4b8: {  	v1 =	vmul.f32 v1, v63;
	v2 =	vsub.f32 v2, v3;
	_ =	sdelay $0x1  }
0x4b9: {  	s22 =	sadd.s32 $0x1, s22;
	v1 =	vsub.f32 v2, v1  }
0x4ba: {  	p0 =	sne.s32 s22, s7;
	s23 =	sadd.s32 $0x10, s23  }
.Ltmp4:
0x4bb: {  	[tilespmem:s23+$0x0] =	vst v1;
	(pc) =	sbr.rel @p0 .LBB2_1-.Ltmp4, $4  }
0x4bc: {  	[hbm4b:s6+s2] =	stream.linear.scatter [tilespmem:s21], [sflag:$0x2], $0x200, $0x38;
	[tilespmem:$0x10600] =	vst v63  }
0x4bd: {  	_ =	swait.ge [sflag:s8], $0x200  }
0x4be: {  	[sflag:s8] =	ssyncset.done $0x0  }
0x4bf: {  	[sflag:s8] =	ssyncadd.s32 $0xFFFFFE00  }
0x4c0: {  	_ =	sfence.sel $0x180000  }
0x4c1: {  	[bflag:$0x0] =	sbarrier.arrive $0xFFFF  }
0x4c2: {  	p0 =	sne.s32 s1, $0x0;
	_ =	strace $0x90000047  }
0x4c3: {  	s0 =	sadd.s32 @!p0 $0x100000, s0;
	[bflag:$0x2] =	sbarrier.arrive $0xFFFF  }
0x4c4: {  	[sflag:s0] =	ssyncadd.tile.s32 @!p0 $0x1;
	_ =	shalt  }
.Lfunc_end2:
_tile_overlayer_lowered:
.L_overlay_start_2:
0x4c5: {  	(tag) =	ssettag $0x2  }
0x4c6: {  	s0 =	rddreg [dreg:$0x0];
	s2 =	stileid.u32  }
0x4c7: {  	s1 =	rddreg [dreg:$0x1];
	p0 =	sne.s32 s2, $0x0  }
0x4c8: {  	s3 =	rddreg [dreg:$0x2];
	[bflag:$0x3] =	sbarrier.arrive $0xFFFF;
	s2 =	simm.s32 @!p0 $0x1C02  }
0x4c9: {  	[timem:s3], [sflag:s2] =	dma.local @!p0 [hbm:s0], s1  }
0x4ca: {  	s0 =	simm.s32 @!p0 $0x2  }
0x4cb: {  	_ =	swait.ge @!p0 [sflag:s0], s1  }
0x4cc: {  	s1 =	ssub.s32 @!p0 $0x0, s1;
	[sflag:s0] =	ssyncset.done @!p0 $0x0  }
0x4cd: {  	[sflag:s0] =	ssyncadd.s32 @!p0 s1  }
0x4ce: {  	[bflag:$0x3] =	sbarrier.arrive $0xFFFF  }
0x4cf: {  	_ =	shalt  }

</sc_bundles>
